<compile_context>
chip_gen: v7x
topology: tpu7x:2x2x1
jax: 0.10.2.dev20260603
libtpu: 0.0.44.dev20260713+nightly
codegen_flags: <defaults>
</compile_context>

<pallas_src>
import functools

import jax
import jax.numpy as jnp
from jax import lax
from jax.experimental import pallas as pl
from jax.experimental.pallas import tpu as pltpu
from jax.experimental.pallas import tpu_sc as plsc

N = 10000
DF = 128
E = 320000
L1S = 128
L2S = 64
OUTS = 16
EPS = 1e-5

CHUNK = 128
NCHUNKS = E // CHUNK
NPAIRS = NCHUNKS // 2
NC = 2
NS = 16
NW = NC * NS
BASEP = NPAIRS // NW
EXTRA = NPAIRS % NW
RPT = N // NS
CW = 16

BR = 2000
GRID = N // BR



def _sc_mesh():
    return plsc.VectorSubcoreMesh(core_axis_name="c", subcore_axis_name="s")


_SC_PARAMS = pltpu.CompilerParams(use_tc_tiling_on_sc=False)


def _agg_body_common(h_hbm, ei_hbm, zf_hbm, agg_s,
                     isrc, idst, rows_a, rows_b, sem_a, sem_b,
                     wid, with_cnt=None):
    ones_v, cnt_s = with_cnt if with_cnt is not None else (None, None)
    pstart = wid * BASEP + jnp.minimum(wid, EXTRA)
    npw = BASEP + jnp.where(wid < EXTRA, 1, 0)

    def stage(pair, slot):
        pltpu.sync_copy(ei_hbm.at[0, pl.ds(2 * pair, 2)], isrc.at[slot])
        pltpu.sync_copy(ei_hbm.at[1, pl.ds(2 * pair, 2)], idst.at[slot])

    def fire(slot, b, rows, sem):
        pltpu.async_copy(h_hbm.at[isrc.at[slot, b]], rows, sem)

    def drain_scatter(slot, b, rows, sem):
        pltpu.make_async_copy(zf_hbm.at[pl.ds(0, CHUNK)], rows, sem).wait()
        pltpu.sync_copy(rows, agg_s.at[idst.at[slot, b]], add=True)
        if ones_v is not None:
            pltpu.sync_copy(ones_v, cnt_s.at[idst.at[slot, b]], add=True)

    stage(pstart, 0)
    fire(0, 0, rows_a, sem_a)
    fire(0, 1, rows_b, sem_b)

    def step(t, carry):
        slot = lax.rem(t, 2)
        nslot = lax.rem(t + 1, 2)

        @pl.when(t < npw - 1)
        def _():
            stage(pstart + t + 1, nslot)

        drain_scatter(slot, 0, rows_a, sem_a)

        @pl.when(t < npw - 1)
        def _():
            fire(nslot, 0, rows_a, sem_a)

        drain_scatter(slot, 1, rows_b, sem_b)

        @pl.when(t < npw - 1)
        def _():
            fire(nslot, 1, rows_b, sem_b)

        return carry

    lax.fori_loop(0, npw, step, 0)


def _sc_agg_with_cnt(h, ei3, zf, zc, ones16):
    f32 = jnp.float32

    @functools.partial(
        pl.kernel,
        mesh=_sc_mesh(),
        out_type=[
            jax.ShapeDtypeStruct((N, DF), f32),
            jax.ShapeDtypeStruct((N, DF), f32),
            jax.ShapeDtypeStruct((N, CW), f32),
            jax.ShapeDtypeStruct((N, CW), f32),
        ],
        scratch_types=[
            pltpu.VMEM_SHARED((N, DF), f32),
            pltpu.VMEM_SHARED((N, CW), f32),
            pltpu.VMEM((2, 2, CHUNK), jnp.int32),
            pltpu.VMEM((2, 2, CHUNK), jnp.int32),
            pltpu.VMEM((CHUNK, DF), f32),
            pltpu.VMEM((CHUNK, DF), f32),
            pltpu.VMEM((CHUNK, CW), f32),
            pltpu.SemaphoreType.DMA,
            pltpu.SemaphoreType.DMA,
        ],
        compiler_params=_SC_PARAMS,
    )
    def k(h_hbm, ei_hbm, zf_hbm, zc_hbm, ones_hbm,
          a0_out, a1_out, c0_out, c1_out,
          agg_s, cnt_s, isrc, idst, rows_a, rows_b, ones_v, sem_a, sem_b):
        cid = lax.axis_index("c")
        sid = lax.axis_index("s")
        wid = sid * NC + cid
        r0 = sid * RPT
        pltpu.sync_copy(zf_hbm.at[pl.ds(r0, RPT)], agg_s.at[pl.ds(r0, RPT)])
        pltpu.sync_copy(zc_hbm.at[pl.ds(r0, RPT)], cnt_s.at[pl.ds(r0, RPT)])
        pltpu.sync_copy(ones_hbm, ones_v)
        plsc.subcore_barrier()
        _agg_body_common(h_hbm, ei_hbm, zf_hbm, agg_s,
                         isrc, idst, rows_a, rows_b, sem_a, sem_b,
                         wid, with_cnt=(ones_v, cnt_s))
        plsc.subcore_barrier()

        @pl.when(cid == 0)
        def _():
            pltpu.sync_copy(agg_s.at[pl.ds(r0, RPT)], a0_out.at[pl.ds(r0, RPT)])
            pltpu.sync_copy(cnt_s.at[pl.ds(r0, RPT)], c0_out.at[pl.ds(r0, RPT)])

        @pl.when(cid == 1)
        def _():
            pltpu.sync_copy(agg_s.at[pl.ds(r0, RPT)], a1_out.at[pl.ds(r0, RPT)])
            pltpu.sync_copy(cnt_s.at[pl.ds(r0, RPT)], c1_out.at[pl.ds(r0, RPT)])

    return k(h, ei3, zf, zc, ones16)


def _sc_agg(h, ei3, zf):
    f32 = jnp.float32

    @functools.partial(
        pl.kernel,
        mesh=_sc_mesh(),
        out_type=[
            jax.ShapeDtypeStruct((N, DF), f32),
            jax.ShapeDtypeStruct((N, DF), f32),
        ],
        scratch_types=[
            pltpu.VMEM_SHARED((N, DF), f32),
            pltpu.VMEM((2, 2, CHUNK), jnp.int32),
            pltpu.VMEM((2, 2, CHUNK), jnp.int32),
            pltpu.VMEM((CHUNK, DF), f32),
            pltpu.VMEM((CHUNK, DF), f32),
            pltpu.SemaphoreType.DMA,
            pltpu.SemaphoreType.DMA,
        ],
        compiler_params=_SC_PARAMS,
    )
    def k(h_hbm, ei_hbm, zf_hbm,
          a0_out, a1_out,
          agg_s, isrc, idst, rows_a, rows_b, sem_a, sem_b):
        cid = lax.axis_index("c")
        sid = lax.axis_index("s")
        wid = sid * NC + cid
        r0 = sid * RPT
        pltpu.sync_copy(zf_hbm.at[pl.ds(r0, RPT)], agg_s.at[pl.ds(r0, RPT)])
        plsc.subcore_barrier()
        _agg_body_common(h_hbm, ei_hbm, zf_hbm, agg_s,
                         isrc, idst, rows_a, rows_b, sem_a, sem_b, wid)
        plsc.subcore_barrier()

        @pl.when(cid == 0)
        def _():
            pltpu.sync_copy(agg_s.at[pl.ds(r0, RPT)], a0_out.at[pl.ds(r0, RPT)])

        @pl.when(cid == 1)
        def _():
            pltpu.sync_copy(agg_s.at[pl.ds(r0, RPT)], a1_out.at[pl.ds(r0, RPT)])

    return k(h, ei3, zf)



def _mm_t(a, w):
    return lax.dot_general(a, w, (((1,), (1,)), ((), ())),
                           preferred_element_type=jnp.float32)


def _bn_apply(x, acc, g, b):
    mean = acc[0:1, :] * (1.0 / N)
    var = acc[1:2, :] * (1.0 / N) - mean * mean
    return (x - mean) * lax.rsqrt(var + EPS) * g + b


def _pre(x, g, b):

    def body(x_ref, g_ref, b_ref, h_ref, acc):
        ph = pl.program_id(0)
        i = pl.program_id(1)

        @pl.when(jnp.logical_and(ph == 0, i == 0))
        def _():
            acc[...] = jnp.zeros_like(acc)

        @pl.when(ph == 0)
        def _():
            xb = x_ref[...]
            acc[0:1, :] += jnp.sum(xb, axis=0, keepdims=True)
            acc[1:2, :] += jnp.sum(xb * xb, axis=0, keepdims=True)

        @pl.when(ph == 1)
        def _():
            h_ref[...] = _bn_apply(x_ref[...], acc, g_ref[...], b_ref[...])

    return pl.pallas_call(
        body,
        grid=(2, GRID),
        in_specs=[
            pl.BlockSpec((BR, DF), lambda p, i: (i, 0)),
            pl.BlockSpec((1, DF), lambda p, i: (0, 0)),
            pl.BlockSpec((1, DF), lambda p, i: (0, 0)),
        ],
        out_specs=pl.BlockSpec((BR, DF), lambda p, i: (i, 0)),
        out_shape=jax.ShapeDtypeStruct((N, DF), jnp.float32),
        scratch_shapes=[pltpu.VMEM((2, DF), jnp.float32)],
    )(x, g, b)


def _rmm(h, w):

    def body(h_ref, w_ref, r_ref):
        r_ref[...] = _mm_t(h_ref[...], w_ref[...])

    return pl.pallas_call(
        body,
        grid=(GRID,),
        in_specs=[
            pl.BlockSpec((BR, DF), lambda i: (i, 0)),
            pl.BlockSpec((DF, DF), lambda i: (0, 0)),
        ],
        out_specs=pl.BlockSpec((BR, DF), lambda i: (i, 0)),
        out_shape=jax.ShapeDtypeStruct((N, DF), jnp.float32),
    )(h, w)


def _combine_block(a0_ref, a1_ref, c0_ref, c1_ref, r_ref, w_ref, bl_ref):
    cnt = c0_ref[:, 0:1] + c1_ref[:, 0:1]
    inv = 1.0 / jnp.maximum(cnt, 1.0)
    m = (a0_ref[...] + a1_ref[...]) * inv
    z = _mm_t(m, w_ref[...]) + bl_ref[...] + r_ref[...]
    return jnp.maximum(z, 0.0)


_MID_SPECS = [
    pl.BlockSpec((BR, DF), lambda p, i: (i, 0)),
    pl.BlockSpec((BR, DF), lambda p, i: (i, 0)),
    pl.BlockSpec((BR, CW), lambda p, i: (i, 0)),
    pl.BlockSpec((BR, CW), lambda p, i: (i, 0)),
    pl.BlockSpec((BR, DF), lambda p, i: (i, 0)),
    pl.BlockSpec((DF, DF), lambda p, i: (0, 0)),
    pl.BlockSpec((1, DF), lambda p, i: (0, 0)),
    pl.BlockSpec((1, DF), lambda p, i: (0, 0)),
    pl.BlockSpec((1, DF), lambda p, i: (0, 0)),
]


def _mid(a0, a1, c0, c1, r, wl, bl, g, b):

    def body(a0_ref, a1_ref, c0_ref, c1_ref, r_ref, w_ref, bl_ref,
             g_ref, b_ref, o_ref, hbuf, acc):
        ph = pl.program_id(0)
        i = pl.program_id(1)

        @pl.when(jnp.logical_and(ph == 0, i == 0))
        def _():
            acc[...] = jnp.zeros_like(acc)

        @pl.when(ph == 0)
        def _():
            h = _combine_block(a0_ref, a1_ref, c0_ref, c1_ref, r_ref,
                               w_ref, bl_ref)
            hbuf[pl.ds(i * BR, BR), :] = h
            acc[0:1, :] += jnp.sum(h, axis=0, keepdims=True)
            acc[1:2, :] += jnp.sum(h * h, axis=0, keepdims=True)

        @pl.when(ph == 1)
        def _():
            o_ref[...] = _bn_apply(hbuf[pl.ds(i * BR, BR), :], acc,
                                   g_ref[...], b_ref[...])

    return pl.pallas_call(
        body,
        grid=(2, GRID),
        in_specs=_MID_SPECS,
        out_specs=pl.BlockSpec((BR, DF), lambda p, i: (i, 0)),
        out_shape=jax.ShapeDtypeStruct((N, DF), jnp.float32),
        scratch_shapes=[pltpu.VMEM((N, DF), jnp.float32),
                        pltpu.VMEM((2, DF), jnp.float32)],
    )(a0, a1, c0, c1, r, wl, bl, g, b)


def _post(a0, a1, c0, c1, r, wl, bl, g, b, w1, b1, w2, b2, wo, bo):

    def body(a0_ref, a1_ref, c0_ref, c1_ref, r_ref, w_ref, bl_ref,
             g_ref, b_ref, w1_ref, b1_ref, w2_ref, b2_ref, wo_ref, bo_ref,
             o_ref, hbuf, acc):
        ph = pl.program_id(0)
        i = pl.program_id(1)

        @pl.when(jnp.logical_and(ph == 0, i == 0))
        def _():
            acc[...] = jnp.zeros_like(acc)

        @pl.when(ph == 0)
        def _():
            h = _combine_block(a0_ref, a1_ref, c0_ref, c1_ref, r_ref,
                               w_ref, bl_ref)
            hbuf[pl.ds(i * BR, BR), :] = h
            acc[0:1, :] += jnp.sum(h, axis=0, keepdims=True)
            acc[1:2, :] += jnp.sum(h * h, axis=0, keepdims=True)

        @pl.when(ph == 1)
        def _():
            hb = _bn_apply(hbuf[pl.ds(i * BR, BR), :], acc,
                           g_ref[...], b_ref[...])
            z1 = jnp.maximum(_mm_t(hb, w1_ref[...]) + b1_ref[...], 0.0)
            z2 = jnp.maximum(_mm_t(z1, w2_ref[...]) + b2_ref[...], 0.0)
            o = _mm_t(z2, wo_ref[...]) + bo_ref[...]
            mx = jnp.max(o, axis=1, keepdims=True)
            e = jnp.exp(o - mx)
            o_ref[...] = e / jnp.sum(e, axis=1, keepdims=True)

    return pl.pallas_call(
        body,
        grid=(2, GRID),
        in_specs=_MID_SPECS + [
            pl.BlockSpec((L1S, DF), lambda p, i: (0, 0)),
            pl.BlockSpec((1, L1S), lambda p, i: (0, 0)),
            pl.BlockSpec((L2S, L1S), lambda p, i: (0, 0)),
            pl.BlockSpec((1, L2S), lambda p, i: (0, 0)),
            pl.BlockSpec((OUTS, L2S), lambda p, i: (0, 0)),
            pl.BlockSpec((1, OUTS), lambda p, i: (0, 0)),
        ],
        out_specs=pl.BlockSpec((BR, OUTS), lambda p, i: (i, 0)),
        out_shape=jax.ShapeDtypeStruct((N, OUTS), jnp.float32),
        scratch_shapes=[pltpu.VMEM((N, DF), jnp.float32),
                        pltpu.VMEM((2, DF), jnp.float32)],
    )(a0, a1, c0, c1, r, wl, bl, g, b, w1, b1, w2, b2, wo, bo)



def kernel(x, edge_index, batch, gamma1, beta1, gamma2, beta2,
           Wl1, bl1, Wr1, Wl2, bl2, Wr2, W1, b1, W2, b2, Wo, bo):
    f32 = jnp.float32
    ei3 = edge_index.reshape(2, NCHUNKS, CHUNK)
    zf = jnp.zeros((N, DF), f32)
    zc = jnp.zeros((N, CW), f32)
    ones16 = jnp.ones((CHUNK, CW), f32)
    g1 = gamma1.reshape(1, DF)
    be1 = beta1.reshape(1, DF)
    g2 = gamma2.reshape(1, DF)
    be2 = beta2.reshape(1, DF)
    bl1r = bl1.reshape(1, DF)
    bl2r = bl2.reshape(1, DF)
    b1r = b1.reshape(1, L1S)
    b2r = b2.reshape(1, L2S)
    bor = bo.reshape(1, OUTS)

    h0 = _pre(x, g1, be1)
    a0, a1, c0, c1 = _sc_agg_with_cnt(h0, ei3, zf, zc, ones16)
    r0 = _rmm(h0, Wr1)
    h1b = _mid(a0, a1, c0, c1, r0, Wl1, bl1r, g2, be2)
    a0b, a1b = _sc_agg(h1b, ei3, zf)
    r1 = _rmm(h1b, Wr2)
    return _post(a0b, a1b, c0, c1, r1, Wl2, bl2r, g2, be2,
                 W1, b1r, W2, b2r, Wo, bor)

# --- scband reference (transcript-rebuilt; emitter-appended) ---
"""Pipeline reference for scband-graph-sage-44409961841194 (READ-ONLY COPY).

The authoritative reference and input builder live on the scoring server;
editing this copy changes nothing except your own understanding.
"""

import jax, jax.numpy as jnp
import numpy as np

N = 10000
E = 320000
DF = 128
CS = 128
L1S = 128
L2S = 64
OUTS = 16
EPS = 1e-5


def _bn(x, g, b):
    m = jnp.mean(x, axis=0)
    v = jnp.var(x, axis=0)
    return (x - m) / jnp.sqrt(v + EPS) * g + b


def _sage(x, edge_index, Wl, bl, Wr):
    src = edge_index[0]
    dst = edge_index[1]
    msgs = x[src]
    agg = jax.ops.segment_sum(msgs, dst, num_segments=N)
    cnt = jax.ops.segment_sum(jnp.ones((E,), dtype=x.dtype), dst, num_segments=N)
    agg = agg / jnp.maximum(cnt, 1.0)[:, None]
    return agg @ Wl.T + bl + x @ Wr.T


def setup_inputs(seed: int = 0) -> dict:
    key = jax.random.key(seed)
    ks = jax.random.split(key, 16)
    inp = {}
    inp["x"] = jax.random.normal(ks[0], (N, DF), dtype=jnp.float32)
    inp["edge_index"] = jax.random.randint(ks[1], (2, E), 0, N, dtype=jnp.int32)
    inp["batch"] = jnp.zeros((N,), dtype=jnp.int32)
    inp["gamma1"] = jnp.ones((DF,), dtype=jnp.float32)
    inp["beta1"] = jnp.zeros((DF,), dtype=jnp.float32)
    inp["gamma2"] = jnp.ones((CS,), dtype=jnp.float32)
    inp["beta2"] = jnp.zeros((CS,), dtype=jnp.float32)
    inp["Wl1"] = jax.random.normal(ks[2], (CS, DF), dtype=jnp.float32) * 0.05
    inp["bl1"] = jnp.zeros((CS,), dtype=jnp.float32)
    inp["Wr1"] = jax.random.normal(ks[3], (CS, DF), dtype=jnp.float32) * 0.05
    inp["Wl2"] = jax.random.normal(ks[4], (CS, CS), dtype=jnp.float32) * 0.05
    inp["bl2"] = jnp.zeros((CS,), dtype=jnp.float32)
    inp["Wr2"] = jax.random.normal(ks[5], (CS, CS), dtype=jnp.float32) * 0.05
    inp["W1"] = jax.random.normal(ks[6], (L1S, CS), dtype=jnp.float32) * 0.05
    inp["b1"] = jnp.zeros((L1S,), dtype=jnp.float32)
    inp["W2"] = jax.random.normal(ks[7], (L2S, L1S), dtype=jnp.float32) * 0.05
    inp["b2"] = jnp.zeros((L2S,), dtype=jnp.float32)
    inp["Wo"] = jax.random.normal(ks[8], (OUTS, L2S), dtype=jnp.float32) * 0.05
    inp["bo"] = jnp.zeros((OUTS,), dtype=jnp.float32)
    return inp


def reference(x, edge_index, batch, gamma1, beta1, gamma2, beta2, Wl1, bl1, Wr1, Wl2, bl2, Wr2, W1, b1, W2, b2, Wo, bo):
    h = _bn(x, gamma1, beta1)
    h = jax.nn.relu(_sage(h, edge_index, Wl1, bl1, Wr1))
    h = _bn(h, gamma2, beta2)
    h = jax.nn.relu(_sage(h, edge_index, Wl2, bl2, Wr2))
    h = _bn(h, gamma2, beta2)
    h = jax.nn.relu(h @ W1.T + b1)
    h = jax.nn.relu(h @ W2.T + b2)
    h = h @ Wo.T + bo
    return jax.nn.softmax(h, axis=1)

if __name__ == "__main__":
    import jax
    _d = setup_inputs()
    print(jax.jit(kernel)(*tuple(_d.values())))

</pallas_src>

<mosaic_0001>
#map = affine_map<(d0, d1) -> (0, 0)>
#map1 = affine_map<(d0, d1) -> (0, 0, 0)>
module attributes {stable_mosaic.version = 14 : i64} {
  func.func @k(%arg0: i32, %arg1: i32, %arg2: memref<10000x128xf32, #tpu.memory_space<hbm>>, %arg3: memref<2x2500x128xi32, #tpu.memory_space<hbm>>, %arg4: memref<10000x128xf32, #tpu.memory_space<hbm>>, %arg5: memref<10000x16xf32, #tpu.memory_space<hbm>>, %arg6: memref<128x16xf32, #tpu.memory_space<hbm>>, %arg7: memref<10000x128xf32, #tpu.memory_space<hbm>>, %arg8: memref<10000x128xf32, #tpu.memory_space<hbm>>, %arg9: memref<10000x16xf32, #tpu.memory_space<hbm>>, %arg10: memref<10000x16xf32, #tpu.memory_space<hbm>>, %arg11: memref<10000x128xf32, #tpu.memory_space<vmem_shared>>, %arg12: memref<10000x16xf32, #tpu.memory_space<vmem_shared>>, %arg13: memref<2x2x128xi32, #tpu.memory_space<vmem>>, %arg14: memref<2x2x128xi32, #tpu.memory_space<vmem>>, %arg15: memref<128x128xf32, #tpu.memory_space<vmem>>, %arg16: memref<128x128xf32, #tpu.memory_space<vmem>>, %arg17: memref<128x16xf32, #tpu.memory_space<vmem>>, %arg18: memref<!tpu.dma_semaphore, #tpu.memory_space<semaphore_mem>>, %arg19: memref<!tpu.dma_semaphore, #tpu.memory_space<semaphore_mem>>) attributes {dimension_semantics = [#tpu.dimension_semantics<core_parallel>, #tpu.dimension_semantics<subcore_parallel>], iteration_bounds = array<i64: 2, 16>, scalar_prefetch = 0 : i64, scratch_operands = 9 : i64, tpu.core_type = #tpu.core_type<sc_vector_subcore>, window_params = [{transform_indices = #map}, {transform_indices = #map1}, {transform_indices = #map}, {transform_indices = #map}, {transform_indices = #map}, {transform_indices = #map}, {transform_indices = #map}, {transform_indices = #map}, {transform_indices = #map}]} {
    %mul3A = arith.constant 2 : i32
    %mul3A_0 = arith.muli %arg1, %mul3A : i32
    %add3A = arith.addi %mul3A_0, %arg0 : i32
    %mul3A_1 = arith.constant 625 : i32
    %mul3A_2 = arith.muli %arg1, %mul3A_1 : i32
    "tpu.region"() ({
      %run_scoped3A_50 = tpu.sem_alloc : memref<!tpu.dma_semaphore, #tpu.memory_space<semaphore_mem>>
      %dma_start3A_51 = arith.constant 0 : i32
      %dma_start3A_52 = tpu.memref_slice %arg11[%mul3A_2, %dma_start3A_51] : memref<10000x128xf32, #tpu.memory_space<vmem_shared>> -> memref<625x128xf32, #tpu.memory_space<vmem_shared>>
      %dma_start3A_53 = arith.constant 0 : i32
      %dma_start3A_54 = tpu.memref_slice %arg4[%mul3A_2, %dma_start3A_53] : memref<10000x128xf32, #tpu.memory_space<hbm>> -> memref<625x128xf32, #tpu.memory_space<hbm>>
      tpu.enqueue_dma source(%dma_start3A_54 : memref<625x128xf32, #tpu.memory_space<hbm>>) target(%dma_start3A_52 : memref<625x128xf32, #tpu.memory_space<vmem_shared>>) target_semaphore(%run_scoped3A_50 : memref<!tpu.dma_semaphore, #tpu.memory_space<semaphore_mem>>)
      %dma_wait3A = arith.constant 0 : i32
      %dma_wait3A_55 = tpu.memref_slice %arg11[%mul3A_2, %dma_wait3A] : memref<10000x128xf32, #tpu.memory_space<vmem_shared>> -> memref<625x128xf32, #tpu.memory_space<vmem_shared>>
      %dma_wait3A_56 = arith.constant 0 : i32
      %dma_wait3A_57 = tpu.memref_slice %arg4[%mul3A_2, %dma_wait3A_56] : memref<10000x128xf32, #tpu.memory_space<hbm>> -> memref<625x128xf32, #tpu.memory_space<hbm>>
      tpu.wait_dma2 semaphore(%run_scoped3A_50 : memref<!tpu.dma_semaphore, #tpu.memory_space<semaphore_mem>>) src(%dma_wait3A_57 : memref<625x128xf32, #tpu.memory_space<hbm>>) dst(%dma_wait3A_55 : memref<625x128xf32, #tpu.memory_space<vmem_shared>>)
      tpu.yield
    }) : () -> ()
    "tpu.region"() ({
      %run_scoped3A_50 = tpu.sem_alloc : memref<!tpu.dma_semaphore, #tpu.memory_space<semaphore_mem>>
      %dma_start3A_51 = arith.constant 0 : i32
      %dma_start3A_52 = tpu.memref_slice %arg12[%mul3A_2, %dma_start3A_51] : memref<10000x16xf32, #tpu.memory_space<vmem_shared>> -> memref<625x16xf32, #tpu.memory_space<vmem_shared>>
      %dma_start3A_53 = arith.constant 0 : i32
      %dma_start3A_54 = tpu.memref_slice %arg5[%mul3A_2, %dma_start3A_53] : memref<10000x16xf32, #tpu.memory_space<hbm>> -> memref<625x16xf32, #tpu.memory_space<hbm>>
      tpu.enqueue_dma source(%dma_start3A_54 : memref<625x16xf32, #tpu.memory_space<hbm>>) target(%dma_start3A_52 : memref<625x16xf32, #tpu.memory_space<vmem_shared>>) target_semaphore(%run_scoped3A_50 : memref<!tpu.dma_semaphore, #tpu.memory_space<semaphore_mem>>)
      %dma_wait3A = arith.constant 0 : i32
      %dma_wait3A_55 = tpu.memref_slice %arg12[%mul3A_2, %dma_wait3A] : memref<10000x16xf32, #tpu.memory_space<vmem_shared>> -> memref<625x16xf32, #tpu.memory_space<vmem_shared>>
      %dma_wait3A_56 = arith.constant 0 : i32
      %dma_wait3A_57 = tpu.memref_slice %arg5[%mul3A_2, %dma_wait3A_56] : memref<10000x16xf32, #tpu.memory_space<hbm>> -> memref<625x16xf32, #tpu.memory_space<hbm>>
      tpu.wait_dma2 semaphore(%run_scoped3A_50 : memref<!tpu.dma_semaphore, #tpu.memory_space<semaphore_mem>>) src(%dma_wait3A_57 : memref<625x16xf32, #tpu.memory_space<hbm>>) dst(%dma_wait3A_55 : memref<625x16xf32, #tpu.memory_space<vmem_shared>>)
      tpu.yield
    }) : () -> ()
    "tpu.region"() ({
      %run_scoped3A_50 = tpu.sem_alloc : memref<!tpu.dma_semaphore, #tpu.memory_space<semaphore_mem>>
      tpu.enqueue_dma source(%arg6 : memref<128x16xf32, #tpu.memory_space<hbm>>) target(%arg17 : memref<128x16xf32, #tpu.memory_space<vmem>>) target_semaphore(%run_scoped3A_50 : memref<!tpu.dma_semaphore, #tpu.memory_space<semaphore_mem>>)
      tpu.wait_dma2 semaphore(%run_scoped3A_50 : memref<!tpu.dma_semaphore, #tpu.memory_space<semaphore_mem>>) src(%arg6 : memref<128x16xf32, #tpu.memory_space<hbm>>) dst(%arg17 : memref<128x16xf32, #tpu.memory_space<vmem>>)
      tpu.yield
    }) : () -> ()
    %barrier3A = arith.constant 0 : index
    tpu.barrier barrier_id(%barrier3A)
    %mul3A_3 = arith.constant 39 : i32
    %mul3A_4 = arith.muli %add3A, %mul3A_3 : i32
    %min3A = arith.constant 2 : i32
    %min3A_5 = arith.minsi %add3A, %min3A : i32
    %add3A_6 = arith.addi %mul3A_4, %min3A_5 : i32
    %lt3A = arith.constant 2 : i32
    %lt3A_7 = arith.cmpi slt, %add3A, %lt3A : i32
    %jit3A = arith.constant 1 : i32
    %jit3A_8 = arith.constant 0 : i32
    %select_n3A = arith.select %lt3A_7, %jit3A, %jit3A_8 : i32
    %add3A_9 = arith.constant 39 : i32
    %add3A_10 = arith.addi %add3A_9, %select_n3A : i32
    %mul3A_11 = arith.constant 2 : i32
    %mul3A_12 = arith.muli %mul3A_11, %add3A_6 : i32
    %run_scoped3A = arith.constant 0 : i32
    %run_scoped3A_13 = arith.constant 0 : i32
    "tpu.region"() ({
      %run_scoped3A_50 = tpu.sem_alloc : memref<!tpu.dma_semaphore, #tpu.memory_space<semaphore_mem>>
      %dma_start3A_51 = arith.constant 0 : i32
      %dma_start3A_52 = arith.constant 0 : i32
      %dma_start3A_53 = tpu.memref_slice %arg13[%run_scoped3A_13, %dma_start3A_51, %dma_start3A_52] : memref<2x2x128xi32, #tpu.memory_space<vmem>> -> memref<1x2x128xi32, #tpu.memory_space<vmem>>
      %dma_start3A_54 = tpu.memref_squeeze %dma_start3A_53 : memref<1x2x128xi32, #tpu.memory_space<vmem>> -> memref<2x128xi32, #tpu.memory_space<vmem>>
      %dma_start3A_55 = arith.constant 0 : i32
      %dma_start3A_56 = tpu.memref_slice %arg3[%run_scoped3A, %mul3A_12, %dma_start3A_55] : memref<2x2500x128xi32, #tpu.memory_space<hbm>> -> memref<1x2x128xi32, #tpu.memory_space<hbm>>
      %dma_start3A_57 = tpu.memref_squeeze %dma_start3A_56 : memref<1x2x128xi32, #tpu.memory_space<hbm>> -> memref<2x128xi32, #tpu.memory_space<hbm>>
      %dma_start3A_58 = arith.constant 0 : i32
      %dma_start3A_59 = arith.constant 0 : i32
      %dma_start3A_60 = tpu.memref_slice %arg13[%run_scoped3A_13, %dma_start3A_58, %dma_start3A_59] : memref<2x2x128xi32, #tpu.memory_space<vmem>> -> memref<1x2x128xi32, #tpu.memory_space<vmem>>
      %dma_start3A_61 = tpu.memref_squeeze %dma_start3A_60 : memref<1x2x128xi32, #tpu.memory_space<vmem>> -> memref<2x128xi32, #tpu.memory_space<vmem>>
      %dma_start3A_62 = arith.constant 0 : i32
      %dma_start3A_63 = tpu.memref_slice %arg3[%run_scoped3A, %mul3A_12, %dma_start3A_62] : memref<2x2500x128xi32, #tpu.memory_space<hbm>> -> memref<1x2x128xi32, #tpu.memory_space<hbm>>
      %dma_start3A_64 = tpu.memref_squeeze %dma_start3A_63 : memref<1x2x128xi32, #tpu.memory_space<hbm>> -> memref<2x128xi32, #tpu.memory_space<hbm>>
      tpu.enqueue_dma source(%dma_start3A_64 : memref<2x128xi32, #tpu.memory_space<hbm>>) target(%dma_start3A_61 : memref<2x128xi32, #tpu.memory_space<vmem>>) target_semaphore(%run_scoped3A_50 : memref<!tpu.dma_semaphore, #tpu.memory_space<semaphore_mem>>)
      %dma_wait3A = arith.constant 0 : i32
      %dma_wait3A_65 = arith.constant 0 : i32
      %dma_wait3A_66 = tpu.memref_slice %arg13[%run_scoped3A_13, %dma_wait3A, %dma_wait3A_65] : memref<2x2x128xi32, #tpu.memory_space<vmem>> -> memref<1x2x128xi32, #tpu.memory_space<vmem>>
      %dma_wait3A_67 = tpu.memref_squeeze %dma_wait3A_66 : memref<1x2x128xi32, #tpu.memory_space<vmem>> -> memref<2x128xi32, #tpu.memory_space<vmem>>
      %dma_wait3A_68 = arith.constant 0 : i32
      %dma_wait3A_69 = tpu.memref_slice %arg3[%run_scoped3A, %mul3A_12, %dma_wait3A_68] : memref<2x2500x128xi32, #tpu.memory_space<hbm>> -> memref<1x2x128xi32, #tpu.memory_space<hbm>>
      %dma_wait3A_70 = tpu.memref_squeeze %dma_wait3A_69 : memref<1x2x128xi32, #tpu.memory_space<hbm>> -> memref<2x128xi32, #tpu.memory_space<hbm>>
      %dma_wait3A_71 = arith.constant 0 : i32
      %dma_wait3A_72 = arith.constant 0 : i32
      %dma_wait3A_73 = tpu.memref_slice %arg13[%run_scoped3A_13, %dma_wait3A_71, %dma_wait3A_72] : memref<2x2x128xi32, #tpu.memory_space<vmem>> -> memref<1x2x128xi32, #tpu.memory_space<vmem>>
      %dma_wait3A_74 = tpu.memref_squeeze %dma_wait3A_73 : memref<1x2x128xi32, #tpu.memory_space<vmem>> -> memref<2x128xi32, #tpu.memory_space<vmem>>
      %dma_wait3A_75 = arith.constant 0 : i32
      %dma_wait3A_76 = tpu.memref_slice %arg3[%run_scoped3A, %mul3A_12, %dma_wait3A_75] : memref<2x2500x128xi32, #tpu.memory_space<hbm>> -> memref<1x2x128xi32, #tpu.memory_space<hbm>>
      %dma_wait3A_77 = tpu.memref_squeeze %dma_wait3A_76 : memref<1x2x128xi32, #tpu.memory_space<hbm>> -> memref<2x128xi32, #tpu.memory_space<hbm>>
      tpu.wait_dma2 semaphore(%run_scoped3A_50 : memref<!tpu.dma_semaphore, #tpu.memory_space<semaphore_mem>>) src(%dma_wait3A_77 : memref<2x128xi32, #tpu.memory_space<hbm>>) dst(%dma_wait3A_74 : memref<2x128xi32, #tpu.memory_space<vmem>>)
      tpu.yield
    }) : () -> ()
    %mul3A_14 = arith.constant 2 : i32
    %mul3A_15 = arith.muli %mul3A_14, %add3A_6 : i32
    %run_scoped3A_16 = arith.constant 1 : i32
    %run_scoped3A_17 = arith.constant 0 : i32
    "tpu.region"() ({
      %run_scoped3A_50 = tpu.sem_alloc : memref<!tpu.dma_semaphore, #tpu.memory_space<semaphore_mem>>
      %dma_start3A_51 = arith.constant 0 : i32
      %dma_start3A_52 = arith.constant 0 : i32
      %dma_start3A_53 = tpu.memref_slice %arg14[%run_scoped3A_17, %dma_start3A_51, %dma_start3A_52] : memref<2x2x128xi32, #tpu.memory_space<vmem>> -> memref<1x2x128xi32, #tpu.memory_space<vmem>>
      %dma_start3A_54 = tpu.memref_squeeze %dma_start3A_53 : memref<1x2x128xi32, #tpu.memory_space<vmem>> -> memref<2x128xi32, #tpu.memory_space<vmem>>
      %dma_start3A_55 = arith.constant 0 : i32
      %dma_start3A_56 = tpu.memref_slice %arg3[%run_scoped3A_16, %mul3A_15, %dma_start3A_55] : memref<2x2500x128xi32, #tpu.memory_space<hbm>> -> memref<1x2x128xi32, #tpu.memory_space<hbm>>
      %dma_start3A_57 = tpu.memref_squeeze %dma_start3A_56 : memref<1x2x128xi32, #tpu.memory_space<hbm>> -> memref<2x128xi32, #tpu.memory_space<hbm>>
      %dma_start3A_58 = arith.constant 0 : i32
      %dma_start3A_59 = arith.constant 0 : i32
      %dma_start3A_60 = tpu.memref_slice %arg14[%run_scoped3A_17, %dma_start3A_58, %dma_start3A_59] : memref<2x2x128xi32, #tpu.memory_space<vmem>> -> memref<1x2x128xi32, #tpu.memory_space<vmem>>
      %dma_start3A_61 = tpu.memref_squeeze %dma_start3A_60 : memref<1x2x128xi32, #tpu.memory_space<vmem>> -> memref<2x128xi32, #tpu.memory_space<vmem>>
      %dma_start3A_62 = arith.constant 0 : i32
      %dma_start3A_63 = tpu.memref_slice %arg3[%run_scoped3A_16, %mul3A_15, %dma_start3A_62] : memref<2x2500x128xi32, #tpu.memory_space<hbm>> -> memref<1x2x128xi32, #tpu.memory_space<hbm>>
      %dma_start3A_64 = tpu.memref_squeeze %dma_start3A_63 : memref<1x2x128xi32, #tpu.memory_space<hbm>> -> memref<2x128xi32, #tpu.memory_space<hbm>>
      tpu.enqueue_dma source(%dma_start3A_64 : memref<2x128xi32, #tpu.memory_space<hbm>>) target(%dma_start3A_61 : memref<2x128xi32, #tpu.memory_space<vmem>>) target_semaphore(%run_scoped3A_50 : memref<!tpu.dma_semaphore, #tpu.memory_space<semaphore_mem>>)
      %dma_wait3A = arith.constant 0 : i32
      %dma_wait3A_65 = arith.constant 0 : i32
      %dma_wait3A_66 = tpu.memref_slice %arg14[%run_scoped3A_17, %dma_wait3A, %dma_wait3A_65] : memref<2x2x128xi32, #tpu.memory_space<vmem>> -> memref<1x2x128xi32, #tpu.memory_space<vmem>>
      %dma_wait3A_67 = tpu.memref_squeeze %dma_wait3A_66 : memref<1x2x128xi32, #tpu.memory_space<vmem>> -> memref<2x128xi32, #tpu.memory_space<vmem>>
      %dma_wait3A_68 = arith.constant 0 : i32
      %dma_wait3A_69 = tpu.memref_slice %arg3[%run_scoped3A_16, %mul3A_15, %dma_wait3A_68] : memref<2x2500x128xi32, #tpu.memory_space<hbm>> -> memref<1x2x128xi32, #tpu.memory_space<hbm>>
      %dma_wait3A_70 = tpu.memref_squeeze %dma_wait3A_69 : memref<1x2x128xi32, #tpu.memory_space<hbm>> -> memref<2x128xi32, #tpu.memory_space<hbm>>
      %dma_wait3A_71 = arith.constant 0 : i32
      %dma_wait3A_72 = arith.constant 0 : i32
      %dma_wait3A_73 = tpu.memref_slice %arg14[%run_scoped3A_17, %dma_wait3A_71, %dma_wait3A_72] : memref<2x2x128xi32, #tpu.memory_space<vmem>> -> memref<1x2x128xi32, #tpu.memory_space<vmem>>
      %dma_wait3A_74 = tpu.memref_squeeze %dma_wait3A_73 : memref<1x2x128xi32, #tpu.memory_space<vmem>> -> memref<2x128xi32, #tpu.memory_space<vmem>>
      %dma_wait3A_75 = arith.constant 0 : i32
      %dma_wait3A_76 = tpu.memref_slice %arg3[%run_scoped3A_16, %mul3A_15, %dma_wait3A_75] : memref<2x2500x128xi32, #tpu.memory_space<hbm>> -> memref<1x2x128xi32, #tpu.memory_space<hbm>>
      %dma_wait3A_77 = tpu.memref_squeeze %dma_wait3A_76 : memref<1x2x128xi32, #tpu.memory_space<hbm>> -> memref<2x128xi32, #tpu.memory_space<hbm>>
      tpu.wait_dma2 semaphore(%run_scoped3A_50 : memref<!tpu.dma_semaphore, #tpu.memory_space<semaphore_mem>>) src(%dma_wait3A_77 : memref<2x128xi32, #tpu.memory_space<hbm>>) dst(%dma_wait3A_74 : memref<2x128xi32, #tpu.memory_space<vmem>>)
      tpu.yield
    }) : () -> ()
    %dma_start3A = arith.constant 0 : i32
    %dma_start3A_18 = arith.constant 0 : i32
    %dma_start3A_19 = arith.constant 0 : i32
    %dma_start3A_20 = tpu.memref_slice %arg13[%dma_start3A, %dma_start3A_18, %dma_start3A_19] : memref<2x2x128xi32, #tpu.memory_space<vmem>> -> memref<1x1x128xi32, #tpu.memory_space<vmem>>
    %dma_start3A_21 = tpu.memref_squeeze %dma_start3A_20 : memref<1x1x128xi32, #tpu.memory_space<vmem>> -> memref<128xi32, #tpu.memory_space<vmem>>
    %dma_start3A_22 = arith.constant 0 : i32
    %dma_start3A_23 = arith.constant 0 : i32
    %dma_start3A_24 = tpu.memref_slice %arg2[%dma_start3A_22, %dma_start3A_23] : memref<10000x128xf32, #tpu.memory_space<hbm>> -> memref<10000x128xf32, #tpu.memory_space<hbm>>
    tpu.enqueue_indirect_dma source(%dma_start3A_24 : memref<10000x128xf32, #tpu.memory_space<hbm>>) target(%arg15 : memref<128x128xf32, #tpu.memory_space<vmem>>) offsets(%dma_start3A_21 : memref<128xi32, #tpu.memory_space<vmem>>) semaphore(%arg18 : memref<!tpu.dma_semaphore, #tpu.memory_space<semaphore_mem>>)
    %dma_start3A_25 = arith.constant 0 : i32
    %dma_start3A_26 = arith.constant 1 : i32
    %dma_start3A_27 = arith.constant 0 : i32
    %dma_start3A_28 = tpu.memref_slice %arg13[%dma_start3A_25, %dma_start3A_26, %dma_start3A_27] : memref<2x2x128xi32, #tpu.memory_space<vmem>> -> memref<1x1x128xi32, #tpu.memory_space<vmem>>
    %dma_start3A_29 = tpu.memref_squeeze %dma_start3A_28 : memref<1x1x128xi32, #tpu.memory_space<vmem>> -> memref<128xi32, #tpu.memory_space<vmem>>
    %dma_start3A_30 = arith.constant 0 : i32
    %dma_start3A_31 = arith.constant 0 : i32
    %dma_start3A_32 = tpu.memref_slice %arg2[%dma_start3A_30, %dma_start3A_31] : memref<10000x128xf32, #tpu.memory_space<hbm>> -> memref<10000x128xf32, #tpu.memory_space<hbm>>
    tpu.enqueue_indirect_dma source(%dma_start3A_32 : memref<10000x128xf32, #tpu.memory_space<hbm>>) target(%arg16 : memref<128x128xf32, #tpu.memory_space<vmem>>) offsets(%dma_start3A_29 : memref<128xi32, #tpu.memory_space<vmem>>) semaphore(%arg19 : memref<!tpu.dma_semaphore, #tpu.memory_space<semaphore_mem>>)
    %while3A = arith.constant 0 : i32
    %while3A_33 = arith.constant 0 : i32
    %while3A_34 = arith.subi %add3A_10, %while3A_33 : i32
    %while3A_35 = arith.addi %while3A_33, %while3A_34 : i32
    %while3A_36 = arith.constant 1 : i32
    %while3A_37 = arith.divsi %while3A_34, %while3A_36 : i32
    %while3A_38 = arith.muli %while3A_37, %while3A_36 : i32
    %while3A_39 = arith.addi %while3A_33, %while3A_38 : i32
    %while3A_40 = arith.constant 1 : i32
    scf.for %while3A_50 = %while3A_33 to %while3A_39 step %while3A_40  : i32 {
      %rem3A = arith.constant 2 : i32
      %rem3A_51 = arith.remsi %while3A_50, %rem3A : i32
      %add3A_52 = arith.constant 1 : i32
      %add3A_53 = arith.addi %while3A_50, %add3A_52 : i32
      %rem3A_54 = arith.constant 2 : i32
      %rem3A_55 = arith.remsi %add3A_53, %rem3A_54 : i32
      %sub3A = arith.constant 1 : i32
      %sub3A_56 = arith.subi %add3A_10, %sub3A : i32
      %lt3A_57 = arith.cmpi slt, %while3A_50, %sub3A_56 : i32
      %convert_element_type3A_58 = arith.extui %lt3A_57 : i1 to i32
      %cond3A_59 = arith.constant 0 : i32
      %cond3A_60 = arith.cmpi ne, %convert_element_type3A_58, %cond3A_59 : i32
      scf.if %cond3A_60 {
        %add3A_88 = arith.addi %add3A_6, %while3A_50 : i32
        %add3A_89 = arith.constant 1 : i32
        %add3A_90 = arith.addi %add3A_88, %add3A_89 : i32
        %mul3A_91 = arith.constant 2 : i32
        %mul3A_92 = arith.muli %mul3A_91, %add3A_90 : i32
        %run_scoped3A_93 = arith.constant 0 : i32
        "tpu.region"() ({
          %run_scoped3A_97 = tpu.sem_alloc : memref<!tpu.dma_semaphore, #tpu.memory_space<semaphore_mem>>
          %dma_start3A_98 = arith.constant 0 : i32
          %dma_start3A_99 = arith.constant 0 : i32
          %dma_start3A_100 = tpu.memref_slice %arg13[%rem3A_55, %dma_start3A_98, %dma_start3A_99] : memref<2x2x128xi32, #tpu.memory_space<vmem>> -> memref<1x2x128xi32, #tpu.memory_space<vmem>>
          %dma_start3A_101 = tpu.memref_squeeze %dma_start3A_100 : memref<1x2x128xi32, #tpu.memory_space<vmem>> -> memref<2x128xi32, #tpu.memory_space<vmem>>
          %dma_start3A_102 = arith.constant 0 : i32
          %dma_start3A_103 = tpu.memref_slice %arg3[%run_scoped3A_93, %mul3A_92, %dma_start3A_102] : memref<2x2500x128xi32, #tpu.memory_space<hbm>> -> memref<1x2x128xi32, #tpu.memory_space<hbm>>
          %dma_start3A_104 = tpu.memref_squeeze %dma_start3A_103 : memref<1x2x128xi32, #tpu.memory_space<hbm>> -> memref<2x128xi32, #tpu.memory_space<hbm>>
          %dma_start3A_105 = arith.constant 0 : i32
          %dma_start3A_106 = arith.constant 0 : i32
          %dma_start3A_107 = tpu.memref_slice %arg13[%rem3A_55, %dma_start3A_105, %dma_start3A_106] : memref<2x2x128xi32, #tpu.memory_space<vmem>> -> memref<1x2x128xi32, #tpu.memory_space<vmem>>
          %dma_start3A_108 = tpu.memref_squeeze %dma_start3A_107 : memref<1x2x128xi32, #tpu.memory_space<vmem>> -> memref<2x128xi32, #tpu.memory_space<vmem>>
          %dma_start3A_109 = arith.constant 0 : i32
          %dma_start3A_110 = tpu.memref_slice %arg3[%run_scoped3A_93, %mul3A_92, %dma_start3A_109] : memref<2x2500x128xi32, #tpu.memory_space<hbm>> -> memref<1x2x128xi32, #tpu.memory_space<hbm>>
          %dma_start3A_111 = tpu.memref_squeeze %dma_start3A_110 : memref<1x2x128xi32, #tpu.memory_space<hbm>> -> memref<2x128xi32, #tpu.memory_space<hbm>>
          tpu.enqueue_dma source(%dma_start3A_111 : memref<2x128xi32, #tpu.memory_space<hbm>>) target(%dma_start3A_108 : memref<2x128xi32, #tpu.memory_space<vmem>>) target_semaphore(%run_scoped3A_97 : memref<!tpu.dma_semaphore, #tpu.memory_space<semaphore_mem>>)
          %dma_wait3A_112 = arith.constant 0 : i32
          %dma_wait3A_113 = arith.constant 0 : i32
          %dma_wait3A_114 = tpu.memref_slice %arg13[%rem3A_55, %dma_wait3A_112, %dma_wait3A_113] : memref<2x2x128xi32, #tpu.memory_space<vmem>> -> memref<1x2x128xi32, #tpu.memory_space<vmem>>
          %dma_wait3A_115 = tpu.memref_squeeze %dma_wait3A_114 : memref<1x2x128xi32, #tpu.memory_space<vmem>> -> memref<2x128xi32, #tpu.memory_space<vmem>>
          %dma_wait3A_116 = arith.constant 0 : i32
          %dma_wait3A_117 = tpu.memref_slice %arg3[%run_scoped3A_93, %mul3A_92, %dma_wait3A_116] : memref<2x2500x128xi32, #tpu.memory_space<hbm>> -> memref<1x2x128xi32, #tpu.memory_space<hbm>>
          %dma_wait3A_118 = tpu.memref_squeeze %dma_wait3A_117 : memref<1x2x128xi32, #tpu.memory_space<hbm>> -> memref<2x128xi32, #tpu.memory_space<hbm>>
          %dma_wait3A_119 = arith.constant 0 : i32
          %dma_wait3A_120 = arith.constant 0 : i32
          %dma_wait3A_121 = tpu.memref_slice %arg13[%rem3A_55, %dma_wait3A_119, %dma_wait3A_120] : memref<2x2x128xi32, #tpu.memory_space<vmem>> -> memref<1x2x128xi32, #tpu.memory_space<vmem>>
          %dma_wait3A_122 = tpu.memref_squeeze %dma_wait3A_121 : memref<1x2x128xi32, #tpu.memory_space<vmem>> -> memref<2x128xi32, #tpu.memory_space<vmem>>
          %dma_wait3A_123 = arith.constant 0 : i32
          %dma_wait3A_124 = tpu.memref_slice %arg3[%run_scoped3A_93, %mul3A_92, %dma_wait3A_123] : memref<2x2500x128xi32, #tpu.memory_space<hbm>> -> memref<1x2x128xi32, #tpu.memory_space<hbm>>
          %dma_wait3A_125 = tpu.memref_squeeze %dma_wait3A_124 : memref<1x2x128xi32, #tpu.memory_space<hbm>> -> memref<2x128xi32, #tpu.memory_space<hbm>>
          tpu.wait_dma2 semaphore(%run_scoped3A_97 : memref<!tpu.dma_semaphore, #tpu.memory_space<semaphore_mem>>) src(%dma_wait3A_125 : memref<2x128xi32, #tpu.memory_space<hbm>>) dst(%dma_wait3A_122 : memref<2x128xi32, #tpu.memory_space<vmem>>)
          tpu.yield
        }) : () -> ()
        %mul3A_94 = arith.constant 2 : i32
        %mul3A_95 = arith.muli %mul3A_94, %add3A_90 : i32
        %run_scoped3A_96 = arith.constant 1 : i32
        "tpu.region"() ({
          %run_scoped3A_97 = tpu.sem_alloc : memref<!tpu.dma_semaphore, #tpu.memory_space<semaphore_mem>>
          %dma_start3A_98 = arith.constant 0 : i32
          %dma_start3A_99 = arith.constant 0 : i32
          %dma_start3A_100 = tpu.memref_slice %arg14[%rem3A_55, %dma_start3A_98, %dma_start3A_99] : memref<2x2x128xi32, #tpu.memory_space<vmem>> -> memref<1x2x128xi32, #tpu.memory_space<vmem>>
          %dma_start3A_101 = tpu.memref_squeeze %dma_start3A_100 : memref<1x2x128xi32, #tpu.memory_space<vmem>> -> memref<2x128xi32, #tpu.memory_space<vmem>>
          %dma_start3A_102 = arith.constant 0 : i32
          %dma_start3A_103 = tpu.memref_slice %arg3[%run_scoped3A_96, %mul3A_95, %dma_start3A_102] : memref<2x2500x128xi32, #tpu.memory_space<hbm>> -> memref<1x2x128xi32, #tpu.memory_space<hbm>>
          %dma_start3A_104 = tpu.memref_squeeze %dma_start3A_103 : memref<1x2x128xi32, #tpu.memory_space<hbm>> -> memref<2x128xi32, #tpu.memory_space<hbm>>
          %dma_start3A_105 = arith.constant 0 : i32
          %dma_start3A_106 = arith.constant 0 : i32
          %dma_start3A_107 = tpu.memref_slice %arg14[%rem3A_55, %dma_start3A_105, %dma_start3A_106] : memref<2x2x128xi32, #tpu.memory_space<vmem>> -> memref<1x2x128xi32, #tpu.memory_space<vmem>>
          %dma_start3A_108 = tpu.memref_squeeze %dma_start3A_107 : memref<1x2x128xi32, #tpu.memory_space<vmem>> -> memref<2x128xi32, #tpu.memory_space<vmem>>
          %dma_start3A_109 = arith.constant 0 : i32
          %dma_start3A_110 = tpu.memref_slice %arg3[%run_scoped3A_96, %mul3A_95, %dma_start3A_109] : memref<2x2500x128xi32, #tpu.memory_space<hbm>> -> memref<1x2x128xi32, #tpu.memory_space<hbm>>
          %dma_start3A_111 = tpu.memref_squeeze %dma_start3A_110 : memref<1x2x128xi32, #tpu.memory_space<hbm>> -> memref<2x128xi32, #tpu.memory_space<hbm>>
          tpu.enqueue_dma source(%dma_start3A_111 : memref<2x128xi32, #tpu.memory_space<hbm>>) target(%dma_start3A_108 : memref<2x128xi32, #tpu.memory_space<vmem>>) target_semaphore(%run_scoped3A_97 : memref<!tpu.dma_semaphore, #tpu.memory_space<semaphore_mem>>)
          %dma_wait3A_112 = arith.constant 0 : i32
          %dma_wait3A_113 = arith.constant 0 : i32
          %dma_wait3A_114 = tpu.memref_slice %arg14[%rem3A_55, %dma_wait3A_112, %dma_wait3A_113] : memref<2x2x128xi32, #tpu.memory_space<vmem>> -> memref<1x2x128xi32, #tpu.memory_space<vmem>>
          %dma_wait3A_115 = tpu.memref_squeeze %dma_wait3A_114 : memref<1x2x128xi32, #tpu.memory_space<vmem>> -> memref<2x128xi32, #tpu.memory_space<vmem>>
          %dma_wait3A_116 = arith.constant 0 : i32
          %dma_wait3A_117 = tpu.memref_slice %arg3[%run_scoped3A_96, %mul3A_95, %dma_wait3A_116] : memref<2x2500x128xi32, #tpu.memory_space<hbm>> -> memref<1x2x128xi32, #tpu.memory_space<hbm>>
          %dma_wait3A_118 = tpu.memref_squeeze %dma_wait3A_117 : memref<1x2x128xi32, #tpu.memory_space<hbm>> -> memref<2x128xi32, #tpu.memory_space<hbm>>
          %dma_wait3A_119 = arith.constant 0 : i32
          %dma_wait3A_120 = arith.constant 0 : i32
          %dma_wait3A_121 = tpu.memref_slice %arg14[%rem3A_55, %dma_wait3A_119, %dma_wait3A_120] : memref<2x2x128xi32, #tpu.memory_space<vmem>> -> memref<1x2x128xi32, #tpu.memory_space<vmem>>
          %dma_wait3A_122 = tpu.memref_squeeze %dma_wait3A_121 : memref<1x2x128xi32, #tpu.memory_space<vmem>> -> memref<2x128xi32, #tpu.memory_space<vmem>>
          %dma_wait3A_123 = arith.constant 0 : i32
          %dma_wait3A_124 = tpu.memref_slice %arg3[%run_scoped3A_96, %mul3A_95, %dma_wait3A_123] : memref<2x2500x128xi32, #tpu.memory_space<hbm>> -> memref<1x2x128xi32, #tpu.memory_space<hbm>>
          %dma_wait3A_125 = tpu.memref_squeeze %dma_wait3A_124 : memref<1x2x128xi32, #tpu.memory_space<hbm>> -> memref<2x128xi32, #tpu.memory_space<hbm>>
          tpu.wait_dma2 semaphore(%run_scoped3A_97 : memref<!tpu.dma_semaphore, #tpu.memory_space<semaphore_mem>>) src(%dma_wait3A_125 : memref<2x128xi32, #tpu.memory_space<hbm>>) dst(%dma_wait3A_122 : memref<2x128xi32, #tpu.memory_space<vmem>>)
          tpu.yield
        }) : () -> ()
      } else {
      }
      %dma_wait3A = arith.constant 0 : i32
      %dma_wait3A_61 = arith.constant 0 : i32
      %dma_wait3A_62 = tpu.memref_slice %arg4[%dma_wait3A, %dma_wait3A_61] : memref<10000x128xf32, #tpu.memory_space<hbm>> -> memref<128x128xf32, #tpu.memory_space<hbm>>
      %dma_wait3A_63 = arith.constant 0 : i32
      %dma_wait3A_64 = arith.constant 0 : i32
      %dma_wait3A_65 = tpu.memref_slice %arg4[%dma_wait3A_63, %dma_wait3A_64] : memref<10000x128xf32, #tpu.memory_space<hbm>> -> memref<128x128xf32, #tpu.memory_space<hbm>>
      tpu.wait_dma2 semaphore(%arg18 : memref<!tpu.dma_semaphore, #tpu.memory_space<semaphore_mem>>) src(%dma_wait3A_65 : memref<128x128xf32, #tpu.memory_space<hbm>>) dst(%arg15 : memref<128x128xf32, #tpu.memory_space<vmem>>)
      %run_scoped3A_66 = arith.constant 0 : i32
      "tpu.region"() ({
        %run_scoped3A_88 = tpu.sem_alloc : memref<!tpu.dma_semaphore, #tpu.memory_space<semaphore_mem>>
        %dma_start3A_89 = arith.constant 0 : i32
        %dma_start3A_90 = tpu.memref_slice %arg14[%rem3A_51, %run_scoped3A_66, %dma_start3A_89] : memref<2x2x128xi32, #tpu.memory_space<vmem>> -> memref<1x1x128xi32, #tpu.memory_space<vmem>>
        %dma_start3A_91 = tpu.memref_squeeze %dma_start3A_90 : memref<1x1x128xi32, #tpu.memory_space<vmem>> -> memref<128xi32, #tpu.memory_space<vmem>>
        %dma_start3A_92 = arith.constant 0 : i32
        %dma_start3A_93 = arith.constant 0 : i32
        %dma_start3A_94 = tpu.memref_slice %arg11[%dma_start3A_92, %dma_start3A_93] : memref<10000x128xf32, #tpu.memory_space<vmem_shared>> -> memref<10000x128xf32, #tpu.memory_space<vmem_shared>>
        tpu.enqueue_indirect_dma source(%arg15 : memref<128x128xf32, #tpu.memory_space<vmem>>) target(%dma_start3A_94 : memref<10000x128xf32, #tpu.memory_space<vmem_shared>>) offsets(%dma_start3A_91 : memref<128xi32, #tpu.memory_space<vmem>>) semaphore(%run_scoped3A_88 : memref<!tpu.dma_semaphore, #tpu.memory_space<semaphore_mem>>) {add = true}
        %dma_wait3A_95 = arith.constant 0 : i32
        %dma_wait3A_96 = tpu.memref_slice %arg14[%rem3A_51, %run_scoped3A_66, %dma_wait3A_95] : memref<2x2x128xi32, #tpu.memory_space<vmem>> -> memref<1x1x128xi32, #tpu.memory_space<vmem>>
        %dma_wait3A_97 = tpu.memref_squeeze %dma_wait3A_96 : memref<1x1x128xi32, #tpu.memory_space<vmem>> -> memref<128xi32, #tpu.memory_space<vmem>>
        %dma_wait3A_98 = arith.constant 0 : i32
        %dma_wait3A_99 = arith.constant 0 : i32
        %dma_wait3A_100 = tpu.memref_slice %arg11[%dma_wait3A_98, %dma_wait3A_99] : memref<10000x128xf32, #tpu.memory_space<vmem_shared>> -> memref<10000x128xf32, #tpu.memory_space<vmem_shared>>
        tpu.wait_indirect_dma semaphore(%run_scoped3A_88 : memref<!tpu.dma_semaphore, #tpu.memory_space<semaphore_mem>>) src(%arg15 : memref<128x128xf32, #tpu.memory_space<vmem>>) dst(%dma_wait3A_100 : memref<10000x128xf32, #tpu.memory_space<vmem_shared>>)
        tpu.yield
      }) : () -> ()
      %run_scoped3A_67 = arith.constant 0 : i32
      "tpu.region"() ({
        %run_scoped3A_88 = tpu.sem_alloc : memref<!tpu.dma_semaphore, #tpu.memory_space<semaphore_mem>>
        %dma_start3A_89 = arith.constant 0 : i32
        %dma_start3A_90 = tpu.memref_slice %arg14[%rem3A_51, %run_scoped3A_67, %dma_start3A_89] : memref<2x2x128xi32, #tpu.memory_space<vmem>> -> memref<1x1x128xi32, #tpu.memory_space<vmem>>
        %dma_start3A_91 = tpu.memref_squeeze %dma_start3A_90 : memref<1x1x128xi32, #tpu.memory_space<vmem>> -> memref<128xi32, #tpu.memory_space<vmem>>
        %dma_start3A_92 = arith.constant 0 : i32
        %dma_start3A_93 = arith.constant 0 : i32
        %dma_start3A_94 = tpu.memref_slice %arg12[%dma_start3A_92, %dma_start3A_93] : memref<10000x16xf32, #tpu.memory_space<vmem_shared>> -> memref<10000x16xf32, #tpu.memory_space<vmem_shared>>
        tpu.enqueue_indirect_dma source(%arg17 : memref<128x16xf32, #tpu.memory_space<vmem>>) target(%dma_start3A_94 : memref<10000x16xf32, #tpu.memory_space<vmem_shared>>) offsets(%dma_start3A_91 : memref<128xi32, #tpu.memory_space<vmem>>) semaphore(%run_scoped3A_88 : memref<!tpu.dma_semaphore, #tpu.memory_space<semaphore_mem>>) {add = true}
        %dma_wait3A_95 = arith.constant 0 : i32
        %dma_wait3A_96 = tpu.memref_slice %arg14[%rem3A_51, %run_scoped3A_67, %dma_wait3A_95] : memref<2x2x128xi32, #tpu.memory_space<vmem>> -> memref<1x1x128xi32, #tpu.memory_space<vmem>>
        %dma_wait3A_97 = tpu.memref_squeeze %dma_wait3A_96 : memref<1x1x128xi32, #tpu.memory_space<vmem>> -> memref<128xi32, #tpu.memory_space<vmem>>
        %dma_wait3A_98 = arith.constant 0 : i32
        %dma_wait3A_99 = arith.constant 0 : i32
        %dma_wait3A_100 = tpu.memref_slice %arg12[%dma_wait3A_98, %dma_wait3A_99] : memref<10000x16xf32, #tpu.memory_space<vmem_shared>> -> memref<10000x16xf32, #tpu.memory_space<vmem_shared>>
        tpu.wait_indirect_dma semaphore(%run_scoped3A_88 : memref<!tpu.dma_semaphore, #tpu.memory_space<semaphore_mem>>) src(%arg17 : memref<128x16xf32, #tpu.memory_space<vmem>>) dst(%dma_wait3A_100 : memref<10000x16xf32, #tpu.memory_space<vmem_shared>>)
        tpu.yield
      }) : () -> ()
      %sub3A_68 = arith.constant 1 : i32
      %sub3A_69 = arith.subi %add3A_10, %sub3A_68 : i32
      %lt3A_70 = arith.cmpi slt, %while3A_50, %sub3A_69 : i32
      %convert_element_type3A_71 = arith.extui %lt3A_70 : i1 to i32
      %cond3A_72 = arith.constant 0 : i32
      %cond3A_73 = arith.cmpi ne, %convert_element_type3A_71, %cond3A_72 : i32
      scf.if %cond3A_73 {
        %dma_start3A_88 = arith.constant 0 : i32
        %dma_start3A_89 = arith.constant 0 : i32
        %dma_start3A_90 = tpu.memref_slice %arg13[%rem3A_55, %dma_start3A_88, %dma_start3A_89] : memref<2x2x128xi32, #tpu.memory_space<vmem>> -> memref<1x1x128xi32, #tpu.memory_space<vmem>>
        %dma_start3A_91 = tpu.memref_squeeze %dma_start3A_90 : memref<1x1x128xi32, #tpu.memory_space<vmem>> -> memref<128xi32, #tpu.memory_space<vmem>>
        %dma_start3A_92 = arith.constant 0 : i32
        %dma_start3A_93 = arith.constant 0 : i32
        %dma_start3A_94 = tpu.memref_slice %arg2[%dma_start3A_92, %dma_start3A_93] : memref<10000x128xf32, #tpu.memory_space<hbm>> -> memref<10000x128xf32, #tpu.memory_space<hbm>>
        tpu.enqueue_indirect_dma source(%dma_start3A_94 : memref<10000x128xf32, #tpu.memory_space<hbm>>) target(%arg15 : memref<128x128xf32, #tpu.memory_space<vmem>>) offsets(%dma_start3A_91 : memref<128xi32, #tpu.memory_space<vmem>>) semaphore(%arg18 : memref<!tpu.dma_semaphore, #tpu.memory_space<semaphore_mem>>)
      } else {
      }
      %dma_wait3A_74 = arith.constant 0 : i32
      %dma_wait3A_75 = arith.constant 0 : i32
      %dma_wait3A_76 = tpu.memref_slice %arg4[%dma_wait3A_74, %dma_wait3A_75] : memref<10000x128xf32, #tpu.memory_space<hbm>> -> memref<128x128xf32, #tpu.memory_space<hbm>>
      %dma_wait3A_77 = arith.constant 0 : i32
      %dma_wait3A_78 = arith.constant 0 : i32
      %dma_wait3A_79 = tpu.memref_slice %arg4[%dma_wait3A_77, %dma_wait3A_78] : memref<10000x128xf32, #tpu.memory_space<hbm>> -> memref<128x128xf32, #tpu.memory_space<hbm>>
      tpu.wait_dma2 semaphore(%arg19 : memref<!tpu.dma_semaphore, #tpu.memory_space<semaphore_mem>>) src(%dma_wait3A_79 : memref<128x128xf32, #tpu.memory_space<hbm>>) dst(%arg16 : memref<128x128xf32, #tpu.memory_space<vmem>>)
      %run_scoped3A_80 = arith.constant 1 : i32
      "tpu.region"() ({
        %run_scoped3A_88 = tpu.sem_alloc : memref<!tpu.dma_semaphore, #tpu.memory_space<semaphore_mem>>
        %dma_start3A_89 = arith.constant 0 : i32
        %dma_start3A_90 = tpu.memref_slice %arg14[%rem3A_51, %run_scoped3A_80, %dma_start3A_89] : memref<2x2x128xi32, #tpu.memory_space<vmem>> -> memref<1x1x128xi32, #tpu.memory_space<vmem>>
        %dma_start3A_91 = tpu.memref_squeeze %dma_start3A_90 : memref<1x1x128xi32, #tpu.memory_space<vmem>> -> memref<128xi32, #tpu.memory_space<vmem>>
        %dma_start3A_92 = arith.constant 0 : i32
        %dma_start3A_93 = arith.constant 0 : i32
        %dma_start3A_94 = tpu.memref_slice %arg11[%dma_start3A_92, %dma_start3A_93] : memref<10000x128xf32, #tpu.memory_space<vmem_shared>> -> memref<10000x128xf32, #tpu.memory_space<vmem_shared>>
        tpu.enqueue_indirect_dma source(%arg16 : memref<128x128xf32, #tpu.memory_space<vmem>>) target(%dma_start3A_94 : memref<10000x128xf32, #tpu.memory_space<vmem_shared>>) offsets(%dma_start3A_91 : memref<128xi32, #tpu.memory_space<vmem>>) semaphore(%run_scoped3A_88 : memref<!tpu.dma_semaphore, #tpu.memory_space<semaphore_mem>>) {add = true}
        %dma_wait3A_95 = arith.constant 0 : i32
        %dma_wait3A_96 = tpu.memref_slice %arg14[%rem3A_51, %run_scoped3A_80, %dma_wait3A_95] : memref<2x2x128xi32, #tpu.memory_space<vmem>> -> memref<1x1x128xi32, #tpu.memory_space<vmem>>
        %dma_wait3A_97 = tpu.memref_squeeze %dma_wait3A_96 : memref<1x1x128xi32, #tpu.memory_space<vmem>> -> memref<128xi32, #tpu.memory_space<vmem>>
        %dma_wait3A_98 = arith.constant 0 : i32
        %dma_wait3A_99 = arith.constant 0 : i32
        %dma_wait3A_100 = tpu.memref_slice %arg11[%dma_wait3A_98, %dma_wait3A_99] : memref<10000x128xf32, #tpu.memory_space<vmem_shared>> -> memref<10000x128xf32, #tpu.memory_space<vmem_shared>>
        tpu.wait_indirect_dma semaphore(%run_scoped3A_88 : memref<!tpu.dma_semaphore, #tpu.memory_space<semaphore_mem>>) src(%arg16 : memref<128x128xf32, #tpu.memory_space<vmem>>) dst(%dma_wait3A_100 : memref<10000x128xf32, #tpu.memory_space<vmem_shared>>)
        tpu.yield
      }) : () -> ()
      %run_scoped3A_81 = arith.constant 1 : i32
      "tpu.region"() ({
        %run_scoped3A_88 = tpu.sem_alloc : memref<!tpu.dma_semaphore, #tpu.memory_space<semaphore_mem>>
        %dma_start3A_89 = arith.constant 0 : i32
        %dma_start3A_90 = tpu.memref_slice %arg14[%rem3A_51, %run_scoped3A_81, %dma_start3A_89] : memref<2x2x128xi32, #tpu.memory_space<vmem>> -> memref<1x1x128xi32, #tpu.memory_space<vmem>>
        %dma_start3A_91 = tpu.memref_squeeze %dma_start3A_90 : memref<1x1x128xi32, #tpu.memory_space<vmem>> -> memref<128xi32, #tpu.memory_space<vmem>>
        %dma_start3A_92 = arith.constant 0 : i32
        %dma_start3A_93 = arith.constant 0 : i32
        %dma_start3A_94 = tpu.memref_slice %arg12[%dma_start3A_92, %dma_start3A_93] : memref<10000x16xf32, #tpu.memory_space<vmem_shared>> -> memref<10000x16xf32, #tpu.memory_space<vmem_shared>>
        tpu.enqueue_indirect_dma source(%arg17 : memref<128x16xf32, #tpu.memory_space<vmem>>) target(%dma_start3A_94 : memref<10000x16xf32, #tpu.memory_space<vmem_shared>>) offsets(%dma_start3A_91 : memref<128xi32, #tpu.memory_space<vmem>>) semaphore(%run_scoped3A_88 : memref<!tpu.dma_semaphore, #tpu.memory_space<semaphore_mem>>) {add = true}
        %dma_wait3A_95 = arith.constant 0 : i32
        %dma_wait3A_96 = tpu.memref_slice %arg14[%rem3A_51, %run_scoped3A_81, %dma_wait3A_95] : memref<2x2x128xi32, #tpu.memory_space<vmem>> -> memref<1x1x128xi32, #tpu.memory_space<vmem>>
        %dma_wait3A_97 = tpu.memref_squeeze %dma_wait3A_96 : memref<1x1x128xi32, #tpu.memory_space<vmem>> -> memref<128xi32, #tpu.memory_space<vmem>>
        %dma_wait3A_98 = arith.constant 0 : i32
        %dma_wait3A_99 = arith.constant 0 : i32
        %dma_wait3A_100 = tpu.memref_slice %arg12[%dma_wait3A_98, %dma_wait3A_99] : memref<10000x16xf32, #tpu.memory_space<vmem_shared>> -> memref<10000x16xf32, #tpu.memory_space<vmem_shared>>
        tpu.wait_indirect_dma semaphore(%run_scoped3A_88 : memref<!tpu.dma_semaphore, #tpu.memory_space<semaphore_mem>>) src(%arg17 : memref<128x16xf32, #tpu.memory_space<vmem>>) dst(%dma_wait3A_100 : memref<10000x16xf32, #tpu.memory_space<vmem_shared>>)
        tpu.yield
      }) : () -> ()
      %sub3A_82 = arith.constant 1 : i32
      %sub3A_83 = arith.subi %add3A_10, %sub3A_82 : i32
      %lt3A_84 = arith.cmpi slt, %while3A_50, %sub3A_83 : i32
      %convert_element_type3A_85 = arith.extui %lt3A_84 : i1 to i32
      %cond3A_86 = arith.constant 0 : i32
      %cond3A_87 = arith.cmpi ne, %convert_element_type3A_85, %cond3A_86 : i32
      scf.if %cond3A_87 {
        %dma_start3A_88 = arith.constant 1 : i32
        %dma_start3A_89 = arith.constant 0 : i32
        %dma_start3A_90 = tpu.memref_slice %arg13[%rem3A_55, %dma_start3A_88, %dma_start3A_89] : memref<2x2x128xi32, #tpu.memory_space<vmem>> -> memref<1x1x128xi32, #tpu.memory_space<vmem>>
        %dma_start3A_91 = tpu.memref_squeeze %dma_start3A_90 : memref<1x1x128xi32, #tpu.memory_space<vmem>> -> memref<128xi32, #tpu.memory_space<vmem>>
        %dma_start3A_92 = arith.constant 0 : i32
        %dma_start3A_93 = arith.constant 0 : i32
        %dma_start3A_94 = tpu.memref_slice %arg2[%dma_start3A_92, %dma_start3A_93] : memref<10000x128xf32, #tpu.memory_space<hbm>> -> memref<10000x128xf32, #tpu.memory_space<hbm>>
        tpu.enqueue_indirect_dma source(%dma_start3A_94 : memref<10000x128xf32, #tpu.memory_space<hbm>>) target(%arg16 : memref<128x128xf32, #tpu.memory_space<vmem>>) offsets(%dma_start3A_91 : memref<128xi32, #tpu.memory_space<vmem>>) semaphore(%arg19 : memref<!tpu.dma_semaphore, #tpu.memory_space<semaphore_mem>>)
      } else {
      }
    }
    %while3A_41 = arith.constant 1 : i32
    scf.for %while3A_50 = %while3A_39 to %while3A_35 step %while3A_41  : i32 {
      %rem3A = arith.constant 2 : i32
      %rem3A_51 = arith.remsi %while3A_50, %rem3A : i32
      %add3A_52 = arith.constant 1 : i32
      %add3A_53 = arith.addi %while3A_50, %add3A_52 : i32
      %rem3A_54 = arith.constant 2 : i32
      %rem3A_55 = arith.remsi %add3A_53, %rem3A_54 : i32
      %sub3A = arith.constant 1 : i32
      %sub3A_56 = arith.subi %add3A_10, %sub3A : i32
      %lt3A_57 = arith.cmpi slt, %while3A_50, %sub3A_56 : i32
      %convert_element_type3A_58 = arith.extui %lt3A_57 : i1 to i32
      %cond3A_59 = arith.constant 0 : i32
      %cond3A_60 = arith.cmpi ne, %convert_element_type3A_58, %cond3A_59 : i32
      scf.if %cond3A_60 {
        %add3A_88 = arith.addi %add3A_6, %while3A_50 : i32
        %add3A_89 = arith.constant 1 : i32
        %add3A_90 = arith.addi %add3A_88, %add3A_89 : i32
        %mul3A_91 = arith.constant 2 : i32
        %mul3A_92 = arith.muli %mul3A_91, %add3A_90 : i32
        %run_scoped3A_93 = arith.constant 0 : i32
        "tpu.region"() ({
          %run_scoped3A_97 = tpu.sem_alloc : memref<!tpu.dma_semaphore, #tpu.memory_space<semaphore_mem>>
          %dma_start3A_98 = arith.constant 0 : i32
          %dma_start3A_99 = arith.constant 0 : i32
          %dma_start3A_100 = tpu.memref_slice %arg13[%rem3A_55, %dma_start3A_98, %dma_start3A_99] : memref<2x2x128xi32, #tpu.memory_space<vmem>> -> memref<1x2x128xi32, #tpu.memory_space<vmem>>
          %dma_start3A_101 = tpu.memref_squeeze %dma_start3A_100 : memref<1x2x128xi32, #tpu.memory_space<vmem>> -> memref<2x128xi32, #tpu.memory_space<vmem>>
          %dma_start3A_102 = arith.constant 0 : i32
          %dma_start3A_103 = tpu.memref_slice %arg3[%run_scoped3A_93, %mul3A_92, %dma_start3A_102] : memref<2x2500x128xi32, #tpu.memory_space<hbm>> -> memref<1x2x128xi32, #tpu.memory_space<hbm>>
          %dma_start3A_104 = tpu.memref_squeeze %dma_start3A_103 : memref<1x2x128xi32, #tpu.memory_space<hbm>> -> memref<2x128xi32, #tpu.memory_space<hbm>>
          %dma_start3A_105 = arith.constant 0 : i32
          %dma_start3A_106 = arith.constant 0 : i32
          %dma_start3A_107 = tpu.memref_slice %arg13[%rem3A_55, %dma_start3A_105, %dma_start3A_106] : memref<2x2x128xi32, #tpu.memory_space<vmem>> -> memref<1x2x128xi32, #tpu.memory_space<vmem>>
          %dma_start3A_108 = tpu.memref_squeeze %dma_start3A_107 : memref<1x2x128xi32, #tpu.memory_space<vmem>> -> memref<2x128xi32, #tpu.memory_space<vmem>>
          %dma_start3A_109 = arith.constant 0 : i32
          %dma_start3A_110 = tpu.memref_slice %arg3[%run_scoped3A_93, %mul3A_92, %dma_start3A_109] : memref<2x2500x128xi32, #tpu.memory_space<hbm>> -> memref<1x2x128xi32, #tpu.memory_space<hbm>>
          %dma_start3A_111 = tpu.memref_squeeze %dma_start3A_110 : memref<1x2x128xi32, #tpu.memory_space<hbm>> -> memref<2x128xi32, #tpu.memory_space<hbm>>
          tpu.enqueue_dma source(%dma_start3A_111 : memref<2x128xi32, #tpu.memory_space<hbm>>) target(%dma_start3A_108 : memref<2x128xi32, #tpu.memory_space<vmem>>) target_semaphore(%run_scoped3A_97 : memref<!tpu.dma_semaphore, #tpu.memory_space<semaphore_mem>>)
          %dma_wait3A_112 = arith.constant 0 : i32
          %dma_wait3A_113 = arith.constant 0 : i32
          %dma_wait3A_114 = tpu.memref_slice %arg13[%rem3A_55, %dma_wait3A_112, %dma_wait3A_113] : memref<2x2x128xi32, #tpu.memory_space<vmem>> -> memref<1x2x128xi32, #tpu.memory_space<vmem>>
          %dma_wait3A_115 = tpu.memref_squeeze %dma_wait3A_114 : memref<1x2x128xi32, #tpu.memory_space<vmem>> -> memref<2x128xi32, #tpu.memory_space<vmem>>
          %dma_wait3A_116 = arith.constant 0 : i32
          %dma_wait3A_117 = tpu.memref_slice %arg3[%run_scoped3A_93, %mul3A_92, %dma_wait3A_116] : memref<2x2500x128xi32, #tpu.memory_space<hbm>> -> memref<1x2x128xi32, #tpu.memory_space<hbm>>
          %dma_wait3A_118 = tpu.memref_squeeze %dma_wait3A_117 : memref<1x2x128xi32, #tpu.memory_space<hbm>> -> memref<2x128xi32, #tpu.memory_space<hbm>>
          %dma_wait3A_119 = arith.constant 0 : i32
          %dma_wait3A_120 = arith.constant 0 : i32
          %dma_wait3A_121 = tpu.memref_slice %arg13[%rem3A_55, %dma_wait3A_119, %dma_wait3A_120] : memref<2x2x128xi32, #tpu.memory_space<vmem>> -> memref<1x2x128xi32, #tpu.memory_space<vmem>>
          %dma_wait3A_122 = tpu.memref_squeeze %dma_wait3A_121 : memref<1x2x128xi32, #tpu.memory_space<vmem>> -> memref<2x128xi32, #tpu.memory_space<vmem>>
          %dma_wait3A_123 = arith.constant 0 : i32
          %dma_wait3A_124 = tpu.memref_slice %arg3[%run_scoped3A_93, %mul3A_92, %dma_wait3A_123] : memref<2x2500x128xi32, #tpu.memory_space<hbm>> -> memref<1x2x128xi32, #tpu.memory_space<hbm>>
          %dma_wait3A_125 = tpu.memref_squeeze %dma_wait3A_124 : memref<1x2x128xi32, #tpu.memory_space<hbm>> -> memref<2x128xi32, #tpu.memory_space<hbm>>
          tpu.wait_dma2 semaphore(%run_scoped3A_97 : memref<!tpu.dma_semaphore, #tpu.memory_space<semaphore_mem>>) src(%dma_wait3A_125 : memref<2x128xi32, #tpu.memory_space<hbm>>) dst(%dma_wait3A_122 : memref<2x128xi32, #tpu.memory_space<vmem>>)
          tpu.yield
        }) : () -> ()
        %mul3A_94 = arith.constant 2 : i32
        %mul3A_95 = arith.muli %mul3A_94, %add3A_90 : i32
        %run_scoped3A_96 = arith.constant 1 : i32
        "tpu.region"() ({
          %run_scoped3A_97 = tpu.sem_alloc : memref<!tpu.dma_semaphore, #tpu.memory_space<semaphore_mem>>
          %dma_start3A_98 = arith.constant 0 : i32
          %dma_start3A_99 = arith.constant 0 : i32
          %dma_start3A_100 = tpu.memref_slice %arg14[%rem3A_55, %dma_start3A_98, %dma_start3A_99] : memref<2x2x128xi32, #tpu.memory_space<vmem>> -> memref<1x2x128xi32, #tpu.memory_space<vmem>>
          %dma_start3A_101 = tpu.memref_squeeze %dma_start3A_100 : memref<1x2x128xi32, #tpu.memory_space<vmem>> -> memref<2x128xi32, #tpu.memory_space<vmem>>
          %dma_start3A_102 = arith.constant 0 : i32
          %dma_start3A_103 = tpu.memref_slice %arg3[%run_scoped3A_96, %mul3A_95, %dma_start3A_102] : memref<2x2500x128xi32, #tpu.memory_space<hbm>> -> memref<1x2x128xi32, #tpu.memory_space<hbm>>
          %dma_start3A_104 = tpu.memref_squeeze %dma_start3A_103 : memref<1x2x128xi32, #tpu.memory_space<hbm>> -> memref<2x128xi32, #tpu.memory_space<hbm>>
          %dma_start3A_105 = arith.constant 0 : i32
          %dma_start3A_106 = arith.constant 0 : i32
          %dma_start3A_107 = tpu.memref_slice %arg14[%rem3A_55, %dma_start3A_105, %dma_start3A_106] : memref<2x2x128xi32, #tpu.memory_space<vmem>> -> memref<1x2x128xi32, #tpu.memory_space<vmem>>
          %dma_start3A_108 = tpu.memref_squeeze %dma_start3A_107 : memref<1x2x128xi32, #tpu.memory_space<vmem>> -> memref<2x128xi32, #tpu.memory_space<vmem>>
          %dma_start3A_109 = arith.constant 0 : i32
          %dma_start3A_110 = tpu.memref_slice %arg3[%run_scoped3A_96, %mul3A_95, %dma_start3A_109] : memref<2x2500x128xi32, #tpu.memory_space<hbm>> -> memref<1x2x128xi32, #tpu.memory_space<hbm>>
          %dma_start3A_111 = tpu.memref_squeeze %dma_start3A_110 : memref<1x2x128xi32, #tpu.memory_space<hbm>> -> memref<2x128xi32, #tpu.memory_space<hbm>>
          tpu.enqueue_dma source(%dma_start3A_111 : memref<2x128xi32, #tpu.memory_space<hbm>>) target(%dma_start3A_108 : memref<2x128xi32, #tpu.memory_space<vmem>>) target_semaphore(%run_scoped3A_97 : memref<!tpu.dma_semaphore, #tpu.memory_space<semaphore_mem>>)
          %dma_wait3A_112 = arith.constant 0 : i32
          %dma_wait3A_113 = arith.constant 0 : i32
          %dma_wait3A_114 = tpu.memref_slice %arg14[%rem3A_55, %dma_wait3A_112, %dma_wait3A_113] : memref<2x2x128xi32, #tpu.memory_space<vmem>> -> memref<1x2x128xi32, #tpu.memory_space<vmem>>
          %dma_wait3A_115 = tpu.memref_squeeze %dma_wait3A_114 : memref<1x2x128xi32, #tpu.memory_space<vmem>> -> memref<2x128xi32, #tpu.memory_space<vmem>>
          %dma_wait3A_116 = arith.constant 0 : i32
          %dma_wait3A_117 = tpu.memref_slice %arg3[%run_scoped3A_96, %mul3A_95, %dma_wait3A_116] : memref<2x2500x128xi32, #tpu.memory_space<hbm>> -> memref<1x2x128xi32, #tpu.memory_space<hbm>>
          %dma_wait3A_118 = tpu.memref_squeeze %dma_wait3A_117 : memref<1x2x128xi32, #tpu.memory_space<hbm>> -> memref<2x128xi32, #tpu.memory_space<hbm>>
          %dma_wait3A_119 = arith.constant 0 : i32
          %dma_wait3A_120 = arith.constant 0 : i32
          %dma_wait3A_121 = tpu.memref_slice %arg14[%rem3A_55, %dma_wait3A_119, %dma_wait3A_120] : memref<2x2x128xi32, #tpu.memory_space<vmem>> -> memref<1x2x128xi32, #tpu.memory_space<vmem>>
          %dma_wait3A_122 = tpu.memref_squeeze %dma_wait3A_121 : memref<1x2x128xi32, #tpu.memory_space<vmem>> -> memref<2x128xi32, #tpu.memory_space<vmem>>
          %dma_wait3A_123 = arith.constant 0 : i32
          %dma_wait3A_124 = tpu.memref_slice %arg3[%run_scoped3A_96, %mul3A_95, %dma_wait3A_123] : memref<2x2500x128xi32, #tpu.memory_space<hbm>> -> memref<1x2x128xi32, #tpu.memory_space<hbm>>
          %dma_wait3A_125 = tpu.memref_squeeze %dma_wait3A_124 : memref<1x2x128xi32, #tpu.memory_space<hbm>> -> memref<2x128xi32, #tpu.memory_space<hbm>>
          tpu.wait_dma2 semaphore(%run_scoped3A_97 : memref<!tpu.dma_semaphore, #tpu.memory_space<semaphore_mem>>) src(%dma_wait3A_125 : memref<2x128xi32, #tpu.memory_space<hbm>>) dst(%dma_wait3A_122 : memref<2x128xi32, #tpu.memory_space<vmem>>)
          tpu.yield
        }) : () -> ()
      } else {
      }
      %dma_wait3A = arith.constant 0 : i32
      %dma_wait3A_61 = arith.constant 0 : i32
      %dma_wait3A_62 = tpu.memref_slice %arg4[%dma_wait3A, %dma_wait3A_61] : memref<10000x128xf32, #tpu.memory_space<hbm>> -> memref<128x128xf32, #tpu.memory_space<hbm>>
      %dma_wait3A_63 = arith.constant 0 : i32
      %dma_wait3A_64 = arith.constant 0 : i32
      %dma_wait3A_65 = tpu.memref_slice %arg4[%dma_wait3A_63, %dma_wait3A_64] : memref<10000x128xf32, #tpu.memory_space<hbm>> -> memref<128x128xf32, #tpu.memory_space<hbm>>
      tpu.wait_dma2 semaphore(%arg18 : memref<!tpu.dma_semaphore, #tpu.memory_space<semaphore_mem>>) src(%dma_wait3A_65 : memref<128x128xf32, #tpu.memory_space<hbm>>) dst(%arg15 : memref<128x128xf32, #tpu.memory_space<vmem>>)
      %run_scoped3A_66 = arith.constant 0 : i32
      "tpu.region"() ({
        %run_scoped3A_88 = tpu.sem_alloc : memref<!tpu.dma_semaphore, #tpu.memory_space<semaphore_mem>>
        %dma_start3A_89 = arith.constant 0 : i32
        %dma_start3A_90 = tpu.memref_slice %arg14[%rem3A_51, %run_scoped3A_66, %dma_start3A_89] : memref<2x2x128xi32, #tpu.memory_space<vmem>> -> memref<1x1x128xi32, #tpu.memory_space<vmem>>
        %dma_start3A_91 = tpu.memref_squeeze %dma_start3A_90 : memref<1x1x128xi32, #tpu.memory_space<vmem>> -> memref<128xi32, #tpu.memory_space<vmem>>
        %dma_start3A_92 = arith.constant 0 : i32
        %dma_start3A_93 = arith.constant 0 : i32
        %dma_start3A_94 = tpu.memref_slice %arg11[%dma_start3A_92, %dma_start3A_93] : memref<10000x128xf32, #tpu.memory_space<vmem_shared>> -> memref<10000x128xf32, #tpu.memory_space<vmem_shared>>
        tpu.enqueue_indirect_dma source(%arg15 : memref<128x128xf32, #tpu.memory_space<vmem>>) target(%dma_start3A_94 : memref<10000x128xf32, #tpu.memory_space<vmem_shared>>) offsets(%dma_start3A_91 : memref<128xi32, #tpu.memory_space<vmem>>) semaphore(%run_scoped3A_88 : memref<!tpu.dma_semaphore, #tpu.memory_space<semaphore_mem>>) {add = true}
        %dma_wait3A_95 = arith.constant 0 : i32
        %dma_wait3A_96 = tpu.memref_slice %arg14[%rem3A_51, %run_scoped3A_66, %dma_wait3A_95] : memref<2x2x128xi32, #tpu.memory_space<vmem>> -> memref<1x1x128xi32, #tpu.memory_space<vmem>>
        %dma_wait3A_97 = tpu.memref_squeeze %dma_wait3A_96 : memref<1x1x128xi32, #tpu.memory_space<vmem>> -> memref<128xi32, #tpu.memory_space<vmem>>
        %dma_wait3A_98 = arith.constant 0 : i32
        %dma_wait3A_99 = arith.constant 0 : i32
        %dma_wait3A_100 = tpu.memref_slice %arg11[%dma_wait3A_98, %dma_wait3A_99] : memref<10000x128xf32, #tpu.memory_space<vmem_shared>> -> memref<10000x128xf32, #tpu.memory_space<vmem_shared>>
        tpu.wait_indirect_dma semaphore(%run_scoped3A_88 : memref<!tpu.dma_semaphore, #tpu.memory_space<semaphore_mem>>) src(%arg15 : memref<128x128xf32, #tpu.memory_space<vmem>>) dst(%dma_wait3A_100 : memref<10000x128xf32, #tpu.memory_space<vmem_shared>>)
        tpu.yield
      }) : () -> ()
      %run_scoped3A_67 = arith.constant 0 : i32
      "tpu.region"() ({
        %run_scoped3A_88 = tpu.sem_alloc : memref<!tpu.dma_semaphore, #tpu.memory_space<semaphore_mem>>
        %dma_start3A_89 = arith.constant 0 : i32
        %dma_start3A_90 = tpu.memref_slice %arg14[%rem3A_51, %run_scoped3A_67, %dma_start3A_89] : memref<2x2x128xi32, #tpu.memory_space<vmem>> -> memref<1x1x128xi32, #tpu.memory_space<vmem>>
        %dma_start3A_91 = tpu.memref_squeeze %dma_start3A_90 : memref<1x1x128xi32, #tpu.memory_space<vmem>> -> memref<128xi32, #tpu.memory_space<vmem>>
        %dma_start3A_92 = arith.constant 0 : i32
        %dma_start3A_93 = arith.constant 0 : i32
        %dma_start3A_94 = tpu.memref_slice %arg12[%dma_start3A_92, %dma_start3A_93] : memref<10000x16xf32, #tpu.memory_space<vmem_shared>> -> memref<10000x16xf32, #tpu.memory_space<vmem_shared>>
        tpu.enqueue_indirect_dma source(%arg17 : memref<128x16xf32, #tpu.memory_space<vmem>>) target(%dma_start3A_94 : memref<10000x16xf32, #tpu.memory_space<vmem_shared>>) offsets(%dma_start3A_91 : memref<128xi32, #tpu.memory_space<vmem>>) semaphore(%run_scoped3A_88 : memref<!tpu.dma_semaphore, #tpu.memory_space<semaphore_mem>>) {add = true}
        %dma_wait3A_95 = arith.constant 0 : i32
        %dma_wait3A_96 = tpu.memref_slice %arg14[%rem3A_51, %run_scoped3A_67, %dma_wait3A_95] : memref<2x2x128xi32, #tpu.memory_space<vmem>> -> memref<1x1x128xi32, #tpu.memory_space<vmem>>
        %dma_wait3A_97 = tpu.memref_squeeze %dma_wait3A_96 : memref<1x1x128xi32, #tpu.memory_space<vmem>> -> memref<128xi32, #tpu.memory_space<vmem>>
        %dma_wait3A_98 = arith.constant 0 : i32
        %dma_wait3A_99 = arith.constant 0 : i32
        %dma_wait3A_100 = tpu.memref_slice %arg12[%dma_wait3A_98, %dma_wait3A_99] : memref<10000x16xf32, #tpu.memory_space<vmem_shared>> -> memref<10000x16xf32, #tpu.memory_space<vmem_shared>>
        tpu.wait_indirect_dma semaphore(%run_scoped3A_88 : memref<!tpu.dma_semaphore, #tpu.memory_space<semaphore_mem>>) src(%arg17 : memref<128x16xf32, #tpu.memory_space<vmem>>) dst(%dma_wait3A_100 : memref<10000x16xf32, #tpu.memory_space<vmem_shared>>)
        tpu.yield
      }) : () -> ()
      %sub3A_68 = arith.constant 1 : i32
      %sub3A_69 = arith.subi %add3A_10, %sub3A_68 : i32
      %lt3A_70 = arith.cmpi slt, %while3A_50, %sub3A_69 : i32
      %convert_element_type3A_71 = arith.extui %lt3A_70 : i1 to i32
      %cond3A_72 = arith.constant 0 : i32
      %cond3A_73 = arith.cmpi ne, %convert_element_type3A_71, %cond3A_72 : i32
      scf.if %cond3A_73 {
        %dma_start3A_88 = arith.constant 0 : i32
        %dma_start3A_89 = arith.constant 0 : i32
        %dma_start3A_90 = tpu.memref_slice %arg13[%rem3A_55, %dma_start3A_88, %dma_start3A_89] : memref<2x2x128xi32, #tpu.memory_space<vmem>> -> memref<1x1x128xi32, #tpu.memory_space<vmem>>
        %dma_start3A_91 = tpu.memref_squeeze %dma_start3A_90 : memref<1x1x128xi32, #tpu.memory_space<vmem>> -> memref<128xi32, #tpu.memory_space<vmem>>
        %dma_start3A_92 = arith.constant 0 : i32
        %dma_start3A_93 = arith.constant 0 : i32
        %dma_start3A_94 = tpu.memref_slice %arg2[%dma_start3A_92, %dma_start3A_93] : memref<10000x128xf32, #tpu.memory_space<hbm>> -> memref<10000x128xf32, #tpu.memory_space<hbm>>
        tpu.enqueue_indirect_dma source(%dma_start3A_94 : memref<10000x128xf32, #tpu.memory_space<hbm>>) target(%arg15 : memref<128x128xf32, #tpu.memory_space<vmem>>) offsets(%dma_start3A_91 : memref<128xi32, #tpu.memory_space<vmem>>) semaphore(%arg18 : memref<!tpu.dma_semaphore, #tpu.memory_space<semaphore_mem>>)
      } else {
      }
      %dma_wait3A_74 = arith.constant 0 : i32
      %dma_wait3A_75 = arith.constant 0 : i32
      %dma_wait3A_76 = tpu.memref_slice %arg4[%dma_wait3A_74, %dma_wait3A_75] : memref<10000x128xf32, #tpu.memory_space<hbm>> -> memref<128x128xf32, #tpu.memory_space<hbm>>
      %dma_wait3A_77 = arith.constant 0 : i32
      %dma_wait3A_78 = arith.constant 0 : i32
      %dma_wait3A_79 = tpu.memref_slice %arg4[%dma_wait3A_77, %dma_wait3A_78] : memref<10000x128xf32, #tpu.memory_space<hbm>> -> memref<128x128xf32, #tpu.memory_space<hbm>>
      tpu.wait_dma2 semaphore(%arg19 : memref<!tpu.dma_semaphore, #tpu.memory_space<semaphore_mem>>) src(%dma_wait3A_79 : memref<128x128xf32, #tpu.memory_space<hbm>>) dst(%arg16 : memref<128x128xf32, #tpu.memory_space<vmem>>)
      %run_scoped3A_80 = arith.constant 1 : i32
      "tpu.region"() ({
        %run_scoped3A_88 = tpu.sem_alloc : memref<!tpu.dma_semaphore, #tpu.memory_space<semaphore_mem>>
        %dma_start3A_89 = arith.constant 0 : i32
        %dma_start3A_90 = tpu.memref_slice %arg14[%rem3A_51, %run_scoped3A_80, %dma_start3A_89] : memref<2x2x128xi32, #tpu.memory_space<vmem>> -> memref<1x1x128xi32, #tpu.memory_space<vmem>>
        %dma_start3A_91 = tpu.memref_squeeze %dma_start3A_90 : memref<1x1x128xi32, #tpu.memory_space<vmem>> -> memref<128xi32, #tpu.memory_space<vmem>>
        %dma_start3A_92 = arith.constant 0 : i32
        %dma_start3A_93 = arith.constant 0 : i32
        %dma_start3A_94 = tpu.memref_slice %arg11[%dma_start3A_92, %dma_start3A_93] : memref<10000x128xf32, #tpu.memory_space<vmem_shared>> -> memref<10000x128xf32, #tpu.memory_space<vmem_shared>>
        tpu.enqueue_indirect_dma source(%arg16 : memref<128x128xf32, #tpu.memory_space<vmem>>) target(%dma_start3A_94 : memref<10000x128xf32, #tpu.memory_space<vmem_shared>>) offsets(%dma_start3A_91 : memref<128xi32, #tpu.memory_space<vmem>>) semaphore(%run_scoped3A_88 : memref<!tpu.dma_semaphore, #tpu.memory_space<semaphore_mem>>) {add = true}
        %dma_wait3A_95 = arith.constant 0 : i32
        %dma_wait3A_96 = tpu.memref_slice %arg14[%rem3A_51, %run_scoped3A_80, %dma_wait3A_95] : memref<2x2x128xi32, #tpu.memory_space<vmem>> -> memref<1x1x128xi32, #tpu.memory_space<vmem>>
        %dma_wait3A_97 = tpu.memref_squeeze %dma_wait3A_96 : memref<1x1x128xi32, #tpu.memory_space<vmem>> -> memref<128xi32, #tpu.memory_space<vmem>>
        %dma_wait3A_98 = arith.constant 0 : i32
        %dma_wait3A_99 = arith.constant 0 : i32
        %dma_wait3A_100 = tpu.memref_slice %arg11[%dma_wait3A_98, %dma_wait3A_99] : memref<10000x128xf32, #tpu.memory_space<vmem_shared>> -> memref<10000x128xf32, #tpu.memory_space<vmem_shared>>
        tpu.wait_indirect_dma semaphore(%run_scoped3A_88 : memref<!tpu.dma_semaphore, #tpu.memory_space<semaphore_mem>>) src(%arg16 : memref<128x128xf32, #tpu.memory_space<vmem>>) dst(%dma_wait3A_100 : memref<10000x128xf32, #tpu.memory_space<vmem_shared>>)
        tpu.yield
      }) : () -> ()
      %run_scoped3A_81 = arith.constant 1 : i32
      "tpu.region"() ({
        %run_scoped3A_88 = tpu.sem_alloc : memref<!tpu.dma_semaphore, #tpu.memory_space<semaphore_mem>>
        %dma_start3A_89 = arith.constant 0 : i32
        %dma_start3A_90 = tpu.memref_slice %arg14[%rem3A_51, %run_scoped3A_81, %dma_start3A_89] : memref<2x2x128xi32, #tpu.memory_space<vmem>> -> memref<1x1x128xi32, #tpu.memory_space<vmem>>
        %dma_start3A_91 = tpu.memref_squeeze %dma_start3A_90 : memref<1x1x128xi32, #tpu.memory_space<vmem>> -> memref<128xi32, #tpu.memory_space<vmem>>
        %dma_start3A_92 = arith.constant 0 : i32
        %dma_start3A_93 = arith.constant 0 : i32
        %dma_start3A_94 = tpu.memref_slice %arg12[%dma_start3A_92, %dma_start3A_93] : memref<10000x16xf32, #tpu.memory_space<vmem_shared>> -> memref<10000x16xf32, #tpu.memory_space<vmem_shared>>
        tpu.enqueue_indirect_dma source(%arg17 : memref<128x16xf32, #tpu.memory_space<vmem>>) target(%dma_start3A_94 : memref<10000x16xf32, #tpu.memory_space<vmem_shared>>) offsets(%dma_start3A_91 : memref<128xi32, #tpu.memory_space<vmem>>) semaphore(%run_scoped3A_88 : memref<!tpu.dma_semaphore, #tpu.memory_space<semaphore_mem>>) {add = true}
        %dma_wait3A_95 = arith.constant 0 : i32
        %dma_wait3A_96 = tpu.memref_slice %arg14[%rem3A_51, %run_scoped3A_81, %dma_wait3A_95] : memref<2x2x128xi32, #tpu.memory_space<vmem>> -> memref<1x1x128xi32, #tpu.memory_space<vmem>>
        %dma_wait3A_97 = tpu.memref_squeeze %dma_wait3A_96 : memref<1x1x128xi32, #tpu.memory_space<vmem>> -> memref<128xi32, #tpu.memory_space<vmem>>
        %dma_wait3A_98 = arith.constant 0 : i32
        %dma_wait3A_99 = arith.constant 0 : i32
        %dma_wait3A_100 = tpu.memref_slice %arg12[%dma_wait3A_98, %dma_wait3A_99] : memref<10000x16xf32, #tpu.memory_space<vmem_shared>> -> memref<10000x16xf32, #tpu.memory_space<vmem_shared>>
        tpu.wait_indirect_dma semaphore(%run_scoped3A_88 : memref<!tpu.dma_semaphore, #tpu.memory_space<semaphore_mem>>) src(%arg17 : memref<128x16xf32, #tpu.memory_space<vmem>>) dst(%dma_wait3A_100 : memref<10000x16xf32, #tpu.memory_space<vmem_shared>>)
        tpu.yield
      }) : () -> ()
      %sub3A_82 = arith.constant 1 : i32
      %sub3A_83 = arith.subi %add3A_10, %sub3A_82 : i32
      %lt3A_84 = arith.cmpi slt, %while3A_50, %sub3A_83 : i32
      %convert_element_type3A_85 = arith.extui %lt3A_84 : i1 to i32
      %cond3A_86 = arith.constant 0 : i32
      %cond3A_87 = arith.cmpi ne, %convert_element_type3A_85, %cond3A_86 : i32
      scf.if %cond3A_87 {
        %dma_start3A_88 = arith.constant 1 : i32
        %dma_start3A_89 = arith.constant 0 : i32
        %dma_start3A_90 = tpu.memref_slice %arg13[%rem3A_55, %dma_start3A_88, %dma_start3A_89] : memref<2x2x128xi32, #tpu.memory_space<vmem>> -> memref<1x1x128xi32, #tpu.memory_space<vmem>>
        %dma_start3A_91 = tpu.memref_squeeze %dma_start3A_90 : memref<1x1x128xi32, #tpu.memory_space<vmem>> -> memref<128xi32, #tpu.memory_space<vmem>>
        %dma_start3A_92 = arith.constant 0 : i32
        %dma_start3A_93 = arith.constant 0 : i32
        %dma_start3A_94 = tpu.memref_slice %arg2[%dma_start3A_92, %dma_start3A_93] : memref<10000x128xf32, #tpu.memory_space<hbm>> -> memref<10000x128xf32, #tpu.memory_space<hbm>>
        tpu.enqueue_indirect_dma source(%dma_start3A_94 : memref<10000x128xf32, #tpu.memory_space<hbm>>) target(%arg16 : memref<128x128xf32, #tpu.memory_space<vmem>>) offsets(%dma_start3A_91 : memref<128xi32, #tpu.memory_space<vmem>>) semaphore(%arg19 : memref<!tpu.dma_semaphore, #tpu.memory_space<semaphore_mem>>)
      } else {
      }
    }
    %barrier3A_42 = arith.constant 0 : index
    tpu.barrier barrier_id(%barrier3A_42)
    %eq3A = arith.constant 0 : i32
    %eq3A_43 = arith.cmpi eq, %arg0, %eq3A : i32
    %convert_element_type3A = arith.extui %eq3A_43 : i1 to i32
    %cond3A = arith.constant 0 : i32
    %cond3A_44 = arith.cmpi ne, %convert_element_type3A, %cond3A : i32
    scf.if %cond3A_44 {
      "tpu.region"() ({
        %run_scoped3A_50 = tpu.sem_alloc : memref<!tpu.dma_semaphore, #tpu.memory_space<semaphore_mem>>
        %dma_start3A_51 = arith.constant 0 : i32
        %dma_start3A_52 = tpu.memref_slice %arg7[%mul3A_2, %dma_start3A_51] : memref<10000x128xf32, #tpu.memory_space<hbm>> -> memref<625x128xf32, #tpu.memory_space<hbm>>
        %dma_start3A_53 = arith.constant 0 : i32
        %dma_start3A_54 = tpu.memref_slice %arg11[%mul3A_2, %dma_start3A_53] : memref<10000x128xf32, #tpu.memory_space<vmem_shared>> -> memref<625x128xf32, #tpu.memory_space<vmem_shared>>
        tpu.enqueue_dma source(%dma_start3A_54 : memref<625x128xf32, #tpu.memory_space<vmem_shared>>) target(%dma_start3A_52 : memref<625x128xf32, #tpu.memory_space<hbm>>) target_semaphore(%run_scoped3A_50 : memref<!tpu.dma_semaphore, #tpu.memory_space<semaphore_mem>>)
        %dma_wait3A = arith.constant 0 : i32
        %dma_wait3A_55 = tpu.memref_slice %arg7[%mul3A_2, %dma_wait3A] : memref<10000x128xf32, #tpu.memory_space<hbm>> -> memref<625x128xf32, #tpu.memory_space<hbm>>
        %dma_wait3A_56 = arith.constant 0 : i32
        %dma_wait3A_57 = tpu.memref_slice %arg11[%mul3A_2, %dma_wait3A_56] : memref<10000x128xf32, #tpu.memory_space<vmem_shared>> -> memref<625x128xf32, #tpu.memory_space<vmem_shared>>
        tpu.wait_dma2 semaphore(%run_scoped3A_50 : memref<!tpu.dma_semaphore, #tpu.memory_space<semaphore_mem>>) src(%dma_wait3A_57 : memref<625x128xf32, #tpu.memory_space<vmem_shared>>) dst(%dma_wait3A_55 : memref<625x128xf32, #tpu.memory_space<hbm>>)
        tpu.yield
      }) : () -> ()
      "tpu.region"() ({
        %run_scoped3A_50 = tpu.sem_alloc : memref<!tpu.dma_semaphore, #tpu.memory_space<semaphore_mem>>
        %dma_start3A_51 = arith.constant 0 : i32
        %dma_start3A_52 = tpu.memref_slice %arg9[%mul3A_2, %dma_start3A_51] : memref<10000x16xf32, #tpu.memory_space<hbm>> -> memref<625x16xf32, #tpu.memory_space<hbm>>
        %dma_start3A_53 = arith.constant 0 : i32
        %dma_start3A_54 = tpu.memref_slice %arg12[%mul3A_2, %dma_start3A_53] : memref<10000x16xf32, #tpu.memory_space<vmem_shared>> -> memref<625x16xf32, #tpu.memory_space<vmem_shared>>
        tpu.enqueue_dma source(%dma_start3A_54 : memref<625x16xf32, #tpu.memory_space<vmem_shared>>) target(%dma_start3A_52 : memref<625x16xf32, #tpu.memory_space<hbm>>) target_semaphore(%run_scoped3A_50 : memref<!tpu.dma_semaphore, #tpu.memory_space<semaphore_mem>>)
        %dma_wait3A = arith.constant 0 : i32
        %dma_wait3A_55 = tpu.memref_slice %arg9[%mul3A_2, %dma_wait3A] : memref<10000x16xf32, #tpu.memory_space<hbm>> -> memref<625x16xf32, #tpu.memory_space<hbm>>
        %dma_wait3A_56 = arith.constant 0 : i32
        %dma_wait3A_57 = tpu.memref_slice %arg12[%mul3A_2, %dma_wait3A_56] : memref<10000x16xf32, #tpu.memory_space<vmem_shared>> -> memref<625x16xf32, #tpu.memory_space<vmem_shared>>
        tpu.wait_dma2 semaphore(%run_scoped3A_50 : memref<!tpu.dma_semaphore, #tpu.memory_space<semaphore_mem>>) src(%dma_wait3A_57 : memref<625x16xf32, #tpu.memory_space<vmem_shared>>) dst(%dma_wait3A_55 : memref<625x16xf32, #tpu.memory_space<hbm>>)
        tpu.yield
      }) : () -> ()
    } else {
    }
    %eq3A_45 = arith.constant 1 : i32
    %eq3A_46 = arith.cmpi eq, %arg0, %eq3A_45 : i32
    %convert_element_type3A_47 = arith.extui %eq3A_46 : i1 to i32
    %cond3A_48 = arith.constant 0 : i32
    %cond3A_49 = arith.cmpi ne, %convert_element_type3A_47, %cond3A_48 : i32
    scf.if %cond3A_49 {
      "tpu.region"() ({
        %run_scoped3A_50 = tpu.sem_alloc : memref<!tpu.dma_semaphore, #tpu.memory_space<semaphore_mem>>
        %dma_start3A_51 = arith.constant 0 : i32
        %dma_start3A_52 = tpu.memref_slice %arg8[%mul3A_2, %dma_start3A_51] : memref<10000x128xf32, #tpu.memory_space<hbm>> -> memref<625x128xf32, #tpu.memory_space<hbm>>
        %dma_start3A_53 = arith.constant 0 : i32
        %dma_start3A_54 = tpu.memref_slice %arg11[%mul3A_2, %dma_start3A_53] : memref<10000x128xf32, #tpu.memory_space<vmem_shared>> -> memref<625x128xf32, #tpu.memory_space<vmem_shared>>
        tpu.enqueue_dma source(%dma_start3A_54 : memref<625x128xf32, #tpu.memory_space<vmem_shared>>) target(%dma_start3A_52 : memref<625x128xf32, #tpu.memory_space<hbm>>) target_semaphore(%run_scoped3A_50 : memref<!tpu.dma_semaphore, #tpu.memory_space<semaphore_mem>>)
        %dma_wait3A = arith.constant 0 : i32
        %dma_wait3A_55 = tpu.memref_slice %arg8[%mul3A_2, %dma_wait3A] : memref<10000x128xf32, #tpu.memory_space<hbm>> -> memref<625x128xf32, #tpu.memory_space<hbm>>
        %dma_wait3A_56 = arith.constant 0 : i32
        %dma_wait3A_57 = tpu.memref_slice %arg11[%mul3A_2, %dma_wait3A_56] : memref<10000x128xf32, #tpu.memory_space<vmem_shared>> -> memref<625x128xf32, #tpu.memory_space<vmem_shared>>
        tpu.wait_dma2 semaphore(%run_scoped3A_50 : memref<!tpu.dma_semaphore, #tpu.memory_space<semaphore_mem>>) src(%dma_wait3A_57 : memref<625x128xf32, #tpu.memory_space<vmem_shared>>) dst(%dma_wait3A_55 : memref<625x128xf32, #tpu.memory_space<hbm>>)
        tpu.yield
      }) : () -> ()
      "tpu.region"() ({
        %run_scoped3A_50 = tpu.sem_alloc : memref<!tpu.dma_semaphore, #tpu.memory_space<semaphore_mem>>
        %dma_start3A_51 = arith.constant 0 : i32
        %dma_start3A_52 = tpu.memref_slice %arg10[%mul3A_2, %dma_start3A_51] : memref<10000x16xf32, #tpu.memory_space<hbm>> -> memref<625x16xf32, #tpu.memory_space<hbm>>
        %dma_start3A_53 = arith.constant 0 : i32
        %dma_start3A_54 = tpu.memref_slice %arg12[%mul3A_2, %dma_start3A_53] : memref<10000x16xf32, #tpu.memory_space<vmem_shared>> -> memref<625x16xf32, #tpu.memory_space<vmem_shared>>
        tpu.enqueue_dma source(%dma_start3A_54 : memref<625x16xf32, #tpu.memory_space<vmem_shared>>) target(%dma_start3A_52 : memref<625x16xf32, #tpu.memory_space<hbm>>) target_semaphore(%run_scoped3A_50 : memref<!tpu.dma_semaphore, #tpu.memory_space<semaphore_mem>>)
        %dma_wait3A = arith.constant 0 : i32
        %dma_wait3A_55 = tpu.memref_slice %arg10[%mul3A_2, %dma_wait3A] : memref<10000x16xf32, #tpu.memory_space<hbm>> -> memref<625x16xf32, #tpu.memory_space<hbm>>
        %dma_wait3A_56 = arith.constant 0 : i32
        %dma_wait3A_57 = tpu.memref_slice %arg12[%mul3A_2, %dma_wait3A_56] : memref<10000x16xf32, #tpu.memory_space<vmem_shared>> -> memref<625x16xf32, #tpu.memory_space<vmem_shared>>
        tpu.wait_dma2 semaphore(%run_scoped3A_50 : memref<!tpu.dma_semaphore, #tpu.memory_space<semaphore_mem>>) src(%dma_wait3A_57 : memref<625x16xf32, #tpu.memory_space<vmem_shared>>) dst(%dma_wait3A_55 : memref<625x16xf32, #tpu.memory_space<hbm>>)
        tpu.yield
      }) : () -> ()
    } else {
    }
    return
  }
}

#map = affine_map<(d0, d1) -> (0, 0)>
#map1 = affine_map<(d0, d1) -> (0, 0, 0)>
module attributes {stable_mosaic.version = 14 : i64} {
  func.func @k(%arg0: i32, %arg1: i32, %arg2: memref<10000x128xf32, #tpu.memory_space<hbm>>, %arg3: memref<2x2500x128xi32, #tpu.memory_space<hbm>>, %arg4: memref<10000x128xf32, #tpu.memory_space<hbm>>, %arg5: memref<10000x128xf32, #tpu.memory_space<hbm>>, %arg6: memref<10000x128xf32, #tpu.memory_space<hbm>>, %arg7: memref<10000x128xf32, #tpu.memory_space<vmem_shared>>, %arg8: memref<2x2x128xi32, #tpu.memory_space<vmem>>, %arg9: memref<2x2x128xi32, #tpu.memory_space<vmem>>, %arg10: memref<128x128xf32, #tpu.memory_space<vmem>>, %arg11: memref<128x128xf32, #tpu.memory_space<vmem>>, %arg12: memref<!tpu.dma_semaphore, #tpu.memory_space<semaphore_mem>>, %arg13: memref<!tpu.dma_semaphore, #tpu.memory_space<semaphore_mem>>) attributes {dimension_semantics = [#tpu.dimension_semantics<core_parallel>, #tpu.dimension_semantics<subcore_parallel>], iteration_bounds = array<i64: 2, 16>, scalar_prefetch = 0 : i64, scratch_operands = 7 : i64, tpu.core_type = #tpu.core_type<sc_vector_subcore>, window_params = [{transform_indices = #map}, {transform_indices = #map1}, {transform_indices = #map}, {transform_indices = #map}, {transform_indices = #map}]} {
    %mul3A = arith.constant 2 : i32
    %mul3A_0 = arith.muli %arg1, %mul3A : i32
    %add3A = arith.addi %mul3A_0, %arg0 : i32
    %mul3A_1 = arith.constant 625 : i32
    %mul3A_2 = arith.muli %arg1, %mul3A_1 : i32
    "tpu.region"() ({
      %run_scoped3A_50 = tpu.sem_alloc : memref<!tpu.dma_semaphore, #tpu.memory_space<semaphore_mem>>
      %dma_start3A_51 = arith.constant 0 : i32
      %dma_start3A_52 = tpu.memref_slice %arg7[%mul3A_2, %dma_start3A_51] : memref<10000x128xf32, #tpu.memory_space<vmem_shared>> -> memref<625x128xf32, #tpu.memory_space<vmem_shared>>
      %dma_start3A_53 = arith.constant 0 : i32
      %dma_start3A_54 = tpu.memref_slice %arg4[%mul3A_2, %dma_start3A_53] : memref<10000x128xf32, #tpu.memory_space<hbm>> -> memref<625x128xf32, #tpu.memory_space<hbm>>
      tpu.enqueue_dma source(%dma_start3A_54 : memref<625x128xf32, #tpu.memory_space<hbm>>) target(%dma_start3A_52 : memref<625x128xf32, #tpu.memory_space<vmem_shared>>) target_semaphore(%run_scoped3A_50 : memref<!tpu.dma_semaphore, #tpu.memory_space<semaphore_mem>>)
      %dma_wait3A = arith.constant 0 : i32
      %dma_wait3A_55 = tpu.memref_slice %arg7[%mul3A_2, %dma_wait3A] : memref<10000x128xf32, #tpu.memory_space<vmem_shared>> -> memref<625x128xf32, #tpu.memory_space<vmem_shared>>
      %dma_wait3A_56 = arith.constant 0 : i32
      %dma_wait3A_57 = tpu.memref_slice %arg4[%mul3A_2, %dma_wait3A_56] : memref<10000x128xf32, #tpu.memory_space<hbm>> -> memref<625x128xf32, #tpu.memory_space<hbm>>
      tpu.wait_dma2 semaphore(%run_scoped3A_50 : memref<!tpu.dma_semaphore, #tpu.memory_space<semaphore_mem>>) src(%dma_wait3A_57 : memref<625x128xf32, #tpu.memory_space<hbm>>) dst(%dma_wait3A_55 : memref<625x128xf32, #tpu.memory_space<vmem_shared>>)
      tpu.yield
    }) : () -> ()
    %barrier3A = arith.constant 0 : index
    tpu.barrier barrier_id(%barrier3A)
    %mul3A_3 = arith.constant 39 : i32
    %mul3A_4 = arith.muli %add3A, %mul3A_3 : i32
    %min3A = arith.constant 2 : i32
    %min3A_5 = arith.minsi %add3A, %min3A : i32
    %add3A_6 = arith.addi %mul3A_4, %min3A_5 : i32
    %lt3A = arith.constant 2 : i32
    %lt3A_7 = arith.cmpi slt, %add3A, %lt3A : i32
    %jit3A = arith.constant 1 : i32
    %jit3A_8 = arith.constant 0 : i32
    %select_n3A = arith.select %lt3A_7, %jit3A, %jit3A_8 : i32
    %add3A_9 = arith.constant 39 : i32
    %add3A_10 = arith.addi %add3A_9, %select_n3A : i32
    %mul3A_11 = arith.constant 2 : i32
    %mul3A_12 = arith.muli %mul3A_11, %add3A_6 : i32
    %run_scoped3A = arith.constant 0 : i32
    %run_scoped3A_13 = arith.constant 0 : i32
    "tpu.region"() ({
      %run_scoped3A_50 = tpu.sem_alloc : memref<!tpu.dma_semaphore, #tpu.memory_space<semaphore_mem>>
      %dma_start3A_51 = arith.constant 0 : i32
      %dma_start3A_52 = arith.constant 0 : i32
      %dma_start3A_53 = tpu.memref_slice %arg8[%run_scoped3A_13, %dma_start3A_51, %dma_start3A_52] : memref<2x2x128xi32, #tpu.memory_space<vmem>> -> memref<1x2x128xi32, #tpu.memory_space<vmem>>
      %dma_start3A_54 = tpu.memref_squeeze %dma_start3A_53 : memref<1x2x128xi32, #tpu.memory_space<vmem>> -> memref<2x128xi32, #tpu.memory_space<vmem>>
      %dma_start3A_55 = arith.constant 0 : i32
      %dma_start3A_56 = tpu.memref_slice %arg3[%run_scoped3A, %mul3A_12, %dma_start3A_55] : memref<2x2500x128xi32, #tpu.memory_space<hbm>> -> memref<1x2x128xi32, #tpu.memory_space<hbm>>
      %dma_start3A_57 = tpu.memref_squeeze %dma_start3A_56 : memref<1x2x128xi32, #tpu.memory_space<hbm>> -> memref<2x128xi32, #tpu.memory_space<hbm>>
      %dma_start3A_58 = arith.constant 0 : i32
      %dma_start3A_59 = arith.constant 0 : i32
      %dma_start3A_60 = tpu.memref_slice %arg8[%run_scoped3A_13, %dma_start3A_58, %dma_start3A_59] : memref<2x2x128xi32, #tpu.memory_space<vmem>> -> memref<1x2x128xi32, #tpu.memory_space<vmem>>
      %dma_start3A_61 = tpu.memref_squeeze %dma_start3A_60 : memref<1x2x128xi32, #tpu.memory_space<vmem>> -> memref<2x128xi32, #tpu.memory_space<vmem>>
      %dma_start3A_62 = arith.constant 0 : i32
      %dma_start3A_63 = tpu.memref_slice %arg3[%run_scoped3A, %mul3A_12, %dma_start3A_62] : memref<2x2500x128xi32, #tpu.memory_space<hbm>> -> memref<1x2x128xi32, #tpu.memory_space<hbm>>
      %dma_start3A_64 = tpu.memref_squeeze %dma_start3A_63 : memref<1x2x128xi32, #tpu.memory_space<hbm>> -> memref<2x128xi32, #tpu.memory_space<hbm>>
      tpu.enqueue_dma source(%dma_start3A_64 : memref<2x128xi32, #tpu.memory_space<hbm>>) target(%dma_start3A_61 : memref<2x128xi32, #tpu.memory_space<vmem>>) target_semaphore(%run_scoped3A_50 : memref<!tpu.dma_semaphore, #tpu.memory_space<semaphore_mem>>)
      %dma_wait3A = arith.constant 0 : i32
      %dma_wait3A_65 = arith.constant 0 : i32
      %dma_wait3A_66 = tpu.memref_slice %arg8[%run_scoped3A_13, %dma_wait3A, %dma_wait3A_65] : memref<2x2x128xi32, #tpu.memory_space<vmem>> -> memref<1x2x128xi32, #tpu.memory_space<vmem>>
      %dma_wait3A_67 = tpu.memref_squeeze %dma_wait3A_66 : memref<1x2x128xi32, #tpu.memory_space<vmem>> -> memref<2x128xi32, #tpu.memory_space<vmem>>
      %dma_wait3A_68 = arith.constant 0 : i32
      %dma_wait3A_69 = tpu.memref_slice %arg3[%run_scoped3A, %mul3A_12, %dma_wait3A_68] : memref<2x2500x128xi32, #tpu.memory_space<hbm>> -> memref<1x2x128xi32, #tpu.memory_space<hbm>>
      %dma_wait3A_70 = tpu.memref_squeeze %dma_wait3A_69 : memref<1x2x128xi32, #tpu.memory_space<hbm>> -> memref<2x128xi32, #tpu.memory_space<hbm>>
      %dma_wait3A_71 = arith.constant 0 : i32
      %dma_wait3A_72 = arith.constant 0 : i32
      %dma_wait3A_73 = tpu.memref_slice %arg8[%run_scoped3A_13, %dma_wait3A_71, %dma_wait3A_72] : memref<2x2x128xi32, #tpu.memory_space<vmem>> -> memref<1x2x128xi32, #tpu.memory_space<vmem>>
      %dma_wait3A_74 = tpu.memref_squeeze %dma_wait3A_73 : memref<1x2x128xi32, #tpu.memory_space<vmem>> -> memref<2x128xi32, #tpu.memory_space<vmem>>
      %dma_wait3A_75 = arith.constant 0 : i32
      %dma_wait3A_76 = tpu.memref_slice %arg3[%run_scoped3A, %mul3A_12, %dma_wait3A_75] : memref<2x2500x128xi32, #tpu.memory_space<hbm>> -> memref<1x2x128xi32, #tpu.memory_space<hbm>>
      %dma_wait3A_77 = tpu.memref_squeeze %dma_wait3A_76 : memref<1x2x128xi32, #tpu.memory_space<hbm>> -> memref<2x128xi32, #tpu.memory_space<hbm>>
      tpu.wait_dma2 semaphore(%run_scoped3A_50 : memref<!tpu.dma_semaphore, #tpu.memory_space<semaphore_mem>>) src(%dma_wait3A_77 : memref<2x128xi32, #tpu.memory_space<hbm>>) dst(%dma_wait3A_74 : memref<2x128xi32, #tpu.memory_space<vmem>>)
      tpu.yield
    }) : () -> ()
    %mul3A_14 = arith.constant 2 : i32
    %mul3A_15 = arith.muli %mul3A_14, %add3A_6 : i32
    %run_scoped3A_16 = arith.constant 1 : i32
    %run_scoped3A_17 = arith.constant 0 : i32
    "tpu.region"() ({
      %run_scoped3A_50 = tpu.sem_alloc : memref<!tpu.dma_semaphore, #tpu.memory_space<semaphore_mem>>
      %dma_start3A_51 = arith.constant 0 : i32
      %dma_start3A_52 = arith.constant 0 : i32
      %dma_start3A_53 = tpu.memref_slice %arg9[%run_scoped3A_17, %dma_start3A_51, %dma_start3A_52] : memref<2x2x128xi32, #tpu.memory_space<vmem>> -> memref<1x2x128xi32, #tpu.memory_space<vmem>>
      %dma_start3A_54 = tpu.memref_squeeze %dma_start3A_53 : memref<1x2x128xi32, #tpu.memory_space<vmem>> -> memref<2x128xi32, #tpu.memory_space<vmem>>
      %dma_start3A_55 = arith.constant 0 : i32
      %dma_start3A_56 = tpu.memref_slice %arg3[%run_scoped3A_16, %mul3A_15, %dma_start3A_55] : memref<2x2500x128xi32, #tpu.memory_space<hbm>> -> memref<1x2x128xi32, #tpu.memory_space<hbm>>
      %dma_start3A_57 = tpu.memref_squeeze %dma_start3A_56 : memref<1x2x128xi32, #tpu.memory_space<hbm>> -> memref<2x128xi32, #tpu.memory_space<hbm>>
      %dma_start3A_58 = arith.constant 0 : i32
      %dma_start3A_59 = arith.constant 0 : i32
      %dma_start3A_60 = tpu.memref_slice %arg9[%run_scoped3A_17, %dma_start3A_58, %dma_start3A_59] : memref<2x2x128xi32, #tpu.memory_space<vmem>> -> memref<1x2x128xi32, #tpu.memory_space<vmem>>
      %dma_start3A_61 = tpu.memref_squeeze %dma_start3A_60 : memref<1x2x128xi32, #tpu.memory_space<vmem>> -> memref<2x128xi32, #tpu.memory_space<vmem>>
      %dma_start3A_62 = arith.constant 0 : i32
      %dma_start3A_63 = tpu.memref_slice %arg3[%run_scoped3A_16, %mul3A_15, %dma_start3A_62] : memref<2x2500x128xi32, #tpu.memory_space<hbm>> -> memref<1x2x128xi32, #tpu.memory_space<hbm>>
      %dma_start3A_64 = tpu.memref_squeeze %dma_start3A_63 : memref<1x2x128xi32, #tpu.memory_space<hbm>> -> memref<2x128xi32, #tpu.memory_space<hbm>>
      tpu.enqueue_dma source(%dma_start3A_64 : memref<2x128xi32, #tpu.memory_space<hbm>>) target(%dma_start3A_61 : memref<2x128xi32, #tpu.memory_space<vmem>>) target_semaphore(%run_scoped3A_50 : memref<!tpu.dma_semaphore, #tpu.memory_space<semaphore_mem>>)
      %dma_wait3A = arith.constant 0 : i32
      %dma_wait3A_65 = arith.constant 0 : i32
      %dma_wait3A_66 = tpu.memref_slice %arg9[%run_scoped3A_17, %dma_wait3A, %dma_wait3A_65] : memref<2x2x128xi32, #tpu.memory_space<vmem>> -> memref<1x2x128xi32, #tpu.memory_space<vmem>>
      %dma_wait3A_67 = tpu.memref_squeeze %dma_wait3A_66 : memref<1x2x128xi32, #tpu.memory_space<vmem>> -> memref<2x128xi32, #tpu.memory_space<vmem>>
      %dma_wait3A_68 = arith.constant 0 : i32
      %dma_wait3A_69 = tpu.memref_slice %arg3[%run_scoped3A_16, %mul3A_15, %dma_wait3A_68] : memref<2x2500x128xi32, #tpu.memory_space<hbm>> -> memref<1x2x128xi32, #tpu.memory_space<hbm>>
      %dma_wait3A_70 = tpu.memref_squeeze %dma_wait3A_69 : memref<1x2x128xi32, #tpu.memory_space<hbm>> -> memref<2x128xi32, #tpu.memory_space<hbm>>
      %dma_wait3A_71 = arith.constant 0 : i32
      %dma_wait3A_72 = arith.constant 0 : i32
      %dma_wait3A_73 = tpu.memref_slice %arg9[%run_scoped3A_17, %dma_wait3A_71, %dma_wait3A_72] : memref<2x2x128xi32, #tpu.memory_space<vmem>> -> memref<1x2x128xi32, #tpu.memory_space<vmem>>
      %dma_wait3A_74 = tpu.memref_squeeze %dma_wait3A_73 : memref<1x2x128xi32, #tpu.memory_space<vmem>> -> memref<2x128xi32, #tpu.memory_space<vmem>>
      %dma_wait3A_75 = arith.constant 0 : i32
      %dma_wait3A_76 = tpu.memref_slice %arg3[%run_scoped3A_16, %mul3A_15, %dma_wait3A_75] : memref<2x2500x128xi32, #tpu.memory_space<hbm>> -> memref<1x2x128xi32, #tpu.memory_space<hbm>>
      %dma_wait3A_77 = tpu.memref_squeeze %dma_wait3A_76 : memref<1x2x128xi32, #tpu.memory_space<hbm>> -> memref<2x128xi32, #tpu.memory_space<hbm>>
      tpu.wait_dma2 semaphore(%run_scoped3A_50 : memref<!tpu.dma_semaphore, #tpu.memory_space<semaphore_mem>>) src(%dma_wait3A_77 : memref<2x128xi32, #tpu.memory_space<hbm>>) dst(%dma_wait3A_74 : memref<2x128xi32, #tpu.memory_space<vmem>>)
      tpu.yield
    }) : () -> ()
    %dma_start3A = arith.constant 0 : i32
    %dma_start3A_18 = arith.constant 0 : i32
    %dma_start3A_19 = arith.constant 0 : i32
    %dma_start3A_20 = tpu.memref_slice %arg8[%dma_start3A, %dma_start3A_18, %dma_start3A_19] : memref<2x2x128xi32, #tpu.memory_space<vmem>> -> memref<1x1x128xi32, #tpu.memory_space<vmem>>
    %dma_start3A_21 = tpu.memref_squeeze %dma_start3A_20 : memref<1x1x128xi32, #tpu.memory_space<vmem>> -> memref<128xi32, #tpu.memory_space<vmem>>
    %dma_start3A_22 = arith.constant 0 : i32
    %dma_start3A_23 = arith.constant 0 : i32
    %dma_start3A_24 = tpu.memref_slice %arg2[%dma_start3A_22, %dma_start3A_23] : memref<10000x128xf32, #tpu.memory_space<hbm>> -> memref<10000x128xf32, #tpu.memory_space<hbm>>
    tpu.enqueue_indirect_dma source(%dma_start3A_24 : memref<10000x128xf32, #tpu.memory_space<hbm>>) target(%arg10 : memref<128x128xf32, #tpu.memory_space<vmem>>) offsets(%dma_start3A_21 : memref<128xi32, #tpu.memory_space<vmem>>) semaphore(%arg12 : memref<!tpu.dma_semaphore, #tpu.memory_space<semaphore_mem>>)
    %dma_start3A_25 = arith.constant 0 : i32
    %dma_start3A_26 = arith.constant 1 : i32
    %dma_start3A_27 = arith.constant 0 : i32
    %dma_start3A_28 = tpu.memref_slice %arg8[%dma_start3A_25, %dma_start3A_26, %dma_start3A_27] : memref<2x2x128xi32, #tpu.memory_space<vmem>> -> memref<1x1x128xi32, #tpu.memory_space<vmem>>
    %dma_start3A_29 = tpu.memref_squeeze %dma_start3A_28 : memref<1x1x128xi32, #tpu.memory_space<vmem>> -> memref<128xi32, #tpu.memory_space<vmem>>
    %dma_start3A_30 = arith.constant 0 : i32
    %dma_start3A_31 = arith.constant 0 : i32
    %dma_start3A_32 = tpu.memref_slice %arg2[%dma_start3A_30, %dma_start3A_31] : memref<10000x128xf32, #tpu.memory_space<hbm>> -> memref<10000x128xf32, #tpu.memory_space<hbm>>
    tpu.enqueue_indirect_dma source(%dma_start3A_32 : memref<10000x128xf32, #tpu.memory_space<hbm>>) target(%arg11 : memref<128x128xf32, #tpu.memory_space<vmem>>) offsets(%dma_start3A_29 : memref<128xi32, #tpu.memory_space<vmem>>) semaphore(%arg13 : memref<!tpu.dma_semaphore, #tpu.memory_space<semaphore_mem>>)
    %while3A = arith.constant 0 : i32
    %while3A_33 = arith.constant 0 : i32
    %while3A_34 = arith.subi %add3A_10, %while3A_33 : i32
    %while3A_35 = arith.addi %while3A_33, %while3A_34 : i32
    %while3A_36 = arith.constant 1 : i32
    %while3A_37 = arith.divsi %while3A_34, %while3A_36 : i32
    %while3A_38 = arith.muli %while3A_37, %while3A_36 : i32
    %while3A_39 = arith.addi %while3A_33, %while3A_38 : i32
    %while3A_40 = arith.constant 1 : i32
    scf.for %while3A_50 = %while3A_33 to %while3A_39 step %while3A_40  : i32 {
      %rem3A = arith.constant 2 : i32
      %rem3A_51 = arith.remsi %while3A_50, %rem3A : i32
      %add3A_52 = arith.constant 1 : i32
      %add3A_53 = arith.addi %while3A_50, %add3A_52 : i32
      %rem3A_54 = arith.constant 2 : i32
      %rem3A_55 = arith.remsi %add3A_53, %rem3A_54 : i32
      %sub3A = arith.constant 1 : i32
      %sub3A_56 = arith.subi %add3A_10, %sub3A : i32
      %lt3A_57 = arith.cmpi slt, %while3A_50, %sub3A_56 : i32
      %convert_element_type3A_58 = arith.extui %lt3A_57 : i1 to i32
      %cond3A_59 = arith.constant 0 : i32
      %cond3A_60 = arith.cmpi ne, %convert_element_type3A_58, %cond3A_59 : i32
      scf.if %cond3A_60 {
        %add3A_86 = arith.addi %add3A_6, %while3A_50 : i32
        %add3A_87 = arith.constant 1 : i32
        %add3A_88 = arith.addi %add3A_86, %add3A_87 : i32
        %mul3A_89 = arith.constant 2 : i32
        %mul3A_90 = arith.muli %mul3A_89, %add3A_88 : i32
        %run_scoped3A_91 = arith.constant 0 : i32
        "tpu.region"() ({
          %run_scoped3A_95 = tpu.sem_alloc : memref<!tpu.dma_semaphore, #tpu.memory_space<semaphore_mem>>
          %dma_start3A_96 = arith.constant 0 : i32
          %dma_start3A_97 = arith.constant 0 : i32
          %dma_start3A_98 = tpu.memref_slice %arg8[%rem3A_55, %dma_start3A_96, %dma_start3A_97] : memref<2x2x128xi32, #tpu.memory_space<vmem>> -> memref<1x2x128xi32, #tpu.memory_space<vmem>>
          %dma_start3A_99 = tpu.memref_squeeze %dma_start3A_98 : memref<1x2x128xi32, #tpu.memory_space<vmem>> -> memref<2x128xi32, #tpu.memory_space<vmem>>
          %dma_start3A_100 = arith.constant 0 : i32
          %dma_start3A_101 = tpu.memref_slice %arg3[%run_scoped3A_91, %mul3A_90, %dma_start3A_100] : memref<2x2500x128xi32, #tpu.memory_space<hbm>> -> memref<1x2x128xi32, #tpu.memory_space<hbm>>
          %dma_start3A_102 = tpu.memref_squeeze %dma_start3A_101 : memref<1x2x128xi32, #tpu.memory_space<hbm>> -> memref<2x128xi32, #tpu.memory_space<hbm>>
          %dma_start3A_103 = arith.constant 0 : i32
          %dma_start3A_104 = arith.constant 0 : i32
          %dma_start3A_105 = tpu.memref_slice %arg8[%rem3A_55, %dma_start3A_103, %dma_start3A_104] : memref<2x2x128xi32, #tpu.memory_space<vmem>> -> memref<1x2x128xi32, #tpu.memory_space<vmem>>
          %dma_start3A_106 = tpu.memref_squeeze %dma_start3A_105 : memref<1x2x128xi32, #tpu.memory_space<vmem>> -> memref<2x128xi32, #tpu.memory_space<vmem>>
          %dma_start3A_107 = arith.constant 0 : i32
          %dma_start3A_108 = tpu.memref_slice %arg3[%run_scoped3A_91, %mul3A_90, %dma_start3A_107] : memref<2x2500x128xi32, #tpu.memory_space<hbm>> -> memref<1x2x128xi32, #tpu.memory_space<hbm>>
          %dma_start3A_109 = tpu.memref_squeeze %dma_start3A_108 : memref<1x2x128xi32, #tpu.memory_space<hbm>> -> memref<2x128xi32, #tpu.memory_space<hbm>>
          tpu.enqueue_dma source(%dma_start3A_109 : memref<2x128xi32, #tpu.memory_space<hbm>>) target(%dma_start3A_106 : memref<2x128xi32, #tpu.memory_space<vmem>>) target_semaphore(%run_scoped3A_95 : memref<!tpu.dma_semaphore, #tpu.memory_space<semaphore_mem>>)
          %dma_wait3A_110 = arith.constant 0 : i32
          %dma_wait3A_111 = arith.constant 0 : i32
          %dma_wait3A_112 = tpu.memref_slice %arg8[%rem3A_55, %dma_wait3A_110, %dma_wait3A_111] : memref<2x2x128xi32, #tpu.memory_space<vmem>> -> memref<1x2x128xi32, #tpu.memory_space<vmem>>
          %dma_wait3A_113 = tpu.memref_squeeze %dma_wait3A_112 : memref<1x2x128xi32, #tpu.memory_space<vmem>> -> memref<2x128xi32, #tpu.memory_space<vmem>>
          %dma_wait3A_114 = arith.constant 0 : i32
          %dma_wait3A_115 = tpu.memref_slice %arg3[%run_scoped3A_91, %mul3A_90, %dma_wait3A_114] : memref<2x2500x128xi32, #tpu.memory_space<hbm>> -> memref<1x2x128xi32, #tpu.memory_space<hbm>>
          %dma_wait3A_116 = tpu.memref_squeeze %dma_wait3A_115 : memref<1x2x128xi32, #tpu.memory_space<hbm>> -> memref<2x128xi32, #tpu.memory_space<hbm>>
          %dma_wait3A_117 = arith.constant 0 : i32
          %dma_wait3A_118 = arith.constant 0 : i32
          %dma_wait3A_119 = tpu.memref_slice %arg8[%rem3A_55, %dma_wait3A_117, %dma_wait3A_118] : memref<2x2x128xi32, #tpu.memory_space<vmem>> -> memref<1x2x128xi32, #tpu.memory_space<vmem>>
          %dma_wait3A_120 = tpu.memref_squeeze %dma_wait3A_119 : memref<1x2x128xi32, #tpu.memory_space<vmem>> -> memref<2x128xi32, #tpu.memory_space<vmem>>
          %dma_wait3A_121 = arith.constant 0 : i32
          %dma_wait3A_122 = tpu.memref_slice %arg3[%run_scoped3A_91, %mul3A_90, %dma_wait3A_121] : memref<2x2500x128xi32, #tpu.memory_space<hbm>> -> memref<1x2x128xi32, #tpu.memory_space<hbm>>
          %dma_wait3A_123 = tpu.memref_squeeze %dma_wait3A_122 : memref<1x2x128xi32, #tpu.memory_space<hbm>> -> memref<2x128xi32, #tpu.memory_space<hbm>>
          tpu.wait_dma2 semaphore(%run_scoped3A_95 : memref<!tpu.dma_semaphore, #tpu.memory_space<semaphore_mem>>) src(%dma_wait3A_123 : memref<2x128xi32, #tpu.memory_space<hbm>>) dst(%dma_wait3A_120 : memref<2x128xi32, #tpu.memory_space<vmem>>)
          tpu.yield
        }) : () -> ()
        %mul3A_92 = arith.constant 2 : i32
        %mul3A_93 = arith.muli %mul3A_92, %add3A_88 : i32
        %run_scoped3A_94 = arith.constant 1 : i32
        "tpu.region"() ({
          %run_scoped3A_95 = tpu.sem_alloc : memref<!tpu.dma_semaphore, #tpu.memory_space<semaphore_mem>>
          %dma_start3A_96 = arith.constant 0 : i32
          %dma_start3A_97 = arith.constant 0 : i32
          %dma_start3A_98 = tpu.memref_slice %arg9[%rem3A_55, %dma_start3A_96, %dma_start3A_97] : memref<2x2x128xi32, #tpu.memory_space<vmem>> -> memref<1x2x128xi32, #tpu.memory_space<vmem>>
          %dma_start3A_99 = tpu.memref_squeeze %dma_start3A_98 : memref<1x2x128xi32, #tpu.memory_space<vmem>> -> memref<2x128xi32, #tpu.memory_space<vmem>>
          %dma_start3A_100 = arith.constant 0 : i32
          %dma_start3A_101 = tpu.memref_slice %arg3[%run_scoped3A_94, %mul3A_93, %dma_start3A_100] : memref<2x2500x128xi32, #tpu.memory_space<hbm>> -> memref<1x2x128xi32, #tpu.memory_space<hbm>>
          %dma_start3A_102 = tpu.memref_squeeze %dma_start3A_101 : memref<1x2x128xi32, #tpu.memory_space<hbm>> -> memref<2x128xi32, #tpu.memory_space<hbm>>
          %dma_start3A_103 = arith.constant 0 : i32
          %dma_start3A_104 = arith.constant 0 : i32
          %dma_start3A_105 = tpu.memref_slice %arg9[%rem3A_55, %dma_start3A_103, %dma_start3A_104] : memref<2x2x128xi32, #tpu.memory_space<vmem>> -> memref<1x2x128xi32, #tpu.memory_space<vmem>>
          %dma_start3A_106 = tpu.memref_squeeze %dma_start3A_105 : memref<1x2x128xi32, #tpu.memory_space<vmem>> -> memref<2x128xi32, #tpu.memory_space<vmem>>
          %dma_start3A_107 = arith.constant 0 : i32
          %dma_start3A_108 = tpu.memref_slice %arg3[%run_scoped3A_94, %mul3A_93, %dma_start3A_107] : memref<2x2500x128xi32, #tpu.memory_space<hbm>> -> memref<1x2x128xi32, #tpu.memory_space<hbm>>
          %dma_start3A_109 = tpu.memref_squeeze %dma_start3A_108 : memref<1x2x128xi32, #tpu.memory_space<hbm>> -> memref<2x128xi32, #tpu.memory_space<hbm>>
          tpu.enqueue_dma source(%dma_start3A_109 : memref<2x128xi32, #tpu.memory_space<hbm>>) target(%dma_start3A_106 : memref<2x128xi32, #tpu.memory_space<vmem>>) target_semaphore(%run_scoped3A_95 : memref<!tpu.dma_semaphore, #tpu.memory_space<semaphore_mem>>)
          %dma_wait3A_110 = arith.constant 0 : i32
          %dma_wait3A_111 = arith.constant 0 : i32
          %dma_wait3A_112 = tpu.memref_slice %arg9[%rem3A_55, %dma_wait3A_110, %dma_wait3A_111] : memref<2x2x128xi32, #tpu.memory_space<vmem>> -> memref<1x2x128xi32, #tpu.memory_space<vmem>>
          %dma_wait3A_113 = tpu.memref_squeeze %dma_wait3A_112 : memref<1x2x128xi32, #tpu.memory_space<vmem>> -> memref<2x128xi32, #tpu.memory_space<vmem>>
          %dma_wait3A_114 = arith.constant 0 : i32
          %dma_wait3A_115 = tpu.memref_slice %arg3[%run_scoped3A_94, %mul3A_93, %dma_wait3A_114] : memref<2x2500x128xi32, #tpu.memory_space<hbm>> -> memref<1x2x128xi32, #tpu.memory_space<hbm>>
          %dma_wait3A_116 = tpu.memref_squeeze %dma_wait3A_115 : memref<1x2x128xi32, #tpu.memory_space<hbm>> -> memref<2x128xi32, #tpu.memory_space<hbm>>
          %dma_wait3A_117 = arith.constant 0 : i32
          %dma_wait3A_118 = arith.constant 0 : i32
          %dma_wait3A_119 = tpu.memref_slice %arg9[%rem3A_55, %dma_wait3A_117, %dma_wait3A_118] : memref<2x2x128xi32, #tpu.memory_space<vmem>> -> memref<1x2x128xi32, #tpu.memory_space<vmem>>
          %dma_wait3A_120 = tpu.memref_squeeze %dma_wait3A_119 : memref<1x2x128xi32, #tpu.memory_space<vmem>> -> memref<2x128xi32, #tpu.memory_space<vmem>>
          %dma_wait3A_121 = arith.constant 0 : i32
          %dma_wait3A_122 = tpu.memref_slice %arg3[%run_scoped3A_94, %mul3A_93, %dma_wait3A_121] : memref<2x2500x128xi32, #tpu.memory_space<hbm>> -> memref<1x2x128xi32, #tpu.memory_space<hbm>>
          %dma_wait3A_123 = tpu.memref_squeeze %dma_wait3A_122 : memref<1x2x128xi32, #tpu.memory_space<hbm>> -> memref<2x128xi32, #tpu.memory_space<hbm>>
          tpu.wait_dma2 semaphore(%run_scoped3A_95 : memref<!tpu.dma_semaphore, #tpu.memory_space<semaphore_mem>>) src(%dma_wait3A_123 : memref<2x128xi32, #tpu.memory_space<hbm>>) dst(%dma_wait3A_120 : memref<2x128xi32, #tpu.memory_space<vmem>>)
          tpu.yield
        }) : () -> ()
      } else {
      }
      %dma_wait3A = arith.constant 0 : i32
      %dma_wait3A_61 = arith.constant 0 : i32
      %dma_wait3A_62 = tpu.memref_slice %arg4[%dma_wait3A, %dma_wait3A_61] : memref<10000x128xf32, #tpu.memory_space<hbm>> -> memref<128x128xf32, #tpu.memory_space<hbm>>
      %dma_wait3A_63 = arith.constant 0 : i32
      %dma_wait3A_64 = arith.constant 0 : i32
      %dma_wait3A_65 = tpu.memref_slice %arg4[%dma_wait3A_63, %dma_wait3A_64] : memref<10000x128xf32, #tpu.memory_space<hbm>> -> memref<128x128xf32, #tpu.memory_space<hbm>>
      tpu.wait_dma2 semaphore(%arg12 : memref<!tpu.dma_semaphore, #tpu.memory_space<semaphore_mem>>) src(%dma_wait3A_65 : memref<128x128xf32, #tpu.memory_space<hbm>>) dst(%arg10 : memref<128x128xf32, #tpu.memory_space<vmem>>)
      %run_scoped3A_66 = arith.constant 0 : i32
      "tpu.region"() ({
        %run_scoped3A_86 = tpu.sem_alloc : memref<!tpu.dma_semaphore, #tpu.memory_space<semaphore_mem>>
        %dma_start3A_87 = arith.constant 0 : i32
        %dma_start3A_88 = tpu.memref_slice %arg9[%rem3A_51, %run_scoped3A_66, %dma_start3A_87] : memref<2x2x128xi32, #tpu.memory_space<vmem>> -> memref<1x1x128xi32, #tpu.memory_space<vmem>>
        %dma_start3A_89 = tpu.memref_squeeze %dma_start3A_88 : memref<1x1x128xi32, #tpu.memory_space<vmem>> -> memref<128xi32, #tpu.memory_space<vmem>>
        %dma_start3A_90 = arith.constant 0 : i32
        %dma_start3A_91 = arith.constant 0 : i32
        %dma_start3A_92 = tpu.memref_slice %arg7[%dma_start3A_90, %dma_start3A_91] : memref<10000x128xf32, #tpu.memory_space<vmem_shared>> -> memref<10000x128xf32, #tpu.memory_space<vmem_shared>>
        tpu.enqueue_indirect_dma source(%arg10 : memref<128x128xf32, #tpu.memory_space<vmem>>) target(%dma_start3A_92 : memref<10000x128xf32, #tpu.memory_space<vmem_shared>>) offsets(%dma_start3A_89 : memref<128xi32, #tpu.memory_space<vmem>>) semaphore(%run_scoped3A_86 : memref<!tpu.dma_semaphore, #tpu.memory_space<semaphore_mem>>) {add = true}
        %dma_wait3A_93 = arith.constant 0 : i32
        %dma_wait3A_94 = tpu.memref_slice %arg9[%rem3A_51, %run_scoped3A_66, %dma_wait3A_93] : memref<2x2x128xi32, #tpu.memory_space<vmem>> -> memref<1x1x128xi32, #tpu.memory_space<vmem>>
        %dma_wait3A_95 = tpu.memref_squeeze %dma_wait3A_94 : memref<1x1x128xi32, #tpu.memory_space<vmem>> -> memref<128xi32, #tpu.memory_space<vmem>>
        %dma_wait3A_96 = arith.constant 0 : i32
        %dma_wait3A_97 = arith.constant 0 : i32
        %dma_wait3A_98 = tpu.memref_slice %arg7[%dma_wait3A_96, %dma_wait3A_97] : memref<10000x128xf32, #tpu.memory_space<vmem_shared>> -> memref<10000x128xf32, #tpu.memory_space<vmem_shared>>
        tpu.wait_indirect_dma semaphore(%run_scoped3A_86 : memref<!tpu.dma_semaphore, #tpu.memory_space<semaphore_mem>>) src(%arg10 : memref<128x128xf32, #tpu.memory_space<vmem>>) dst(%dma_wait3A_98 : memref<10000x128xf32, #tpu.memory_space<vmem_shared>>)
        tpu.yield
      }) : () -> ()
      %sub3A_67 = arith.constant 1 : i32
      %sub3A_68 = arith.subi %add3A_10, %sub3A_67 : i32
      %lt3A_69 = arith.cmpi slt, %while3A_50, %sub3A_68 : i32
      %convert_element_type3A_70 = arith.extui %lt3A_69 : i1 to i32
      %cond3A_71 = arith.constant 0 : i32
      %cond3A_72 = arith.cmpi ne, %convert_element_type3A_70, %cond3A_71 : i32
      scf.if %cond3A_72 {
        %dma_start3A_86 = arith.constant 0 : i32
        %dma_start3A_87 = arith.constant 0 : i32
        %dma_start3A_88 = tpu.memref_slice %arg8[%rem3A_55, %dma_start3A_86, %dma_start3A_87] : memref<2x2x128xi32, #tpu.memory_space<vmem>> -> memref<1x1x128xi32, #tpu.memory_space<vmem>>
        %dma_start3A_89 = tpu.memref_squeeze %dma_start3A_88 : memref<1x1x128xi32, #tpu.memory_space<vmem>> -> memref<128xi32, #tpu.memory_space<vmem>>
        %dma_start3A_90 = arith.constant 0 : i32
        %dma_start3A_91 = arith.constant 0 : i32
        %dma_start3A_92 = tpu.memref_slice %arg2[%dma_start3A_90, %dma_start3A_91] : memref<10000x128xf32, #tpu.memory_space<hbm>> -> memref<10000x128xf32, #tpu.memory_space<hbm>>
        tpu.enqueue_indirect_dma source(%dma_start3A_92 : memref<10000x128xf32, #tpu.memory_space<hbm>>) target(%arg10 : memref<128x128xf32, #tpu.memory_space<vmem>>) offsets(%dma_start3A_89 : memref<128xi32, #tpu.memory_space<vmem>>) semaphore(%arg12 : memref<!tpu.dma_semaphore, #tpu.memory_space<semaphore_mem>>)
      } else {
      }
      %dma_wait3A_73 = arith.constant 0 : i32
      %dma_wait3A_74 = arith.constant 0 : i32
      %dma_wait3A_75 = tpu.memref_slice %arg4[%dma_wait3A_73, %dma_wait3A_74] : memref<10000x128xf32, #tpu.memory_space<hbm>> -> memref<128x128xf32, #tpu.memory_space<hbm>>
      %dma_wait3A_76 = arith.constant 0 : i32
      %dma_wait3A_77 = arith.constant 0 : i32
      %dma_wait3A_78 = tpu.memref_slice %arg4[%dma_wait3A_76, %dma_wait3A_77] : memref<10000x128xf32, #tpu.memory_space<hbm>> -> memref<128x128xf32, #tpu.memory_space<hbm>>
      tpu.wait_dma2 semaphore(%arg13 : memref<!tpu.dma_semaphore, #tpu.memory_space<semaphore_mem>>) src(%dma_wait3A_78 : memref<128x128xf32, #tpu.memory_space<hbm>>) dst(%arg11 : memref<128x128xf32, #tpu.memory_space<vmem>>)
      %run_scoped3A_79 = arith.constant 1 : i32
      "tpu.region"() ({
        %run_scoped3A_86 = tpu.sem_alloc : memref<!tpu.dma_semaphore, #tpu.memory_space<semaphore_mem>>
        %dma_start3A_87 = arith.constant 0 : i32
        %dma_start3A_88 = tpu.memref_slice %arg9[%rem3A_51, %run_scoped3A_79, %dma_start3A_87] : memref<2x2x128xi32, #tpu.memory_space<vmem>> -> memref<1x1x128xi32, #tpu.memory_space<vmem>>
        %dma_start3A_89 = tpu.memref_squeeze %dma_start3A_88 : memref<1x1x128xi32, #tpu.memory_space<vmem>> -> memref<128xi32, #tpu.memory_space<vmem>>
        %dma_start3A_90 = arith.constant 0 : i32
        %dma_start3A_91 = arith.constant 0 : i32
        %dma_start3A_92 = tpu.memref_slice %arg7[%dma_start3A_90, %dma_start3A_91] : memref<10000x128xf32, #tpu.memory_space<vmem_shared>> -> memref<10000x128xf32, #tpu.memory_space<vmem_shared>>
        tpu.enqueue_indirect_dma source(%arg11 : memref<128x128xf32, #tpu.memory_space<vmem>>) target(%dma_start3A_92 : memref<10000x128xf32, #tpu.memory_space<vmem_shared>>) offsets(%dma_start3A_89 : memref<128xi32, #tpu.memory_space<vmem>>) semaphore(%run_scoped3A_86 : memref<!tpu.dma_semaphore, #tpu.memory_space<semaphore_mem>>) {add = true}
        %dma_wait3A_93 = arith.constant 0 : i32
        %dma_wait3A_94 = tpu.memref_slice %arg9[%rem3A_51, %run_scoped3A_79, %dma_wait3A_93] : memref<2x2x128xi32, #tpu.memory_space<vmem>> -> memref<1x1x128xi32, #tpu.memory_space<vmem>>
        %dma_wait3A_95 = tpu.memref_squeeze %dma_wait3A_94 : memref<1x1x128xi32, #tpu.memory_space<vmem>> -> memref<128xi32, #tpu.memory_space<vmem>>
        %dma_wait3A_96 = arith.constant 0 : i32
        %dma_wait3A_97 = arith.constant 0 : i32
        %dma_wait3A_98 = tpu.memref_slice %arg7[%dma_wait3A_96, %dma_wait3A_97] : memref<10000x128xf32, #tpu.memory_space<vmem_shared>> -> memref<10000x128xf32, #tpu.memory_space<vmem_shared>>
        tpu.wait_indirect_dma semaphore(%run_scoped3A_86 : memref<!tpu.dma_semaphore, #tpu.memory_space<semaphore_mem>>) src(%arg11 : memref<128x128xf32, #tpu.memory_space<vmem>>) dst(%dma_wait3A_98 : memref<10000x128xf32, #tpu.memory_space<vmem_shared>>)
        tpu.yield
      }) : () -> ()
      %sub3A_80 = arith.constant 1 : i32
      %sub3A_81 = arith.subi %add3A_10, %sub3A_80 : i32
      %lt3A_82 = arith.cmpi slt, %while3A_50, %sub3A_81 : i32
      %convert_element_type3A_83 = arith.extui %lt3A_82 : i1 to i32
      %cond3A_84 = arith.constant 0 : i32
      %cond3A_85 = arith.cmpi ne, %convert_element_type3A_83, %cond3A_84 : i32
      scf.if %cond3A_85 {
        %dma_start3A_86 = arith.constant 1 : i32
        %dma_start3A_87 = arith.constant 0 : i32
        %dma_start3A_88 = tpu.memref_slice %arg8[%rem3A_55, %dma_start3A_86, %dma_start3A_87] : memref<2x2x128xi32, #tpu.memory_space<vmem>> -> memref<1x1x128xi32, #tpu.memory_space<vmem>>
        %dma_start3A_89 = tpu.memref_squeeze %dma_start3A_88 : memref<1x1x128xi32, #tpu.memory_space<vmem>> -> memref<128xi32, #tpu.memory_space<vmem>>
        %dma_start3A_90 = arith.constant 0 : i32
        %dma_start3A_91 = arith.constant 0 : i32
        %dma_start3A_92 = tpu.memref_slice %arg2[%dma_start3A_90, %dma_start3A_91] : memref<10000x128xf32, #tpu.memory_space<hbm>> -> memref<10000x128xf32, #tpu.memory_space<hbm>>
        tpu.enqueue_indirect_dma source(%dma_start3A_92 : memref<10000x128xf32, #tpu.memory_space<hbm>>) target(%arg11 : memref<128x128xf32, #tpu.memory_space<vmem>>) offsets(%dma_start3A_89 : memref<128xi32, #tpu.memory_space<vmem>>) semaphore(%arg13 : memref<!tpu.dma_semaphore, #tpu.memory_space<semaphore_mem>>)
      } else {
      }
    }
    %while3A_41 = arith.constant 1 : i32
    scf.for %while3A_50 = %while3A_39 to %while3A_35 step %while3A_41  : i32 {
      %rem3A = arith.constant 2 : i32
      %rem3A_51 = arith.remsi %while3A_50, %rem3A : i32
      %add3A_52 = arith.constant 1 : i32
      %add3A_53 = arith.addi %while3A_50, %add3A_52 : i32
      %rem3A_54 = arith.constant 2 : i32
      %rem3A_55 = arith.remsi %add3A_53, %rem3A_54 : i32
      %sub3A = arith.constant 1 : i32
      %sub3A_56 = arith.subi %add3A_10, %sub3A : i32
      %lt3A_57 = arith.cmpi slt, %while3A_50, %sub3A_56 : i32
      %convert_element_type3A_58 = arith.extui %lt3A_57 : i1 to i32
      %cond3A_59 = arith.constant 0 : i32
      %cond3A_60 = arith.cmpi ne, %convert_element_type3A_58, %cond3A_59 : i32
      scf.if %cond3A_60 {
        %add3A_86 = arith.addi %add3A_6, %while3A_50 : i32
        %add3A_87 = arith.constant 1 : i32
        %add3A_88 = arith.addi %add3A_86, %add3A_87 : i32
        %mul3A_89 = arith.constant 2 : i32
        %mul3A_90 = arith.muli %mul3A_89, %add3A_88 : i32
        %run_scoped3A_91 = arith.constant 0 : i32
        "tpu.region"() ({
          %run_scoped3A_95 = tpu.sem_alloc : memref<!tpu.dma_semaphore, #tpu.memory_space<semaphore_mem>>
          %dma_start3A_96 = arith.constant 0 : i32
          %dma_start3A_97 = arith.constant 0 : i32
          %dma_start3A_98 = tpu.memref_slice %arg8[%rem3A_55, %dma_start3A_96, %dma_start3A_97] : memref<2x2x128xi32, #tpu.memory_space<vmem>> -> memref<1x2x128xi32, #tpu.memory_space<vmem>>
          %dma_start3A_99 = tpu.memref_squeeze %dma_start3A_98 : memref<1x2x128xi32, #tpu.memory_space<vmem>> -> memref<2x128xi32, #tpu.memory_space<vmem>>
          %dma_start3A_100 = arith.constant 0 : i32
          %dma_start3A_101 = tpu.memref_slice %arg3[%run_scoped3A_91, %mul3A_90, %dma_start3A_100] : memref<2x2500x128xi32, #tpu.memory_space<hbm>> -> memref<1x2x128xi32, #tpu.memory_space<hbm>>
          %dma_start3A_102 = tpu.memref_squeeze %dma_start3A_101 : memref<1x2x128xi32, #tpu.memory_space<hbm>> -> memref<2x128xi32, #tpu.memory_space<hbm>>
          %dma_start3A_103 = arith.constant 0 : i32
          %dma_start3A_104 = arith.constant 0 : i32
          %dma_start3A_105 = tpu.memref_slice %arg8[%rem3A_55, %dma_start3A_103, %dma_start3A_104] : memref<2x2x128xi32, #tpu.memory_space<vmem>> -> memref<1x2x128xi32, #tpu.memory_space<vmem>>
          %dma_start3A_106 = tpu.memref_squeeze %dma_start3A_105 : memref<1x2x128xi32, #tpu.memory_space<vmem>> -> memref<2x128xi32, #tpu.memory_space<vmem>>
          %dma_start3A_107 = arith.constant 0 : i32
          %dma_start3A_108 = tpu.memref_slice %arg3[%run_scoped3A_91, %mul3A_90, %dma_start3A_107] : memref<2x2500x128xi32, #tpu.memory_space<hbm>> -> memref<1x2x128xi32, #tpu.memory_space<hbm>>
          %dma_start3A_109 = tpu.memref_squeeze %dma_start3A_108 : memref<1x2x128xi32, #tpu.memory_space<hbm>> -> memref<2x128xi32, #tpu.memory_space<hbm>>
          tpu.enqueue_dma source(%dma_start3A_109 : memref<2x128xi32, #tpu.memory_space<hbm>>) target(%dma_start3A_106 : memref<2x128xi32, #tpu.memory_space<vmem>>) target_semaphore(%run_scoped3A_95 : memref<!tpu.dma_semaphore, #tpu.memory_space<semaphore_mem>>)
          %dma_wait3A_110 = arith.constant 0 : i32
          %dma_wait3A_111 = arith.constant 0 : i32
          %dma_wait3A_112 = tpu.memref_slice %arg8[%rem3A_55, %dma_wait3A_110, %dma_wait3A_111] : memref<2x2x128xi32, #tpu.memory_space<vmem>> -> memref<1x2x128xi32, #tpu.memory_space<vmem>>
          %dma_wait3A_113 = tpu.memref_squeeze %dma_wait3A_112 : memref<1x2x128xi32, #tpu.memory_space<vmem>> -> memref<2x128xi32, #tpu.memory_space<vmem>>
          %dma_wait3A_114 = arith.constant 0 : i32
          %dma_wait3A_115 = tpu.memref_slice %arg3[%run_scoped3A_91, %mul3A_90, %dma_wait3A_114] : memref<2x2500x128xi32, #tpu.memory_space<hbm>> -> memref<1x2x128xi32, #tpu.memory_space<hbm>>
          %dma_wait3A_116 = tpu.memref_squeeze %dma_wait3A_115 : memref<1x2x128xi32, #tpu.memory_space<hbm>> -> memref<2x128xi32, #tpu.memory_space<hbm>>
          %dma_wait3A_117 = arith.constant 0 : i32
          %dma_wait3A_118 = arith.constant 0 : i32
          %dma_wait3A_119 = tpu.memref_slice %arg8[%rem3A_55, %dma_wait3A_117, %dma_wait3A_118] : memref<2x2x128xi32, #tpu.memory_space<vmem>> -> memref<1x2x128xi32, #tpu.memory_space<vmem>>
          %dma_wait3A_120 = tpu.memref_squeeze %dma_wait3A_119 : memref<1x2x128xi32, #tpu.memory_space<vmem>> -> memref<2x128xi32, #tpu.memory_space<vmem>>
          %dma_wait3A_121 = arith.constant 0 : i32
          %dma_wait3A_122 = tpu.memref_slice %arg3[%run_scoped3A_91, %mul3A_90, %dma_wait3A_121] : memref<2x2500x128xi32, #tpu.memory_space<hbm>> -> memref<1x2x128xi32, #tpu.memory_space<hbm>>
          %dma_wait3A_123 = tpu.memref_squeeze %dma_wait3A_122 : memref<1x2x128xi32, #tpu.memory_space<hbm>> -> memref<2x128xi32, #tpu.memory_space<hbm>>
          tpu.wait_dma2 semaphore(%run_scoped3A_95 : memref<!tpu.dma_semaphore, #tpu.memory_space<semaphore_mem>>) src(%dma_wait3A_123 : memref<2x128xi32, #tpu.memory_space<hbm>>) dst(%dma_wait3A_120 : memref<2x128xi32, #tpu.memory_space<vmem>>)
          tpu.yield
        }) : () -> ()
        %mul3A_92 = arith.constant 2 : i32
        %mul3A_93 = arith.muli %mul3A_92, %add3A_88 : i32
        %run_scoped3A_94 = arith.constant 1 : i32
        "tpu.region"() ({
          %run_scoped3A_95 = tpu.sem_alloc : memref<!tpu.dma_semaphore, #tpu.memory_space<semaphore_mem>>
          %dma_start3A_96 = arith.constant 0 : i32
          %dma_start3A_97 = arith.constant 0 : i32
          %dma_start3A_98 = tpu.memref_slice %arg9[%rem3A_55, %dma_start3A_96, %dma_start3A_97] : memref<2x2x128xi32, #tpu.memory_space<vmem>> -> memref<1x2x128xi32, #tpu.memory_space<vmem>>
          %dma_start3A_99 = tpu.memref_squeeze %dma_start3A_98 : memref<1x2x128xi32, #tpu.memory_space<vmem>> -> memref<2x128xi32, #tpu.memory_space<vmem>>
          %dma_start3A_100 = arith.constant 0 : i32
          %dma_start3A_101 = tpu.memref_slice %arg3[%run_scoped3A_94, %mul3A_93, %dma_start3A_100] : memref<2x2500x128xi32, #tpu.memory_space<hbm>> -> memref<1x2x128xi32, #tpu.memory_space<hbm>>
          %dma_start3A_102 = tpu.memref_squeeze %dma_start3A_101 : memref<1x2x128xi32, #tpu.memory_space<hbm>> -> memref<2x128xi32, #tpu.memory_space<hbm>>
          %dma_start3A_103 = arith.constant 0 : i32
          %dma_start3A_104 = arith.constant 0 : i32
          %dma_start3A_105 = tpu.memref_slice %arg9[%rem3A_55, %dma_start3A_103, %dma_start3A_104] : memref<2x2x128xi32, #tpu.memory_space<vmem>> -> memref<1x2x128xi32, #tpu.memory_space<vmem>>
          %dma_start3A_106 = tpu.memref_squeeze %dma_start3A_105 : memref<1x2x128xi32, #tpu.memory_space<vmem>> -> memref<2x128xi32, #tpu.memory_space<vmem>>
          %dma_start3A_107 = arith.constant 0 : i32
          %dma_start3A_108 = tpu.memref_slice %arg3[%run_scoped3A_94, %mul3A_93, %dma_start3A_107] : memref<2x2500x128xi32, #tpu.memory_space<hbm>> -> memref<1x2x128xi32, #tpu.memory_space<hbm>>
          %dma_start3A_109 = tpu.memref_squeeze %dma_start3A_108 : memref<1x2x128xi32, #tpu.memory_space<hbm>> -> memref<2x128xi32, #tpu.memory_space<hbm>>
          tpu.enqueue_dma source(%dma_start3A_109 : memref<2x128xi32, #tpu.memory_space<hbm>>) target(%dma_start3A_106 : memref<2x128xi32, #tpu.memory_space<vmem>>) target_semaphore(%run_scoped3A_95 : memref<!tpu.dma_semaphore, #tpu.memory_space<semaphore_mem>>)
          %dma_wait3A_110 = arith.constant 0 : i32
          %dma_wait3A_111 = arith.constant 0 : i32
          %dma_wait3A_112 = tpu.memref_slice %arg9[%rem3A_55, %dma_wait3A_110, %dma_wait3A_111] : memref<2x2x128xi32, #tpu.memory_space<vmem>> -> memref<1x2x128xi32, #tpu.memory_space<vmem>>
          %dma_wait3A_113 = tpu.memref_squeeze %dma_wait3A_112 : memref<1x2x128xi32, #tpu.memory_space<vmem>> -> memref<2x128xi32, #tpu.memory_space<vmem>>
          %dma_wait3A_114 = arith.constant 0 : i32
          %dma_wait3A_115 = tpu.memref_slice %arg3[%run_scoped3A_94, %mul3A_93, %dma_wait3A_114] : memref<2x2500x128xi32, #tpu.memory_space<hbm>> -> memref<1x2x128xi32, #tpu.memory_space<hbm>>
          %dma_wait3A_116 = tpu.memref_squeeze %dma_wait3A_115 : memref<1x2x128xi32, #tpu.memory_space<hbm>> -> memref<2x128xi32, #tpu.memory_space<hbm>>
          %dma_wait3A_117 = arith.constant 0 : i32
          %dma_wait3A_118 = arith.constant 0 : i32
          %dma_wait3A_119 = tpu.memref_slice %arg9[%rem3A_55, %dma_wait3A_117, %dma_wait3A_118] : memref<2x2x128xi32, #tpu.memory_space<vmem>> -> memref<1x2x128xi32, #tpu.memory_space<vmem>>
          %dma_wait3A_120 = tpu.memref_squeeze %dma_wait3A_119 : memref<1x2x128xi32, #tpu.memory_space<vmem>> -> memref<2x128xi32, #tpu.memory_space<vmem>>
          %dma_wait3A_121 = arith.constant 0 : i32
          %dma_wait3A_122 = tpu.memref_slice %arg3[%run_scoped3A_94, %mul3A_93, %dma_wait3A_121] : memref<2x2500x128xi32, #tpu.memory_space<hbm>> -> memref<1x2x128xi32, #tpu.memory_space<hbm>>
          %dma_wait3A_123 = tpu.memref_squeeze %dma_wait3A_122 : memref<1x2x128xi32, #tpu.memory_space<hbm>> -> memref<2x128xi32, #tpu.memory_space<hbm>>
          tpu.wait_dma2 semaphore(%run_scoped3A_95 : memref<!tpu.dma_semaphore, #tpu.memory_space<semaphore_mem>>) src(%dma_wait3A_123 : memref<2x128xi32, #tpu.memory_space<hbm>>) dst(%dma_wait3A_120 : memref<2x128xi32, #tpu.memory_space<vmem>>)
          tpu.yield
        }) : () -> ()
      } else {
      }
      %dma_wait3A = arith.constant 0 : i32
      %dma_wait3A_61 = arith.constant 0 : i32
      %dma_wait3A_62 = tpu.memref_slice %arg4[%dma_wait3A, %dma_wait3A_61] : memref<10000x128xf32, #tpu.memory_space<hbm>> -> memref<128x128xf32, #tpu.memory_space<hbm>>
      %dma_wait3A_63 = arith.constant 0 : i32
      %dma_wait3A_64 = arith.constant 0 : i32
      %dma_wait3A_65 = tpu.memref_slice %arg4[%dma_wait3A_63, %dma_wait3A_64] : memref<10000x128xf32, #tpu.memory_space<hbm>> -> memref<128x128xf32, #tpu.memory_space<hbm>>
      tpu.wait_dma2 semaphore(%arg12 : memref<!tpu.dma_semaphore, #tpu.memory_space<semaphore_mem>>) src(%dma_wait3A_65 : memref<128x128xf32, #tpu.memory_space<hbm>>) dst(%arg10 : memref<128x128xf32, #tpu.memory_space<vmem>>)
      %run_scoped3A_66 = arith.constant 0 : i32
      "tpu.region"() ({
        %run_scoped3A_86 = tpu.sem_alloc : memref<!tpu.dma_semaphore, #tpu.memory_space<semaphore_mem>>
        %dma_start3A_87 = arith.constant 0 : i32
        %dma_start3A_88 = tpu.memref_slice %arg9[%rem3A_51, %run_scoped3A_66, %dma_start3A_87] : memref<2x2x128xi32, #tpu.memory_space<vmem>> -> memref<1x1x128xi32, #tpu.memory_space<vmem>>
        %dma_start3A_89 = tpu.memref_squeeze %dma_start3A_88 : memref<1x1x128xi32, #tpu.memory_space<vmem>> -> memref<128xi32, #tpu.memory_space<vmem>>
        %dma_start3A_90 = arith.constant 0 : i32
        %dma_start3A_91 = arith.constant 0 : i32
        %dma_start3A_92 = tpu.memref_slice %arg7[%dma_start3A_90, %dma_start3A_91] : memref<10000x128xf32, #tpu.memory_space<vmem_shared>> -> memref<10000x128xf32, #tpu.memory_space<vmem_shared>>
        tpu.enqueue_indirect_dma source(%arg10 : memref<128x128xf32, #tpu.memory_space<vmem>>) target(%dma_start3A_92 : memref<10000x128xf32, #tpu.memory_space<vmem_shared>>) offsets(%dma_start3A_89 : memref<128xi32, #tpu.memory_space<vmem>>) semaphore(%run_scoped3A_86 : memref<!tpu.dma_semaphore, #tpu.memory_space<semaphore_mem>>) {add = true}
        %dma_wait3A_93 = arith.constant 0 : i32
        %dma_wait3A_94 = tpu.memref_slice %arg9[%rem3A_51, %run_scoped3A_66, %dma_wait3A_93] : memref<2x2x128xi32, #tpu.memory_space<vmem>> -> memref<1x1x128xi32, #tpu.memory_space<vmem>>
        %dma_wait3A_95 = tpu.memref_squeeze %dma_wait3A_94 : memref<1x1x128xi32, #tpu.memory_space<vmem>> -> memref<128xi32, #tpu.memory_space<vmem>>
        %dma_wait3A_96 = arith.constant 0 : i32
        %dma_wait3A_97 = arith.constant 0 : i32
        %dma_wait3A_98 = tpu.memref_slice %arg7[%dma_wait3A_96, %dma_wait3A_97] : memref<10000x128xf32, #tpu.memory_space<vmem_shared>> -> memref<10000x128xf32, #tpu.memory_space<vmem_shared>>
        tpu.wait_indirect_dma semaphore(%run_scoped3A_86 : memref<!tpu.dma_semaphore, #tpu.memory_space<semaphore_mem>>) src(%arg10 : memref<128x128xf32, #tpu.memory_space<vmem>>) dst(%dma_wait3A_98 : memref<10000x128xf32, #tpu.memory_space<vmem_shared>>)
        tpu.yield
      }) : () -> ()
      %sub3A_67 = arith.constant 1 : i32
      %sub3A_68 = arith.subi %add3A_10, %sub3A_67 : i32
      %lt3A_69 = arith.cmpi slt, %while3A_50, %sub3A_68 : i32
      %convert_element_type3A_70 = arith.extui %lt3A_69 : i1 to i32
      %cond3A_71 = arith.constant 0 : i32
      %cond3A_72 = arith.cmpi ne, %convert_element_type3A_70, %cond3A_71 : i32
      scf.if %cond3A_72 {
        %dma_start3A_86 = arith.constant 0 : i32
        %dma_start3A_87 = arith.constant 0 : i32
        %dma_start3A_88 = tpu.memref_slice %arg8[%rem3A_55, %dma_start3A_86, %dma_start3A_87] : memref<2x2x128xi32, #tpu.memory_space<vmem>> -> memref<1x1x128xi32, #tpu.memory_space<vmem>>
        %dma_start3A_89 = tpu.memref_squeeze %dma_start3A_88 : memref<1x1x128xi32, #tpu.memory_space<vmem>> -> memref<128xi32, #tpu.memory_space<vmem>>
        %dma_start3A_90 = arith.constant 0 : i32
        %dma_start3A_91 = arith.constant 0 : i32
        %dma_start3A_92 = tpu.memref_slice %arg2[%dma_start3A_90, %dma_start3A_91] : memref<10000x128xf32, #tpu.memory_space<hbm>> -> memref<10000x128xf32, #tpu.memory_space<hbm>>
        tpu.enqueue_indirect_dma source(%dma_start3A_92 : memref<10000x128xf32, #tpu.memory_space<hbm>>) target(%arg10 : memref<128x128xf32, #tpu.memory_space<vmem>>) offsets(%dma_start3A_89 : memref<128xi32, #tpu.memory_space<vmem>>) semaphore(%arg12 : memref<!tpu.dma_semaphore, #tpu.memory_space<semaphore_mem>>)
      } else {
      }
      %dma_wait3A_73 = arith.constant 0 : i32
      %dma_wait3A_74 = arith.constant 0 : i32
      %dma_wait3A_75 = tpu.memref_slice %arg4[%dma_wait3A_73, %dma_wait3A_74] : memref<10000x128xf32, #tpu.memory_space<hbm>> -> memref<128x128xf32, #tpu.memory_space<hbm>>
      %dma_wait3A_76 = arith.constant 0 : i32
      %dma_wait3A_77 = arith.constant 0 : i32
      %dma_wait3A_78 = tpu.memref_slice %arg4[%dma_wait3A_76, %dma_wait3A_77] : memref<10000x128xf32, #tpu.memory_space<hbm>> -> memref<128x128xf32, #tpu.memory_space<hbm>>
      tpu.wait_dma2 semaphore(%arg13 : memref<!tpu.dma_semaphore, #tpu.memory_space<semaphore_mem>>) src(%dma_wait3A_78 : memref<128x128xf32, #tpu.memory_space<hbm>>) dst(%arg11 : memref<128x128xf32, #tpu.memory_space<vmem>>)
      %run_scoped3A_79 = arith.constant 1 : i32
      "tpu.region"() ({
        %run_scoped3A_86 = tpu.sem_alloc : memref<!tpu.dma_semaphore, #tpu.memory_space<semaphore_mem>>
        %dma_start3A_87 = arith.constant 0 : i32
        %dma_start3A_88 = tpu.memref_slice %arg9[%rem3A_51, %run_scoped3A_79, %dma_start3A_87] : memref<2x2x128xi32, #tpu.memory_space<vmem>> -> memref<1x1x128xi32, #tpu.memory_space<vmem>>
        %dma_start3A_89 = tpu.memref_squeeze %dma_start3A_88 : memref<1x1x128xi32, #tpu.memory_space<vmem>> -> memref<128xi32, #tpu.memory_space<vmem>>
        %dma_start3A_90 = arith.constant 0 : i32
        %dma_start3A_91 = arith.constant 0 : i32
        %dma_start3A_92 = tpu.memref_slice %arg7[%dma_start3A_90, %dma_start3A_91] : memref<10000x128xf32, #tpu.memory_space<vmem_shared>> -> memref<10000x128xf32, #tpu.memory_space<vmem_shared>>
        tpu.enqueue_indirect_dma source(%arg11 : memref<128x128xf32, #tpu.memory_space<vmem>>) target(%dma_start3A_92 : memref<10000x128xf32, #tpu.memory_space<vmem_shared>>) offsets(%dma_start3A_89 : memref<128xi32, #tpu.memory_space<vmem>>) semaphore(%run_scoped3A_86 : memref<!tpu.dma_semaphore, #tpu.memory_space<semaphore_mem>>) {add = true}
        %dma_wait3A_93 = arith.constant 0 : i32
        %dma_wait3A_94 = tpu.memref_slice %arg9[%rem3A_51, %run_scoped3A_79, %dma_wait3A_93] : memref<2x2x128xi32, #tpu.memory_space<vmem>> -> memref<1x1x128xi32, #tpu.memory_space<vmem>>
        %dma_wait3A_95 = tpu.memref_squeeze %dma_wait3A_94 : memref<1x1x128xi32, #tpu.memory_space<vmem>> -> memref<128xi32, #tpu.memory_space<vmem>>
        %dma_wait3A_96 = arith.constant 0 : i32
        %dma_wait3A_97 = arith.constant 0 : i32
        %dma_wait3A_98 = tpu.memref_slice %arg7[%dma_wait3A_96, %dma_wait3A_97] : memref<10000x128xf32, #tpu.memory_space<vmem_shared>> -> memref<10000x128xf32, #tpu.memory_space<vmem_shared>>
        tpu.wait_indirect_dma semaphore(%run_scoped3A_86 : memref<!tpu.dma_semaphore, #tpu.memory_space<semaphore_mem>>) src(%arg11 : memref<128x128xf32, #tpu.memory_space<vmem>>) dst(%dma_wait3A_98 : memref<10000x128xf32, #tpu.memory_space<vmem_shared>>)
        tpu.yield
      }) : () -> ()
      %sub3A_80 = arith.constant 1 : i32
      %sub3A_81 = arith.subi %add3A_10, %sub3A_80 : i32
      %lt3A_82 = arith.cmpi slt, %while3A_50, %sub3A_81 : i32
      %convert_element_type3A_83 = arith.extui %lt3A_82 : i1 to i32
      %cond3A_84 = arith.constant 0 : i32
      %cond3A_85 = arith.cmpi ne, %convert_element_type3A_83, %cond3A_84 : i32
      scf.if %cond3A_85 {
        %dma_start3A_86 = arith.constant 1 : i32
        %dma_start3A_87 = arith.constant 0 : i32
        %dma_start3A_88 = tpu.memref_slice %arg8[%rem3A_55, %dma_start3A_86, %dma_start3A_87] : memref<2x2x128xi32, #tpu.memory_space<vmem>> -> memref<1x1x128xi32, #tpu.memory_space<vmem>>
        %dma_start3A_89 = tpu.memref_squeeze %dma_start3A_88 : memref<1x1x128xi32, #tpu.memory_space<vmem>> -> memref<128xi32, #tpu.memory_space<vmem>>
        %dma_start3A_90 = arith.constant 0 : i32
        %dma_start3A_91 = arith.constant 0 : i32
        %dma_start3A_92 = tpu.memref_slice %arg2[%dma_start3A_90, %dma_start3A_91] : memref<10000x128xf32, #tpu.memory_space<hbm>> -> memref<10000x128xf32, #tpu.memory_space<hbm>>
        tpu.enqueue_indirect_dma source(%dma_start3A_92 : memref<10000x128xf32, #tpu.memory_space<hbm>>) target(%arg11 : memref<128x128xf32, #tpu.memory_space<vmem>>) offsets(%dma_start3A_89 : memref<128xi32, #tpu.memory_space<vmem>>) semaphore(%arg13 : memref<!tpu.dma_semaphore, #tpu.memory_space<semaphore_mem>>)
      } else {
      }
    }
    %barrier3A_42 = arith.constant 0 : index
    tpu.barrier barrier_id(%barrier3A_42)
    %eq3A = arith.constant 0 : i32
    %eq3A_43 = arith.cmpi eq, %arg0, %eq3A : i32
    %convert_element_type3A = arith.extui %eq3A_43 : i1 to i32
    %cond3A = arith.constant 0 : i32
    %cond3A_44 = arith.cmpi ne, %convert_element_type3A, %cond3A : i32
    scf.if %cond3A_44 {
      "tpu.region"() ({
        %run_scoped3A_50 = tpu.sem_alloc : memref<!tpu.dma_semaphore, #tpu.memory_space<semaphore_mem>>
        %dma_start3A_51 = arith.constant 0 : i32
        %dma_start3A_52 = tpu.memref_slice %arg5[%mul3A_2, %dma_start3A_51] : memref<10000x128xf32, #tpu.memory_space<hbm>> -> memref<625x128xf32, #tpu.memory_space<hbm>>
        %dma_start3A_53 = arith.constant 0 : i32
        %dma_start3A_54 = tpu.memref_slice %arg7[%mul3A_2, %dma_start3A_53] : memref<10000x128xf32, #tpu.memory_space<vmem_shared>> -> memref<625x128xf32, #tpu.memory_space<vmem_shared>>
        tpu.enqueue_dma source(%dma_start3A_54 : memref<625x128xf32, #tpu.memory_space<vmem_shared>>) target(%dma_start3A_52 : memref<625x128xf32, #tpu.memory_space<hbm>>) target_semaphore(%run_scoped3A_50 : memref<!tpu.dma_semaphore, #tpu.memory_space<semaphore_mem>>)
        %dma_wait3A = arith.constant 0 : i32
        %dma_wait3A_55 = tpu.memref_slice %arg5[%mul3A_2, %dma_wait3A] : memref<10000x128xf32, #tpu.memory_space<hbm>> -> memref<625x128xf32, #tpu.memory_space<hbm>>
        %dma_wait3A_56 = arith.constant 0 : i32
        %dma_wait3A_57 = tpu.memref_slice %arg7[%mul3A_2, %dma_wait3A_56] : memref<10000x128xf32, #tpu.memory_space<vmem_shared>> -> memref<625x128xf32, #tpu.memory_space<vmem_shared>>
        tpu.wait_dma2 semaphore(%run_scoped3A_50 : memref<!tpu.dma_semaphore, #tpu.memory_space<semaphore_mem>>) src(%dma_wait3A_57 : memref<625x128xf32, #tpu.memory_space<vmem_shared>>) dst(%dma_wait3A_55 : memref<625x128xf32, #tpu.memory_space<hbm>>)
        tpu.yield
      }) : () -> ()
    } else {
    }
    %eq3A_45 = arith.constant 1 : i32
    %eq3A_46 = arith.cmpi eq, %arg0, %eq3A_45 : i32
    %convert_element_type3A_47 = arith.extui %eq3A_46 : i1 to i32
    %cond3A_48 = arith.constant 0 : i32
    %cond3A_49 = arith.cmpi ne, %convert_element_type3A_47, %cond3A_48 : i32
    scf.if %cond3A_49 {
      "tpu.region"() ({
        %run_scoped3A_50 = tpu.sem_alloc : memref<!tpu.dma_semaphore, #tpu.memory_space<semaphore_mem>>
        %dma_start3A_51 = arith.constant 0 : i32
        %dma_start3A_52 = tpu.memref_slice %arg6[%mul3A_2, %dma_start3A_51] : memref<10000x128xf32, #tpu.memory_space<hbm>> -> memref<625x128xf32, #tpu.memory_space<hbm>>
        %dma_start3A_53 = arith.constant 0 : i32
        %dma_start3A_54 = tpu.memref_slice %arg7[%mul3A_2, %dma_start3A_53] : memref<10000x128xf32, #tpu.memory_space<vmem_shared>> -> memref<625x128xf32, #tpu.memory_space<vmem_shared>>
        tpu.enqueue_dma source(%dma_start3A_54 : memref<625x128xf32, #tpu.memory_space<vmem_shared>>) target(%dma_start3A_52 : memref<625x128xf32, #tpu.memory_space<hbm>>) target_semaphore(%run_scoped3A_50 : memref<!tpu.dma_semaphore, #tpu.memory_space<semaphore_mem>>)
        %dma_wait3A = arith.constant 0 : i32
        %dma_wait3A_55 = tpu.memref_slice %arg6[%mul3A_2, %dma_wait3A] : memref<10000x128xf32, #tpu.memory_space<hbm>> -> memref<625x128xf32, #tpu.memory_space<hbm>>
        %dma_wait3A_56 = arith.constant 0 : i32
        %dma_wait3A_57 = tpu.memref_slice %arg7[%mul3A_2, %dma_wait3A_56] : memref<10000x128xf32, #tpu.memory_space<vmem_shared>> -> memref<625x128xf32, #tpu.memory_space<vmem_shared>>
        tpu.wait_dma2 semaphore(%run_scoped3A_50 : memref<!tpu.dma_semaphore, #tpu.memory_space<semaphore_mem>>) src(%dma_wait3A_57 : memref<625x128xf32, #tpu.memory_space<vmem_shared>>) dst(%dma_wait3A_55 : memref<625x128xf32, #tpu.memory_space<hbm>>)
        tpu.yield
      }) : () -> ()
    } else {
    }
    return
  }
}

module attributes {stable_mosaic.version = 14 : i64} {
  func.func @body(%arg0: i32, %arg1: memref<2000x128xf32, #tpu.memory_space<vmem>>, %arg2: memref<128x128xf32, #tpu.memory_space<vmem>>, %arg3: memref<2000x128xf32, #tpu.memory_space<vmem>>) attributes {dimension_semantics = [#tpu.dimension_semantics<arbitrary>], iteration_bounds = array<i64: 5>, scalar_prefetch = 0 : i64, scratch_operands = 0 : i64, tpu.core_type = #tpu.core_type<tc>, window_params = [{transform_indices = @transform_0, window_bounds = array<i64: 2000, 128>}, {pipeline_mode = #tpu.pipeline_mode<synchronous>, transform_indices = @transform_1, window_bounds = array<i64: 128, 128>}, {transform_indices = @transform_2, window_bounds = array<i64: 2000, 128>}]} {
    %get3A = arith.constant 0 : index
    %get3A_0 = arith.constant 0 : index
    %get3A_1 = vector.load %arg1[%get3A, %get3A_0] : memref<2000x128xf32, #tpu.memory_space<vmem>>, vector<2000x128xf32>
    %get3A_2 = arith.constant 0 : index
    %get3A_3 = arith.constant 0 : index
    %get3A_4 = vector.load %arg2[%get3A_2, %get3A_3] : memref<128x128xf32, #tpu.memory_space<vmem>>, vector<128x128xf32>
    %dot_general3A = arith.constant dense<0.000000e+00> : vector<2000x128xf32>
    %dot_general3A_5 = tpu.matmul %get3A_1, %get3A_4, %dot_general3A {dimension_numbers = #tpu.dot_dimension_numbers<[1], [1], [0], [0], [0, 0, 1, 0], [], []>, transpose_lhs_hint = false} : vector<2000x128xf32>, vector<128x128xf32>, vector<2000x128xf32> -> vector<2000x128xf32>
    %swap3A = arith.constant 0 : index
    %swap3A_6 = arith.constant 0 : index
    %swap3A_7 = vector.load %arg3[%swap3A, %swap3A_6] : memref<2000x128xf32, #tpu.memory_space<vmem>>, vector<2000x128xf32>
    tpu.vector_store %arg3[%swap3A, %swap3A_6], %dot_general3A_5 {strides = array<i32>} : memref<2000x128xf32, #tpu.memory_space<vmem>>, vector<2000x128xf32>,
    return
  }
  func.func @transform_0(%arg0: i32) -> (i32, i32) {
    %c0_i32 = arith.constant 0 : i32
    %c0_i32_0 = arith.constant 0 : i32
    return %arg0, %c0_i32 : i32, i32
  }
  func.func @transform_1(%arg0: i32) -> (i32, i32) {
    %c0_i32 = arith.constant 0 : i32
    %c0_i32_0 = arith.constant 0 : i32
    %c0_i32_1 = arith.constant 0 : i32
    return %c0_i32, %c0_i32_0 : i32, i32
  }
  func.func @transform_2(%arg0: i32) -> (i32, i32) {
    %c0_i32 = arith.constant 0 : i32
    %c0_i32_0 = arith.constant 0 : i32
    return %arg0, %c0_i32 : i32, i32
  }
}

module attributes {stable_mosaic.version = 14 : i64} {
  func.func @body(%arg0: i32, %arg1: i32, %arg2: memref<2000x128xf32, #tpu.memory_space<vmem>>, %arg3: memref<1x128xf32, #tpu.memory_space<vmem>>, %arg4: memref<1x128xf32, #tpu.memory_space<vmem>>, %arg5: memref<2000x128xf32, #tpu.memory_space<vmem>>, %arg6: memref<2x128xf32, #tpu.memory_space<vmem>>) attributes {dimension_semantics = [#tpu.dimension_semantics<arbitrary>, #tpu.dimension_semantics<arbitrary>], iteration_bounds = array<i64: 2, 5>, scalar_prefetch = 0 : i64, scratch_operands = 1 : i64, tpu.core_type = #tpu.core_type<tc>, window_params = [{transform_indices = @transform_0, window_bounds = array<i64: 2000, 128>}, {pipeline_mode = #tpu.pipeline_mode<synchronous>, transform_indices = @transform_1, window_bounds = array<i64: 1, 128>}, {pipeline_mode = #tpu.pipeline_mode<synchronous>, transform_indices = @transform_2, window_bounds = array<i64: 1, 128>}, {transform_indices = @transform_3, window_bounds = array<i64: 2000, 128>}]} {
    %eq3A = arith.constant 0 : i32
    %eq3A_0 = arith.cmpi eq, %arg0, %eq3A : i32
    %eq3A_1 = arith.constant 0 : i32
    %eq3A_2 = arith.cmpi eq, %arg1, %eq3A_1 : i32
    %and3A = arith.andi %eq3A_0, %eq3A_2 : i1
    %convert_element_type3A = arith.extui %and3A : i1 to i32
    %cond3A = arith.constant 0 : i32
    %cond3A_3 = arith.cmpi ne, %convert_element_type3A, %cond3A : i32
    scf.if %cond3A_3 {
      %broadcast_in_dim3A = arith.constant 0.000000e+00 : f32
      %broadcast_in_dim3A_14 = vector.broadcast %broadcast_in_dim3A : f32 to vector<2x128xf32>
      %swap3A = arith.constant 0 : index
      %swap3A_15 = arith.constant 0 : index
      %swap3A_16 = vector.load %arg6[%swap3A, %swap3A_15] : memref<2x128xf32, #tpu.memory_space<vmem>>, vector<2x128xf32>
      tpu.vector_store %arg6[%swap3A, %swap3A_15], %broadcast_in_dim3A_14 {strides = array<i32>} : memref<2x128xf32, #tpu.memory_space<vmem>>, vector<2x128xf32>,
    } else {
    }
    %eq3A_4 = arith.constant 0 : i32
    %eq3A_5 = arith.cmpi eq, %arg0, %eq3A_4 : i32
    %convert_element_type3A_6 = arith.extui %eq3A_5 : i1 to i32
    %cond3A_7 = arith.constant 0 : i32
    %cond3A_8 = arith.cmpi ne, %convert_element_type3A_6, %cond3A_7 : i32
    scf.if %cond3A_8 {
      %get3A = arith.constant 0 : index
      %get3A_14 = arith.constant 0 : index
      %get3A_15 = vector.load %arg2[%get3A, %get3A_14] : memref<2000x128xf32, #tpu.memory_space<vmem>>, vector<2000x128xf32>
      %get3A_16 = arith.constant 0 : index
      %get3A_17 = arith.constant 0 : index
      %get3A_18 = vector.load %arg6[%get3A_16, %get3A_17] : memref<2x128xf32, #tpu.memory_space<vmem>>, vector<1x128xf32>
      %reduce_sum3A = arith.constant dense<0.000000e+00> : vector<128xf32>
      %reduce_sum3A_19 = vector.multi_reduction <add>, %get3A_15, %reduce_sum3A [0] : vector<2000x128xf32> to vector<128xf32>
      %broadcast_in_dim3A = vector.shape_cast %reduce_sum3A_19 : vector<128xf32> to vector<1x128xf32>
      %add3A = arith.addf %get3A_18, %broadcast_in_dim3A : vector<1x128xf32>
      %swap3A = arith.constant 0 : index
      %swap3A_20 = arith.constant 0 : index
      %swap3A_21 = vector.load %arg6[%swap3A, %swap3A_20] : memref<2x128xf32, #tpu.memory_space<vmem>>, vector<1x128xf32>
      tpu.vector_store %arg6[%swap3A, %swap3A_20], %add3A {strides = array<i32>} : memref<2x128xf32, #tpu.memory_space<vmem>>, vector<1x128xf32>,
      %get3A_22 = arith.constant 1 : index
      %get3A_23 = arith.constant 0 : index
      %get3A_24 = vector.load %arg6[%get3A_22, %get3A_23] : memref<2x128xf32, #tpu.memory_space<vmem>>, vector<1x128xf32>
      %mul3A = arith.mulf %get3A_15, %get3A_15 : vector<2000x128xf32>
      %reduce_sum3A_25 = arith.constant dense<0.000000e+00> : vector<128xf32>
      %reduce_sum3A_26 = vector.multi_reduction <add>, %mul3A, %reduce_sum3A_25 [0] : vector<2000x128xf32> to vector<128xf32>
      %broadcast_in_dim3A_27 = vector.shape_cast %reduce_sum3A_26 : vector<128xf32> to vector<1x128xf32>
      %add3A_28 = arith.addf %get3A_24, %broadcast_in_dim3A_27 : vector<1x128xf32>
      %swap3A_29 = arith.constant 1 : index
      %swap3A_30 = arith.constant 0 : index
      %swap3A_31 = vector.load %arg6[%swap3A_29, %swap3A_30] : memref<2x128xf32, #tpu.memory_space<vmem>>, vector<1x128xf32>
      tpu.vector_store %arg6[%swap3A_29, %swap3A_30], %add3A_28 {strides = array<i32>} : memref<2x128xf32, #tpu.memory_space<vmem>>, vector<1x128xf32>,
    } else {
    }
    %eq3A_9 = arith.constant 1 : i32
    %eq3A_10 = arith.cmpi eq, %arg0, %eq3A_9 : i32
    %convert_element_type3A_11 = arith.extui %eq3A_10 : i1 to i32
    %cond3A_12 = arith.constant 0 : i32
    %cond3A_13 = arith.cmpi ne, %convert_element_type3A_11, %cond3A_12 : i32
    scf.if %cond3A_13 {
      %get3A = arith.constant 0 : index
      %get3A_14 = arith.constant 0 : index
      %get3A_15 = vector.load %arg2[%get3A, %get3A_14] : memref<2000x128xf32, #tpu.memory_space<vmem>>, vector<2000x128xf32>
      %get3A_16 = arith.constant 0 : index
      %get3A_17 = arith.constant 0 : index
      %get3A_18 = vector.load %arg3[%get3A_16, %get3A_17] : memref<1x128xf32, #tpu.memory_space<vmem>>, vector<1x128xf32>
      %get3A_19 = arith.constant 0 : index
      %get3A_20 = arith.constant 0 : index
      %get3A_21 = vector.load %arg4[%get3A_19, %get3A_20] : memref<1x128xf32, #tpu.memory_space<vmem>>, vector<1x128xf32>
      %get3A_22 = arith.constant 0 : index
      %get3A_23 = arith.constant 0 : index
      %get3A_24 = vector.load %arg6[%get3A_22, %get3A_23] : memref<2x128xf32, #tpu.memory_space<vmem>>, vector<1x128xf32>
      %mul3A = arith.constant 9.99999974E-5 : f32
      %mul3A_25 = vector.broadcast %mul3A : f32 to vector<1x128xf32>
      %mul3A_26 = arith.mulf %get3A_24, %mul3A_25 : vector<1x128xf32>
      %get3A_27 = arith.constant 1 : index
      %get3A_28 = arith.constant 0 : index
      %get3A_29 = vector.load %arg6[%get3A_27, %get3A_28] : memref<2x128xf32, #tpu.memory_space<vmem>>, vector<1x128xf32>
      %mul3A_30 = arith.constant 9.99999974E-5 : f32
      %mul3A_31 = vector.broadcast %mul3A_30 : f32 to vector<1x128xf32>
      %mul3A_32 = arith.mulf %get3A_29, %mul3A_31 : vector<1x128xf32>
      %mul3A_33 = arith.mulf %mul3A_26, %mul3A_26 : vector<1x128xf32>
      %sub3A = arith.subf %mul3A_32, %mul3A_33 : vector<1x128xf32>
      %sub3A_34 = vector.broadcast %mul3A_26 : vector<1x128xf32> to vector<2000x128xf32>
      %sub3A_35 = arith.subf %get3A_15, %sub3A_34 : vector<2000x128xf32>
      %add3A = arith.constant 9.99999974E-6 : f32
      %add3A_36 = vector.broadcast %add3A : f32 to vector<1x128xf32>
      %add3A_37 = arith.addf %sub3A, %add3A_36 : vector<1x128xf32>
      %rsqrt3A = math.rsqrt %add3A_37 : vector<1x128xf32>
      %mul3A_38 = vector.broadcast %rsqrt3A : vector<1x128xf32> to vector<2000x128xf32>
      %mul3A_39 = arith.mulf %sub3A_35, %mul3A_38 : vector<2000x128xf32>
      %mul3A_40 = vector.broadcast %get3A_18 : vector<1x128xf32> to vector<2000x128xf32>
      %mul3A_41 = arith.mulf %mul3A_39, %mul3A_40 : vector<2000x128xf32>
      %add3A_42 = vector.broadcast %get3A_21 : vector<1x128xf32> to vector<2000x128xf32>
      %add3A_43 = arith.addf %mul3A_41, %add3A_42 : vector<2000x128xf32>
      %swap3A = arith.constant 0 : index
      %swap3A_44 = arith.constant 0 : index
      %swap3A_45 = vector.load %arg5[%swap3A, %swap3A_44] : memref<2000x128xf32, #tpu.memory_space<vmem>>, vector<2000x128xf32>
      tpu.vector_store %arg5[%swap3A, %swap3A_44], %add3A_43 {strides = array<i32>} : memref<2000x128xf32, #tpu.memory_space<vmem>>, vector<2000x128xf32>,
    } else {
    }
    return
  }
  func.func @transform_0(%arg0: i32, %arg1: i32) -> (i32, i32) {
    %c0_i32 = arith.constant 0 : i32
    %c0_i32_0 = arith.constant 0 : i32
    return %arg1, %c0_i32 : i32, i32
  }
  func.func @transform_1(%arg0: i32, %arg1: i32) -> (i32, i32) {
    %c0_i32 = arith.constant 0 : i32
    %c0_i32_0 = arith.constant 0 : i32
    %c0_i32_1 = arith.constant 0 : i32
    return %c0_i32, %c0_i32_0 : i32, i32
  }
  func.func @transform_2(%arg0: i32, %arg1: i32) -> (i32, i32) {
    %c0_i32 = arith.constant 0 : i32
    %c0_i32_0 = arith.constant 0 : i32
    %c0_i32_1 = arith.constant 0 : i32
    return %c0_i32, %c0_i32_0 : i32, i32
  }
  func.func @transform_3(%arg0: i32, %arg1: i32) -> (i32, i32) {
    %c0_i32 = arith.constant 0 : i32
    %c0_i32_0 = arith.constant 0 : i32
    return %arg1, %c0_i32 : i32, i32
  }
}

module attributes {stable_mosaic.version = 14 : i64} {
  func.func @body(%arg0: i32, %arg1: i32, %arg2: memref<2000x128xf32, #tpu.memory_space<vmem>>, %arg3: memref<2000x128xf32, #tpu.memory_space<vmem>>, %arg4: memref<2000x16xf32, #tpu.memory_space<vmem>>, %arg5: memref<2000x16xf32, #tpu.memory_space<vmem>>, %arg6: memref<2000x128xf32, #tpu.memory_space<vmem>>, %arg7: memref<128x128xf32, #tpu.memory_space<vmem>>, %arg8: memref<1x128xf32, #tpu.memory_space<vmem>>, %arg9: memref<1x128xf32, #tpu.memory_space<vmem>>, %arg10: memref<1x128xf32, #tpu.memory_space<vmem>>, %arg11: memref<2000x128xf32, #tpu.memory_space<vmem>>, %arg12: memref<10000x128xf32, #tpu.memory_space<vmem>>, %arg13: memref<2x128xf32, #tpu.memory_space<vmem>>) attributes {dimension_semantics = [#tpu.dimension_semantics<arbitrary>, #tpu.dimension_semantics<arbitrary>], iteration_bounds = array<i64: 2, 5>, scalar_prefetch = 0 : i64, scratch_operands = 2 : i64, tpu.core_type = #tpu.core_type<tc>, window_params = [{transform_indices = @transform_0, window_bounds = array<i64: 2000, 128>}, {transform_indices = @transform_1, window_bounds = array<i64: 2000, 128>}, {transform_indices = @transform_2, window_bounds = array<i64: 2000, 16>}, {transform_indices = @transform_3, window_bounds = array<i64: 2000, 16>}, {transform_indices = @transform_4, window_bounds = array<i64: 2000, 128>}, {pipeline_mode = #tpu.pipeline_mode<synchronous>, transform_indices = @transform_5, window_bounds = array<i64: 128, 128>}, {pipeline_mode = #tpu.pipeline_mode<synchronous>, transform_indices = @transform_6, window_bounds = array<i64: 1, 128>}, {pipeline_mode = #tpu.pipeline_mode<synchronous>, transform_indices = @transform_7, window_bounds = array<i64: 1, 128>}, {pipeline_mode = #tpu.pipeline_mode<synchronous>, transform_indices = @transform_8, window_bounds = array<i64: 1, 128>}, {transform_indices = @transform_9, window_bounds = array<i64: 2000, 128>}]} {
    %eq3A = arith.constant 0 : i32
    %eq3A_0 = arith.cmpi eq, %arg0, %eq3A : i32
    %eq3A_1 = arith.constant 0 : i32
    %eq3A_2 = arith.cmpi eq, %arg1, %eq3A_1 : i32
    %and3A = arith.andi %eq3A_0, %eq3A_2 : i1
    %convert_element_type3A = arith.extui %and3A : i1 to i32
    %cond3A = arith.constant 0 : i32
    %cond3A_3 = arith.cmpi ne, %convert_element_type3A, %cond3A : i32
    scf.if %cond3A_3 {
      %broadcast_in_dim3A = arith.constant 0.000000e+00 : f32
      %broadcast_in_dim3A_14 = vector.broadcast %broadcast_in_dim3A : f32 to vector<2x128xf32>
      %swap3A = arith.constant 0 : index
      %swap3A_15 = arith.constant 0 : index
      %swap3A_16 = vector.load %arg13[%swap3A, %swap3A_15] : memref<2x128xf32, #tpu.memory_space<vmem>>, vector<2x128xf32>
      tpu.vector_store %arg13[%swap3A, %swap3A_15], %broadcast_in_dim3A_14 {strides = array<i32>} : memref<2x128xf32, #tpu.memory_space<vmem>>, vector<2x128xf32>,
    } else {
    }
    %eq3A_4 = arith.constant 0 : i32
    %eq3A_5 = arith.cmpi eq, %arg0, %eq3A_4 : i32
    %convert_element_type3A_6 = arith.extui %eq3A_5 : i1 to i32
    %cond3A_7 = arith.constant 0 : i32
    %cond3A_8 = arith.cmpi ne, %convert_element_type3A_6, %cond3A_7 : i32
    scf.if %cond3A_8 {
      %get3A = arith.constant 0 : index
      %get3A_14 = arith.constant 0 : index
      %get3A_15 = vector.load %arg4[%get3A, %get3A_14] : memref<2000x16xf32, #tpu.memory_space<vmem>>, vector<2000x1xf32>
      %get3A_16 = arith.constant 0 : index
      %get3A_17 = arith.constant 0 : index
      %get3A_18 = vector.load %arg5[%get3A_16, %get3A_17] : memref<2000x16xf32, #tpu.memory_space<vmem>>, vector<2000x1xf32>
      %add3A = arith.addf %get3A_15, %get3A_18 : vector<2000x1xf32>
      %max3A = arith.constant 1.000000e+00 : f32
      %max3A_19 = vector.broadcast %max3A : f32 to vector<2000x1xf32>
      %max3A_20 = arith.maximumf %add3A, %max3A_19 : vector<2000x1xf32>
      %div3A = arith.constant 1.000000e+00 : f32
      %div3A_21 = vector.broadcast %div3A : f32 to vector<2000x1xf32>
      %div3A_22 = arith.divf %div3A_21, %max3A_20 : vector<2000x1xf32>
      %get3A_23 = arith.constant 0 : index
      %get3A_24 = arith.constant 0 : index
      %get3A_25 = vector.load %arg2[%get3A_23, %get3A_24] : memref<2000x128xf32, #tpu.memory_space<vmem>>, vector<2000x128xf32>
      %get3A_26 = arith.constant 0 : index
      %get3A_27 = arith.constant 0 : index
      %get3A_28 = vector.load %arg3[%get3A_26, %get3A_27] : memref<2000x128xf32, #tpu.memory_space<vmem>>, vector<2000x128xf32>
      %add3A_29 = arith.addf %get3A_25, %get3A_28 : vector<2000x128xf32>
      %mul3A = vector.broadcast %div3A_22 : vector<2000x1xf32> to vector<2000x128xf32>
      %mul3A_30 = arith.mulf %add3A_29, %mul3A : vector<2000x128xf32>
      %get3A_31 = arith.constant 0 : index
      %get3A_32 = arith.constant 0 : index
      %get3A_33 = vector.load %arg7[%get3A_31, %get3A_32] : memref<128x128xf32, #tpu.memory_space<vmem>>, vector<128x128xf32>
      %dot_general3A = arith.constant dense<0.000000e+00> : vector<2000x128xf32>
      %dot_general3A_34 = tpu.matmul %mul3A_30, %get3A_33, %dot_general3A {dimension_numbers = #tpu.dot_dimension_numbers<[1], [1], [0], [0], [0, 0, 1, 0], [], []>, transpose_lhs_hint = false} : vector<2000x128xf32>, vector<128x128xf32>, vector<2000x128xf32> -> vector<2000x128xf32>
      %get3A_35 = arith.constant 0 : index
      %get3A_36 = arith.constant 0 : index
      %get3A_37 = vector.load %arg8[%get3A_35, %get3A_36] : memref<1x128xf32, #tpu.memory_space<vmem>>, vector<1x128xf32>
      %add3A_38 = vector.broadcast %get3A_37 : vector<1x128xf32> to vector<2000x128xf32>
      %add3A_39 = arith.addf %dot_general3A_34, %add3A_38 : vector<2000x128xf32>
      %get3A_40 = arith.constant 0 : index
      %get3A_41 = arith.constant 0 : index
      %get3A_42 = vector.load %arg6[%get3A_40, %get3A_41] : memref<2000x128xf32, #tpu.memory_space<vmem>>, vector<2000x128xf32>
      %add3A_43 = arith.addf %add3A_39, %get3A_42 : vector<2000x128xf32>
      %max3A_44 = arith.constant 0.000000e+00 : f32
      %max3A_45 = vector.broadcast %max3A_44 : f32 to vector<2000x128xf32>
      %max3A_46 = arith.maximumf %add3A_43, %max3A_45 : vector<2000x128xf32>
      %mul3A_47 = arith.constant 2000 : i32
      %mul3A_48 = arith.muli %arg1, %mul3A_47 : i32
      %swap3A = arith.index_cast %mul3A_48 : i32 to index
      %swap3A_49 = arith.constant 0 : index
      %swap3A_50 = vector.load %arg12[%swap3A, %swap3A_49] : memref<10000x128xf32, #tpu.memory_space<vmem>>, vector<2000x128xf32>
      tpu.vector_store %arg12[%swap3A, %swap3A_49], %max3A_46 {strides = array<i32>} : memref<10000x128xf32, #tpu.memory_space<vmem>>, vector<2000x128xf32>,
      %get3A_51 = arith.constant 0 : index
      %get3A_52 = arith.constant 0 : index
      %get3A_53 = vector.load %arg13[%get3A_51, %get3A_52] : memref<2x128xf32, #tpu.memory_space<vmem>>, vector<1x128xf32>
      %reduce_sum3A = arith.constant dense<0.000000e+00> : vector<128xf32>
      %reduce_sum3A_54 = vector.multi_reduction <add>, %max3A_46, %reduce_sum3A [0] : vector<2000x128xf32> to vector<128xf32>
      %broadcast_in_dim3A = vector.shape_cast %reduce_sum3A_54 : vector<128xf32> to vector<1x128xf32>
      %add3A_55 = arith.addf %get3A_53, %broadcast_in_dim3A : vector<1x128xf32>
      %swap3A_56 = arith.constant 0 : index
      %swap3A_57 = arith.constant 0 : index
      %swap3A_58 = vector.load %arg13[%swap3A_56, %swap3A_57] : memref<2x128xf32, #tpu.memory_space<vmem>>, vector<1x128xf32>
      tpu.vector_store %arg13[%swap3A_56, %swap3A_57], %add3A_55 {strides = array<i32>} : memref<2x128xf32, #tpu.memory_space<vmem>>, vector<1x128xf32>,
      %get3A_59 = arith.constant 1 : index
      %get3A_60 = arith.constant 0 : index
      %get3A_61 = vector.load %arg13[%get3A_59, %get3A_60] : memref<2x128xf32, #tpu.memory_space<vmem>>, vector<1x128xf32>
      %mul3A_62 = arith.mulf %max3A_46, %max3A_46 : vector<2000x128xf32>
      %reduce_sum3A_63 = arith.constant dense<0.000000e+00> : vector<128xf32>
      %reduce_sum3A_64 = vector.multi_reduction <add>, %mul3A_62, %reduce_sum3A_63 [0] : vector<2000x128xf32> to vector<128xf32>
      %broadcast_in_dim3A_65 = vector.shape_cast %reduce_sum3A_64 : vector<128xf32> to vector<1x128xf32>
      %add3A_66 = arith.addf %get3A_61, %broadcast_in_dim3A_65 : vector<1x128xf32>
      %swap3A_67 = arith.constant 1 : index
      %swap3A_68 = arith.constant 0 : index
      %swap3A_69 = vector.load %arg13[%swap3A_67, %swap3A_68] : memref<2x128xf32, #tpu.memory_space<vmem>>, vector<1x128xf32>
      tpu.vector_store %arg13[%swap3A_67, %swap3A_68], %add3A_66 {strides = array<i32>} : memref<2x128xf32, #tpu.memory_space<vmem>>, vector<1x128xf32>,
    } else {
    }
    %eq3A_9 = arith.constant 1 : i32
    %eq3A_10 = arith.cmpi eq, %arg0, %eq3A_9 : i32
    %convert_element_type3A_11 = arith.extui %eq3A_10 : i1 to i32
    %cond3A_12 = arith.constant 0 : i32
    %cond3A_13 = arith.cmpi ne, %convert_element_type3A_11, %cond3A_12 : i32
    scf.if %cond3A_13 {
      %mul3A = arith.constant 2000 : i32
      %mul3A_14 = arith.muli %arg1, %mul3A : i32
      %get3A = arith.index_cast %mul3A_14 : i32 to index
      %get3A_15 = arith.constant 0 : index
      %get3A_16 = vector.load %arg12[%get3A, %get3A_15] : memref<10000x128xf32, #tpu.memory_space<vmem>>, vector<2000x128xf32>
      %get3A_17 = arith.constant 0 : index
      %get3A_18 = arith.constant 0 : index
      %get3A_19 = vector.load %arg9[%get3A_17, %get3A_18] : memref<1x128xf32, #tpu.memory_space<vmem>>, vector<1x128xf32>
      %get3A_20 = arith.constant 0 : index
      %get3A_21 = arith.constant 0 : index
      %get3A_22 = vector.load %arg10[%get3A_20, %get3A_21] : memref<1x128xf32, #tpu.memory_space<vmem>>, vector<1x128xf32>
      %get3A_23 = arith.constant 0 : index
      %get3A_24 = arith.constant 0 : index
      %get3A_25 = vector.load %arg13[%get3A_23, %get3A_24] : memref<2x128xf32, #tpu.memory_space<vmem>>, vector<1x128xf32>
      %mul3A_26 = arith.constant 9.99999974E-5 : f32
      %mul3A_27 = vector.broadcast %mul3A_26 : f32 to vector<1x128xf32>
      %mul3A_28 = arith.mulf %get3A_25, %mul3A_27 : vector<1x128xf32>
      %get3A_29 = arith.constant 1 : index
      %get3A_30 = arith.constant 0 : index
      %get3A_31 = vector.load %arg13[%get3A_29, %get3A_30] : memref<2x128xf32, #tpu.memory_space<vmem>>, vector<1x128xf32>
      %mul3A_32 = arith.constant 9.99999974E-5 : f32
      %mul3A_33 = vector.broadcast %mul3A_32 : f32 to vector<1x128xf32>
      %mul3A_34 = arith.mulf %get3A_31, %mul3A_33 : vector<1x128xf32>
      %mul3A_35 = arith.mulf %mul3A_28, %mul3A_28 : vector<1x128xf32>
      %sub3A = arith.subf %mul3A_34, %mul3A_35 : vector<1x128xf32>
      %sub3A_36 = vector.broadcast %mul3A_28 : vector<1x128xf32> to vector<2000x128xf32>
      %sub3A_37 = arith.subf %get3A_16, %sub3A_36 : vector<2000x128xf32>
      %add3A = arith.constant 9.99999974E-6 : f32
      %add3A_38 = vector.broadcast %add3A : f32 to vector<1x128xf32>
      %add3A_39 = arith.addf %sub3A, %add3A_38 : vector<1x128xf32>
      %rsqrt3A = math.rsqrt %add3A_39 : vector<1x128xf32>
      %mul3A_40 = vector.broadcast %rsqrt3A : vector<1x128xf32> to vector<2000x128xf32>
      %mul3A_41 = arith.mulf %sub3A_37, %mul3A_40 : vector<2000x128xf32>
      %mul3A_42 = vector.broadcast %get3A_19 : vector<1x128xf32> to vector<2000x128xf32>
      %mul3A_43 = arith.mulf %mul3A_41, %mul3A_42 : vector<2000x128xf32>
      %add3A_44 = vector.broadcast %get3A_22 : vector<1x128xf32> to vector<2000x128xf32>
      %add3A_45 = arith.addf %mul3A_43, %add3A_44 : vector<2000x128xf32>
      %swap3A = arith.constant 0 : index
      %swap3A_46 = arith.constant 0 : index
      %swap3A_47 = vector.load %arg11[%swap3A, %swap3A_46] : memref<2000x128xf32, #tpu.memory_space<vmem>>, vector<2000x128xf32>
      tpu.vector_store %arg11[%swap3A, %swap3A_46], %add3A_45 {strides = array<i32>} : memref<2000x128xf32, #tpu.memory_space<vmem>>, vector<2000x128xf32>,
    } else {
    }
    return
  }
  func.func @transform_0(%arg0: i32, %arg1: i32) -> (i32, i32) {
    %c0_i32 = arith.constant 0 : i32
    %c0_i32_0 = arith.constant 0 : i32
    return %arg1, %c0_i32 : i32, i32
  }
  func.func @transform_1(%arg0: i32, %arg1: i32) -> (i32, i32) {
    %c0_i32 = arith.constant 0 : i32
    %c0_i32_0 = arith.constant 0 : i32
    return %arg1, %c0_i32 : i32, i32
  }
  func.func @transform_2(%arg0: i32, %arg1: i32) -> (i32, i32) {
    %c0_i32 = arith.constant 0 : i32
    %c0_i32_0 = arith.constant 0 : i32
    return %arg1, %c0_i32 : i32, i32
  }
  func.func @transform_3(%arg0: i32, %arg1: i32) -> (i32, i32) {
    %c0_i32 = arith.constant 0 : i32
    %c0_i32_0 = arith.constant 0 : i32
    return %arg1, %c0_i32 : i32, i32
  }
  func.func @transform_4(%arg0: i32, %arg1: i32) -> (i32, i32) {
    %c0_i32 = arith.constant 0 : i32
    %c0_i32_0 = arith.constant 0 : i32
    return %arg1, %c0_i32 : i32, i32
  }
  func.func @transform_5(%arg0: i32, %arg1: i32) -> (i32, i32) {
    %c0_i32 = arith.constant 0 : i32
    %c0_i32_0 = arith.constant 0 : i32
    %c0_i32_1 = arith.constant 0 : i32
    return %c0_i32, %c0_i32_0 : i32, i32
  }
  func.func @transform_6(%arg0: i32, %arg1: i32) -> (i32, i32) {
    %c0_i32 = arith.constant 0 : i32
    %c0_i32_0 = arith.constant 0 : i32
    %c0_i32_1 = arith.constant 0 : i32
    return %c0_i32, %c0_i32_0 : i32, i32
  }
  func.func @transform_7(%arg0: i32, %arg1: i32) -> (i32, i32) {
    %c0_i32 = arith.constant 0 : i32
    %c0_i32_0 = arith.constant 0 : i32
    %c0_i32_1 = arith.constant 0 : i32
    return %c0_i32, %c0_i32_0 : i32, i32
  }
  func.func @transform_8(%arg0: i32, %arg1: i32) -> (i32, i32) {
    %c0_i32 = arith.constant 0 : i32
    %c0_i32_0 = arith.constant 0 : i32
    %c0_i32_1 = arith.constant 0 : i32
    return %c0_i32, %c0_i32_0 : i32, i32
  }
  func.func @transform_9(%arg0: i32, %arg1: i32) -> (i32, i32) {
    %c0_i32 = arith.constant 0 : i32
    %c0_i32_0 = arith.constant 0 : i32
    return %arg1, %c0_i32 : i32, i32
  }
}

module attributes {stable_mosaic.version = 14 : i64} {
  func.func @body(%arg0: i32, %arg1: i32, %arg2: memref<2000x128xf32, #tpu.memory_space<vmem>>, %arg3: memref<2000x128xf32, #tpu.memory_space<vmem>>, %arg4: memref<2000x16xf32, #tpu.memory_space<vmem>>, %arg5: memref<2000x16xf32, #tpu.memory_space<vmem>>, %arg6: memref<2000x128xf32, #tpu.memory_space<vmem>>, %arg7: memref<128x128xf32, #tpu.memory_space<vmem>>, %arg8: memref<1x128xf32, #tpu.memory_space<vmem>>, %arg9: memref<1x128xf32, #tpu.memory_space<vmem>>, %arg10: memref<1x128xf32, #tpu.memory_space<vmem>>, %arg11: memref<128x128xf32, #tpu.memory_space<vmem>>, %arg12: memref<1x128xf32, #tpu.memory_space<vmem>>, %arg13: memref<64x128xf32, #tpu.memory_space<vmem>>, %arg14: memref<1x64xf32, #tpu.memory_space<vmem>>, %arg15: memref<16x64xf32, #tpu.memory_space<vmem>>, %arg16: memref<1x16xf32, #tpu.memory_space<vmem>>, %arg17: memref<2000x16xf32, #tpu.memory_space<vmem>>, %arg18: memref<10000x128xf32, #tpu.memory_space<vmem>>, %arg19: memref<2x128xf32, #tpu.memory_space<vmem>>) attributes {dimension_semantics = [#tpu.dimension_semantics<arbitrary>, #tpu.dimension_semantics<arbitrary>], iteration_bounds = array<i64: 2, 5>, scalar_prefetch = 0 : i64, scratch_operands = 2 : i64, tpu.core_type = #tpu.core_type<tc>, window_params = [{transform_indices = @transform_0, window_bounds = array<i64: 2000, 128>}, {transform_indices = @transform_1, window_bounds = array<i64: 2000, 128>}, {transform_indices = @transform_2, window_bounds = array<i64: 2000, 16>}, {transform_indices = @transform_3, window_bounds = array<i64: 2000, 16>}, {transform_indices = @transform_4, window_bounds = array<i64: 2000, 128>}, {pipeline_mode = #tpu.pipeline_mode<synchronous>, transform_indices = @transform_5, window_bounds = array<i64: 128, 128>}, {pipeline_mode = #tpu.pipeline_mode<synchronous>, transform_indices = @transform_6, window_bounds = array<i64: 1, 128>}, {pipeline_mode = #tpu.pipeline_mode<synchronous>, transform_indices = @transform_7, window_bounds = array<i64: 1, 128>}, {pipeline_mode = #tpu.pipeline_mode<synchronous>, transform_indices = @transform_8, window_bounds = array<i64: 1, 128>}, {pipeline_mode = #tpu.pipeline_mode<synchronous>, transform_indices = @transform_9, window_bounds = array<i64: 128, 128>}, {pipeline_mode = #tpu.pipeline_mode<synchronous>, transform_indices = @transform_10, window_bounds = array<i64: 1, 128>}, {pipeline_mode = #tpu.pipeline_mode<synchronous>, transform_indices = @transform_11, window_bounds = array<i64: 64, 128>}, {pipeline_mode = #tpu.pipeline_mode<synchronous>, transform_indices = @transform_12, window_bounds = array<i64: 1, 64>}, {pipeline_mode = #tpu.pipeline_mode<synchronous>, transform_indices = @transform_13, window_bounds = array<i64: 16, 64>}, {pipeline_mode = #tpu.pipeline_mode<synchronous>, transform_indices = @transform_14, window_bounds = array<i64: 1, 16>}, {transform_indices = @transform_15, window_bounds = array<i64: 2000, 16>}]} {
    %eq3A = arith.constant 0 : i32
    %eq3A_0 = arith.cmpi eq, %arg0, %eq3A : i32
    %eq3A_1 = arith.constant 0 : i32
    %eq3A_2 = arith.cmpi eq, %arg1, %eq3A_1 : i32
    %and3A = arith.andi %eq3A_0, %eq3A_2 : i1
    %convert_element_type3A = arith.extui %and3A : i1 to i32
    %cond3A = arith.constant 0 : i32
    %cond3A_3 = arith.cmpi ne, %convert_element_type3A, %cond3A : i32
    scf.if %cond3A_3 {
      %broadcast_in_dim3A = arith.constant 0.000000e+00 : f32
      %broadcast_in_dim3A_14 = vector.broadcast %broadcast_in_dim3A : f32 to vector<2x128xf32>
      %swap3A = arith.constant 0 : index
      %swap3A_15 = arith.constant 0 : index
      %swap3A_16 = vector.load %arg19[%swap3A, %swap3A_15] : memref<2x128xf32, #tpu.memory_space<vmem>>, vector<2x128xf32>
      tpu.vector_store %arg19[%swap3A, %swap3A_15], %broadcast_in_dim3A_14 {strides = array<i32>} : memref<2x128xf32, #tpu.memory_space<vmem>>, vector<2x128xf32>,
    } else {
    }
    %eq3A_4 = arith.constant 0 : i32
    %eq3A_5 = arith.cmpi eq, %arg0, %eq3A_4 : i32
    %convert_element_type3A_6 = arith.extui %eq3A_5 : i1 to i32
    %cond3A_7 = arith.constant 0 : i32
    %cond3A_8 = arith.cmpi ne, %convert_element_type3A_6, %cond3A_7 : i32
    scf.if %cond3A_8 {
      %get3A = arith.constant 0 : index
      %get3A_14 = arith.constant 0 : index
      %get3A_15 = vector.load %arg4[%get3A, %get3A_14] : memref<2000x16xf32, #tpu.memory_space<vmem>>, vector<2000x1xf32>
      %get3A_16 = arith.constant 0 : index
      %get3A_17 = arith.constant 0 : index
      %get3A_18 = vector.load %arg5[%get3A_16, %get3A_17] : memref<2000x16xf32, #tpu.memory_space<vmem>>, vector<2000x1xf32>
      %add3A = arith.addf %get3A_15, %get3A_18 : vector<2000x1xf32>
      %max3A = arith.constant 1.000000e+00 : f32
      %max3A_19 = vector.broadcast %max3A : f32 to vector<2000x1xf32>
      %max3A_20 = arith.maximumf %add3A, %max3A_19 : vector<2000x1xf32>
      %div3A = arith.constant 1.000000e+00 : f32
      %div3A_21 = vector.broadcast %div3A : f32 to vector<2000x1xf32>
      %div3A_22 = arith.divf %div3A_21, %max3A_20 : vector<2000x1xf32>
      %get3A_23 = arith.constant 0 : index
      %get3A_24 = arith.constant 0 : index
      %get3A_25 = vector.load %arg2[%get3A_23, %get3A_24] : memref<2000x128xf32, #tpu.memory_space<vmem>>, vector<2000x128xf32>
      %get3A_26 = arith.constant 0 : index
      %get3A_27 = arith.constant 0 : index
      %get3A_28 = vector.load %arg3[%get3A_26, %get3A_27] : memref<2000x128xf32, #tpu.memory_space<vmem>>, vector<2000x128xf32>
      %add3A_29 = arith.addf %get3A_25, %get3A_28 : vector<2000x128xf32>
      %mul3A = vector.broadcast %div3A_22 : vector<2000x1xf32> to vector<2000x128xf32>
      %mul3A_30 = arith.mulf %add3A_29, %mul3A : vector<2000x128xf32>
      %get3A_31 = arith.constant 0 : index
      %get3A_32 = arith.constant 0 : index
      %get3A_33 = vector.load %arg7[%get3A_31, %get3A_32] : memref<128x128xf32, #tpu.memory_space<vmem>>, vector<128x128xf32>
      %dot_general3A = arith.constant dense<0.000000e+00> : vector<2000x128xf32>
      %dot_general3A_34 = tpu.matmul %mul3A_30, %get3A_33, %dot_general3A {dimension_numbers = #tpu.dot_dimension_numbers<[1], [1], [0], [0], [0, 0, 1, 0], [], []>, transpose_lhs_hint = false} : vector<2000x128xf32>, vector<128x128xf32>, vector<2000x128xf32> -> vector<2000x128xf32>
      %get3A_35 = arith.constant 0 : index
      %get3A_36 = arith.constant 0 : index
      %get3A_37 = vector.load %arg8[%get3A_35, %get3A_36] : memref<1x128xf32, #tpu.memory_space<vmem>>, vector<1x128xf32>
      %add3A_38 = vector.broadcast %get3A_37 : vector<1x128xf32> to vector<2000x128xf32>
      %add3A_39 = arith.addf %dot_general3A_34, %add3A_38 : vector<2000x128xf32>
      %get3A_40 = arith.constant 0 : index
      %get3A_41 = arith.constant 0 : index
      %get3A_42 = vector.load %arg6[%get3A_40, %get3A_41] : memref<2000x128xf32, #tpu.memory_space<vmem>>, vector<2000x128xf32>
      %add3A_43 = arith.addf %add3A_39, %get3A_42 : vector<2000x128xf32>
      %max3A_44 = arith.constant 0.000000e+00 : f32
      %max3A_45 = vector.broadcast %max3A_44 : f32 to vector<2000x128xf32>
      %max3A_46 = arith.maximumf %add3A_43, %max3A_45 : vector<2000x128xf32>
      %mul3A_47 = arith.constant 2000 : i32
      %mul3A_48 = arith.muli %arg1, %mul3A_47 : i32
      %swap3A = arith.index_cast %mul3A_48 : i32 to index
      %swap3A_49 = arith.constant 0 : index
      %swap3A_50 = vector.load %arg18[%swap3A, %swap3A_49] : memref<10000x128xf32, #tpu.memory_space<vmem>>, vector<2000x128xf32>
      tpu.vector_store %arg18[%swap3A, %swap3A_49], %max3A_46 {strides = array<i32>} : memref<10000x128xf32, #tpu.memory_space<vmem>>, vector<2000x128xf32>,
      %get3A_51 = arith.constant 0 : index
      %get3A_52 = arith.constant 0 : index
      %get3A_53 = vector.load %arg19[%get3A_51, %get3A_52] : memref<2x128xf32, #tpu.memory_space<vmem>>, vector<1x128xf32>
      %reduce_sum3A = arith.constant dense<0.000000e+00> : vector<128xf32>
      %reduce_sum3A_54 = vector.multi_reduction <add>, %max3A_46, %reduce_sum3A [0] : vector<2000x128xf32> to vector<128xf32>
      %broadcast_in_dim3A = vector.shape_cast %reduce_sum3A_54 : vector<128xf32> to vector<1x128xf32>
      %add3A_55 = arith.addf %get3A_53, %broadcast_in_dim3A : vector<1x128xf32>
      %swap3A_56 = arith.constant 0 : index
      %swap3A_57 = arith.constant 0 : index
      %swap3A_58 = vector.load %arg19[%swap3A_56, %swap3A_57] : memref<2x128xf32, #tpu.memory_space<vmem>>, vector<1x128xf32>
      tpu.vector_store %arg19[%swap3A_56, %swap3A_57], %add3A_55 {strides = array<i32>} : memref<2x128xf32, #tpu.memory_space<vmem>>, vector<1x128xf32>,
      %get3A_59 = arith.constant 1 : index
      %get3A_60 = arith.constant 0 : index
      %get3A_61 = vector.load %arg19[%get3A_59, %get3A_60] : memref<2x128xf32, #tpu.memory_space<vmem>>, vector<1x128xf32>
      %mul3A_62 = arith.mulf %max3A_46, %max3A_46 : vector<2000x128xf32>
      %reduce_sum3A_63 = arith.constant dense<0.000000e+00> : vector<128xf32>
      %reduce_sum3A_64 = vector.multi_reduction <add>, %mul3A_62, %reduce_sum3A_63 [0] : vector<2000x128xf32> to vector<128xf32>
      %broadcast_in_dim3A_65 = vector.shape_cast %reduce_sum3A_64 : vector<128xf32> to vector<1x128xf32>
      %add3A_66 = arith.addf %get3A_61, %broadcast_in_dim3A_65 : vector<1x128xf32>
      %swap3A_67 = arith.constant 1 : index
      %swap3A_68 = arith.constant 0 : index
      %swap3A_69 = vector.load %arg19[%swap3A_67, %swap3A_68] : memref<2x128xf32, #tpu.memory_space<vmem>>, vector<1x128xf32>
      tpu.vector_store %arg19[%swap3A_67, %swap3A_68], %add3A_66 {strides = array<i32>} : memref<2x128xf32, #tpu.memory_space<vmem>>, vector<1x128xf32>,
    } else {
    }
    %eq3A_9 = arith.constant 1 : i32
    %eq3A_10 = arith.cmpi eq, %arg0, %eq3A_9 : i32
    %convert_element_type3A_11 = arith.extui %eq3A_10 : i1 to i32
    %cond3A_12 = arith.constant 0 : i32
    %cond3A_13 = arith.cmpi ne, %convert_element_type3A_11, %cond3A_12 : i32
    scf.if %cond3A_13 {
      %mul3A = arith.constant 2000 : i32
      %mul3A_14 = arith.muli %arg1, %mul3A : i32
      %get3A = arith.index_cast %mul3A_14 : i32 to index
      %get3A_15 = arith.constant 0 : index
      %get3A_16 = vector.load %arg18[%get3A, %get3A_15] : memref<10000x128xf32, #tpu.memory_space<vmem>>, vector<2000x128xf32>
      %get3A_17 = arith.constant 0 : index
      %get3A_18 = arith.constant 0 : index
      %get3A_19 = vector.load %arg9[%get3A_17, %get3A_18] : memref<1x128xf32, #tpu.memory_space<vmem>>, vector<1x128xf32>
      %get3A_20 = arith.constant 0 : index
      %get3A_21 = arith.constant 0 : index
      %get3A_22 = vector.load %arg10[%get3A_20, %get3A_21] : memref<1x128xf32, #tpu.memory_space<vmem>>, vector<1x128xf32>
      %get3A_23 = arith.constant 0 : index
      %get3A_24 = arith.constant 0 : index
      %get3A_25 = vector.load %arg19[%get3A_23, %get3A_24] : memref<2x128xf32, #tpu.memory_space<vmem>>, vector<1x128xf32>
      %mul3A_26 = arith.constant 9.99999974E-5 : f32
      %mul3A_27 = vector.broadcast %mul3A_26 : f32 to vector<1x128xf32>
      %mul3A_28 = arith.mulf %get3A_25, %mul3A_27 : vector<1x128xf32>
      %get3A_29 = arith.constant 1 : index
      %get3A_30 = arith.constant 0 : index
      %get3A_31 = vector.load %arg19[%get3A_29, %get3A_30] : memref<2x128xf32, #tpu.memory_space<vmem>>, vector<1x128xf32>
      %mul3A_32 = arith.constant 9.99999974E-5 : f32
      %mul3A_33 = vector.broadcast %mul3A_32 : f32 to vector<1x128xf32>
      %mul3A_34 = arith.mulf %get3A_31, %mul3A_33 : vector<1x128xf32>
      %mul3A_35 = arith.mulf %mul3A_28, %mul3A_28 : vector<1x128xf32>
      %sub3A = arith.subf %mul3A_34, %mul3A_35 : vector<1x128xf32>
      %sub3A_36 = vector.broadcast %mul3A_28 : vector<1x128xf32> to vector<2000x128xf32>
      %sub3A_37 = arith.subf %get3A_16, %sub3A_36 : vector<2000x128xf32>
      %add3A = arith.constant 9.99999974E-6 : f32
      %add3A_38 = vector.broadcast %add3A : f32 to vector<1x128xf32>
      %add3A_39 = arith.addf %sub3A, %add3A_38 : vector<1x128xf32>
      %rsqrt3A = math.rsqrt %add3A_39 : vector<1x128xf32>
      %mul3A_40 = vector.broadcast %rsqrt3A : vector<1x128xf32> to vector<2000x128xf32>
      %mul3A_41 = arith.mulf %sub3A_37, %mul3A_40 : vector<2000x128xf32>
      %mul3A_42 = vector.broadcast %get3A_19 : vector<1x128xf32> to vector<2000x128xf32>
      %mul3A_43 = arith.mulf %mul3A_41, %mul3A_42 : vector<2000x128xf32>
      %add3A_44 = vector.broadcast %get3A_22 : vector<1x128xf32> to vector<2000x128xf32>
      %add3A_45 = arith.addf %mul3A_43, %add3A_44 : vector<2000x128xf32>
      %get3A_46 = arith.constant 0 : index
      %get3A_47 = arith.constant 0 : index
      %get3A_48 = vector.load %arg11[%get3A_46, %get3A_47] : memref<128x128xf32, #tpu.memory_space<vmem>>, vector<128x128xf32>
      %dot_general3A = arith.constant dense<0.000000e+00> : vector<2000x128xf32>
      %dot_general3A_49 = tpu.matmul %add3A_45, %get3A_48, %dot_general3A {dimension_numbers = #tpu.dot_dimension_numbers<[1], [1], [0], [0], [0, 0, 1, 0], [], []>, transpose_lhs_hint = false} : vector<2000x128xf32>, vector<128x128xf32>, vector<2000x128xf32> -> vector<2000x128xf32>
      %get3A_50 = arith.constant 0 : index
      %get3A_51 = arith.constant 0 : index
      %get3A_52 = vector.load %arg12[%get3A_50, %get3A_51] : memref<1x128xf32, #tpu.memory_space<vmem>>, vector<1x128xf32>
      %add3A_53 = vector.broadcast %get3A_52 : vector<1x128xf32> to vector<2000x128xf32>
      %add3A_54 = arith.addf %dot_general3A_49, %add3A_53 : vector<2000x128xf32>
      %max3A = arith.constant 0.000000e+00 : f32
      %max3A_55 = vector.broadcast %max3A : f32 to vector<2000x128xf32>
      %max3A_56 = arith.maximumf %add3A_54, %max3A_55 : vector<2000x128xf32>
      %get3A_57 = arith.constant 0 : index
      %get3A_58 = arith.constant 0 : index
      %get3A_59 = vector.load %arg13[%get3A_57, %get3A_58] : memref<64x128xf32, #tpu.memory_space<vmem>>, vector<64x128xf32>
      %dot_general3A_60 = arith.constant dense<0.000000e+00> : vector<2000x64xf32>
      %dot_general3A_61 = tpu.matmul %max3A_56, %get3A_59, %dot_general3A_60 {dimension_numbers = #tpu.dot_dimension_numbers<[1], [1], [0], [0], [0, 0, 1, 0], [], []>, transpose_lhs_hint = false} : vector<2000x128xf32>, vector<64x128xf32>, vector<2000x64xf32> -> vector<2000x64xf32>
      %get3A_62 = arith.constant 0 : index
      %get3A_63 = arith.constant 0 : index
      %get3A_64 = vector.load %arg14[%get3A_62, %get3A_63] : memref<1x64xf32, #tpu.memory_space<vmem>>, vector<1x64xf32>
      %add3A_65 = vector.broadcast %get3A_64 : vector<1x64xf32> to vector<2000x64xf32>
      %add3A_66 = arith.addf %dot_general3A_61, %add3A_65 : vector<2000x64xf32>
      %max3A_67 = arith.constant 0.000000e+00 : f32
      %max3A_68 = vector.broadcast %max3A_67 : f32 to vector<2000x64xf32>
      %max3A_69 = arith.maximumf %add3A_66, %max3A_68 : vector<2000x64xf32>
      %get3A_70 = arith.constant 0 : index
      %get3A_71 = arith.constant 0 : index
      %get3A_72 = vector.load %arg15[%get3A_70, %get3A_71] : memref<16x64xf32, #tpu.memory_space<vmem>>, vector<16x64xf32>
      %dot_general3A_73 = arith.constant dense<0.000000e+00> : vector<2000x16xf32>
      %dot_general3A_74 = tpu.matmul %max3A_69, %get3A_72, %dot_general3A_73 {dimension_numbers = #tpu.dot_dimension_numbers<[1], [1], [0], [0], [0, 0, 1, 0], [], []>, transpose_lhs_hint = false} : vector<2000x64xf32>, vector<16x64xf32>, vector<2000x16xf32> -> vector<2000x16xf32>
      %get3A_75 = arith.constant 0 : index
      %get3A_76 = arith.constant 0 : index
      %get3A_77 = vector.load %arg16[%get3A_75, %get3A_76] : memref<1x16xf32, #tpu.memory_space<vmem>>, vector<1x16xf32>
      %add3A_78 = vector.broadcast %get3A_77 : vector<1x16xf32> to vector<2000x16xf32>
      %add3A_79 = arith.addf %dot_general3A_74, %add3A_78 : vector<2000x16xf32>
      %reduce_max3A = arith.constant dense<0xFF800000> : vector<2000xf32>
      %reduce_max3A_80 = vector.multi_reduction <maximumf>, %add3A_79, %reduce_max3A [1] : vector<2000x16xf32> to vector<2000xf32>
      %broadcast_in_dim3A = vector.shape_cast %reduce_max3A_80 : vector<2000xf32> to vector<2000x1xf32>
      %sub3A_81 = vector.broadcast %broadcast_in_dim3A : vector<2000x1xf32> to vector<2000x16xf32>
      %sub3A_82 = arith.subf %add3A_79, %sub3A_81 : vector<2000x16xf32>
      %exp3A = math.exp %sub3A_82 : vector<2000x16xf32>
      %reduce_sum3A = arith.constant dense<0.000000e+00> : vector<2000xf32>
      %reduce_sum3A_83 = vector.multi_reduction <add>, %exp3A, %reduce_sum3A [1] : vector<2000x16xf32> to vector<2000xf32>
      %broadcast_in_dim3A_84 = vector.shape_cast %reduce_sum3A_83 : vector<2000xf32> to vector<2000x1xf32>
      %div3A = vector.broadcast %broadcast_in_dim3A_84 : vector<2000x1xf32> to vector<2000x16xf32>
      %div3A_85 = arith.divf %exp3A, %div3A : vector<2000x16xf32>
      %swap3A = arith.constant 0 : index
      %swap3A_86 = arith.constant 0 : index
      %swap3A_87 = vector.load %arg17[%swap3A, %swap3A_86] : memref<2000x16xf32, #tpu.memory_space<vmem>>, vector<2000x16xf32>
      tpu.vector_store %arg17[%swap3A, %swap3A_86], %div3A_85 {strides = array<i32>} : memref<2000x16xf32, #tpu.memory_space<vmem>>, vector<2000x16xf32>,
    } else {
    }
    return
  }
  func.func @transform_0(%arg0: i32, %arg1: i32) -> (i32, i32) {
    %c0_i32 = arith.constant 0 : i32
    %c0_i32_0 = arith.constant 0 : i32
    return %arg1, %c0_i32 : i32, i32
  }
  func.func @transform_1(%arg0: i32, %arg1: i32) -> (i32, i32) {
    %c0_i32 = arith.constant 0 : i32
    %c0_i32_0 = arith.constant 0 : i32
    return %arg1, %c0_i32 : i32, i32
  }
  func.func @transform_2(%arg0: i32, %arg1: i32) -> (i32, i32) {
    %c0_i32 = arith.constant 0 : i32
    %c0_i32_0 = arith.constant 0 : i32
    return %arg1, %c0_i32 : i32, i32
  }
  func.func @transform_3(%arg0: i32, %arg1: i32) -> (i32, i32) {
    %c0_i32 = arith.constant 0 : i32
    %c0_i32_0 = arith.constant 0 : i32
    return %arg1, %c0_i32 : i32, i32
  }
  func.func @transform_4(%arg0: i32, %arg1: i32) -> (i32, i32) {
    %c0_i32 = arith.constant 0 : i32
    %c0_i32_0 = arith.constant 0 : i32
    return %arg1, %c0_i32 : i32, i32
  }
  func.func @transform_5(%arg0: i32, %arg1: i32) -> (i32, i32) {
    %c0_i32 = arith.constant 0 : i32
    %c0_i32_0 = arith.constant 0 : i32
    %c0_i32_1 = arith.constant 0 : i32
    return %c0_i32, %c0_i32_0 : i32, i32
  }
  func.func @transform_6(%arg0: i32, %arg1: i32) -> (i32, i32) {
    %c0_i32 = arith.constant 0 : i32
    %c0_i32_0 = arith.constant 0 : i32
    %c0_i32_1 = arith.constant 0 : i32
    return %c0_i32, %c0_i32_0 : i32, i32
  }
  func.func @transform_7(%arg0: i32, %arg1: i32) -> (i32, i32) {
    %c0_i32 = arith.constant 0 : i32
    %c0_i32_0 = arith.constant 0 : i32
    %c0_i32_1 = arith.constant 0 : i32
    return %c0_i32, %c0_i32_0 : i32, i32
  }
  func.func @transform_8(%arg0: i32, %arg1: i32) -> (i32, i32) {
    %c0_i32 = arith.constant 0 : i32
    %c0_i32_0 = arith.constant 0 : i32
    %c0_i32_1 = arith.constant 0 : i32
    return %c0_i32, %c0_i32_0 : i32, i32
  }
  func.func @transform_9(%arg0: i32, %arg1: i32) -> (i32, i32) {
    %c0_i32 = arith.constant 0 : i32
    %c0_i32_0 = arith.constant 0 : i32
    %c0_i32_1 = arith.constant 0 : i32
    return %c0_i32, %c0_i32_0 : i32, i32
  }
  func.func @transform_10(%arg0: i32, %arg1: i32) -> (i32, i32) {
    %c0_i32 = arith.constant 0 : i32
    %c0_i32_0 = arith.constant 0 : i32
    %c0_i32_1 = arith.constant 0 : i32
    return %c0_i32, %c0_i32_0 : i32, i32
  }
  func.func @transform_11(%arg0: i32, %arg1: i32) -> (i32, i32) {
    %c0_i32 = arith.constant 0 : i32
    %c0_i32_0 = arith.constant 0 : i32
    %c0_i32_1 = arith.constant 0 : i32
    return %c0_i32, %c0_i32_0 : i32, i32
  }
  func.func @transform_12(%arg0: i32, %arg1: i32) -> (i32, i32) {
    %c0_i32 = arith.constant 0 : i32
    %c0_i32_0 = arith.constant 0 : i32
    %c0_i32_1 = arith.constant 0 : i32
    return %c0_i32, %c0_i32_0 : i32, i32
  }
  func.func @transform_13(%arg0: i32, %arg1: i32) -> (i32, i32) {
    %c0_i32 = arith.constant 0 : i32
    %c0_i32_0 = arith.constant 0 : i32
    %c0_i32_1 = arith.constant 0 : i32
    return %c0_i32, %c0_i32_0 : i32, i32
  }
  func.func @transform_14(%arg0: i32, %arg1: i32) -> (i32, i32) {
    %c0_i32 = arith.constant 0 : i32
    %c0_i32_0 = arith.constant 0 : i32
    %c0_i32_1 = arith.constant 0 : i32
    return %c0_i32, %c0_i32_0 : i32, i32
  }
  func.func @transform_15(%arg0: i32, %arg1: i32) -> (i32, i32) {
    %c0_i32 = arith.constant 0 : i32
    %c0_i32_0 = arith.constant 0 : i32
    return %arg1, %c0_i32 : i32, i32
  }
}

</mosaic_0001>

<sc_bundles>
// kernel: kernel.12.cloned.1.call-start
scs
__scs_entry_jumppad:
0x0: {  	(pc) =	sbr.rel $0x88, $3  }
0x1: {  	(tag) =	ssettag $0x0;
	lr =	simm.s32 $0x1  }
0x2: {  	[smem:$0x3F8F] =	sst lr;
	_ =	strace $0xD0000000  }
0x3: {  	_ = 	snop  }
0x4: {  	_ = 	snop  }
0x5: {  	_ = 	snop  }
0x6: {  	_ = 	snop  }
0x7: {  	_ = 	snop  }
__scs_overlays_trampoline_lowered:
0x8: {  	[smem:$0x3F9E] =	sst s0  }
0x9: {  	[smem:$0x3F9F] =	sst s1  }
0xa: {  	[smem:$0x3FA0] =	sst s2  }
0xb: {  	[smem:$0x3FA1] =	sst s3  }
0xc: {  	[smem:$0x3FA2] =	sst s4  }
0xd: {  	[smem:$0x3FA3] =	sst s5  }
0xe: {  	[smem:$0x3FA4] =	sst s6  }
0xf: {  	[smem:$0x3FA5] =	sst s7  }
0x10: {  	[smem:$0x3FA6] =	sst s8  }
0x11: {  	[smem:$0x3FA7] =	sst s9;
	s0 =	simm.s32 @!p0 $0x0  }
0x12: {  	s1 =	sld [smem:$0x3F8D];
	s0 =	simm.s32 @p0 $0x1  }
0x13: {  	[smem:$0x3FA8] =	sst s0;
	s0 =	simm.s32 @!p1 $0x0  }
0x14: {  	s2 =	sld [smem:$0x3F8C];
	s0 =	simm.s32 @p1 $0x1  }
0x15: {  	[smem:$0x3FA9] =	sst s0;
	s0 =	simm.s32 @!p2 $0x0  }
0x16: {  	s3 =	sld [smem:$0x3FDB];
	s0 =	simm.s32 @p2 $0x1  }
0x17: {  	s4 =	simm.s32 $0x1BF5;
	[smem:$0x3FAB] =	sst s0  }
0x18: {  	s0 =	sld [smem:$0x3F8E];
	_ =	swait.ge [sflag:s4], $0x0  }
0x19: {  	s7 =	sld [smem:$0x3F8F]  }
0x1a: {  	s8 =	sadd.s32 $0xFFFFE003, lr  }
0x1b: {  	s9 =	sadd.s32 $0xFFFFFEF7, lr;
	s5 =	simm.s32 $0xFFFFFFFF;
	p2 =	slt.u32 s8, $0xFFFFF086  }
0x1c: {  	p1 =	slt.u32 s9, $0xF7A;
	s5 =	simm.s32 @!p2 $0x0  }
0x1d: {  	s5 =	simm.s32 @p1 $0x1;
	p0 =	seq.s32 s7, s2  }
0x1e: {  	s7 =	smul.u32 @!p0 $0xF7A, s2;
	p2 =	seq.s32 @!p0 s5, $0x0  }
0x1f: {  	s9 =	smul.u32 $0xF7A, s1;
	s8 =	simm.s32 @!p0 $0x1BF5;
	p2 =	por !p2, p0  }
0x20: {  	[sflag:s8] =	ssyncset.s32 @!p0 $0xFFFFF086;
	s6 =	sadd.s32 @!p0 s3, s7;
	s7 =	simm.s32 @!p0 $0x108  }
0x21: {  	s3 =	sadd.s32 s3, s9;
	s6 =	sadd.s32 @!p0 $0x88, s6;
	s7 =	simm.s32 @p2 $0x1082  }
0x22: {  	[simem:s7], [sflag:s8] =	dma.local @!p0 [hbm:s6], $0xF7A  }
0x23: {  	s9 =	sor.u32 $0xD0000000, s2;
	s6 =	simm.s32 $0x108;
	_ =	swait.ge @!p0 [sflag:s8], $0x0  }
0x24: {  	s3 =	sadd.s32 $0x88, s3;
	s6 =	simm.s32 @!p1 $0x1082;
	[sflag:s4] =	ssyncset.s32 $0xFFFFF086  }
0x25: {  	[simem:s6], [sflag:s4] =	dma.local [hbm:s3], $0xF7A  }
0x26: {  	[smem:$0x3F8F] =	sst s1;
	(tag) =	ssettag s2;
	_ =	strace s9  }
0x27: {  	s1 =	sld [smem:$0x3F9F]  }
0x28: {  	s2 =	sld [smem:$0x3FA0]  }
0x29: {  	s4 =	sld [smem:$0x3FA2]  }
0x2a: {  	p0 =	seq.s32 s5, $0x0;
	s5 =	sld [smem:$0x3FA3]  }
0x2b: {  	s6 =	sld [smem:$0x3FA4]  }
0x2c: {  	s7 =	sld [smem:$0x3FA5]  }
0x2d: {  	s3 =	simm.s32 $0x108;
	s8 =	sld [smem:$0x3FA6]  }
0x2e: {  	s3 =	simm.s32 @!p0 $0x1082;
	s9 =	sld [smem:$0x3FA7]  }
0x2f: {  	lr =	sadd.s32 s0, s3;
	s0 =	sld [smem:$0x3F9E]  }
0x30: {  	s3 =	sld [smem:$0x3FA1]  }
0x31: {  	[smem:$0x3FAA] =	sst s10  }
0x32: {  	s10 =	sld [smem:$0x3FA8];
	_ =	sdelay $0x3  }
0x33: {  	p0 =	seq.s32 s10, $0x1;
	s10 =	sld [smem:$0x3FAA];
	_ =	sdelay $0x3  }
0x34: {  	[smem:$0x3FAA] =	sst s10  }
0x35: {  	s10 =	sld [smem:$0x3FA9];
	_ =	sdelay $0x3  }
0x36: {  	p1 =	seq.s32 s10, $0x1;
	s10 =	sld [smem:$0x3FAA];
	_ =	sdelay $0x3  }
0x37: {  	[smem:$0x3FAA] =	sst s10  }
0x38: {  	s10 =	sld [smem:$0x3FAB]  }
0x39: {  	_ = 	snop;
	(pc) =	sbr.ind lr, $3  }
0x3a: {  	_ = 	snop  }
0x3b: {  	_ = 	snop  }
0x3c: {  	p2 =	seq.s32 s10, $0x1;
	s10 =	sld [smem:$0x3FAA]  }
0x3d: {  	_ =	shalt  }
0x3e: {  	_ =	shalt  }
0x3f: {  	_ =	shalt  }
0x40: {  	_ =	shalt  }
0x41: {  	_ =	shalt  }
0x42: {  	_ =	shalt  }
0x43: {  	_ =	shalt  }
0x44: {  	_ =	shalt  }
0x45: {  	_ =	shalt  }
0x46: {  	_ =	shalt  }
0x47: {  	_ =	shalt  }
0x48: {  	_ =	shalt  }
0x49: {  	_ =	shalt  }
0x4a: {  	_ =	shalt  }
0x4b: {  	_ =	shalt  }
0x4c: {  	_ =	shalt  }
0x4d: {  	_ =	shalt  }
0x4e: {  	_ =	shalt  }
0x4f: {  	_ =	shalt  }
0x50: {  	_ =	shalt  }
0x51: {  	_ =	shalt  }
0x52: {  	_ =	shalt  }
0x53: {  	_ =	shalt  }
0x54: {  	_ =	shalt  }
0x55: {  	_ =	shalt  }
0x56: {  	_ =	shalt  }
0x57: {  	_ =	shalt  }
0x58: {  	_ =	shalt  }
0x59: {  	_ =	shalt  }
0x5a: {  	_ =	shalt  }
0x5b: {  	_ =	shalt  }
0x5c: {  	_ =	shalt  }
0x5d: {  	_ =	shalt  }
0x5e: {  	_ =	shalt  }
0x5f: {  	_ =	shalt  }
0x60: {  	_ =	shalt  }
0x61: {  	_ =	shalt  }
0x62: {  	_ =	shalt  }
0x63: {  	_ =	shalt  }
0x64: {  	_ =	shalt  }
0x65: {  	_ =	shalt  }
0x66: {  	_ =	shalt  }
0x67: {  	_ =	shalt  }
0x68: {  	_ =	shalt  }
0x69: {  	_ =	shalt  }
0x6a: {  	_ =	shalt  }
0x6b: {  	_ =	shalt  }
0x6c: {  	_ =	shalt  }
0x6d: {  	_ =	shalt  }
0x6e: {  	_ =	shalt  }
0x6f: {  	_ =	shalt  }
0x70: {  	_ =	shalt  }
0x71: {  	_ =	shalt  }
0x72: {  	_ =	shalt  }
0x73: {  	_ =	shalt  }
0x74: {  	_ =	shalt  }
0x75: {  	_ =	shalt  }
0x76: {  	_ =	shalt  }
0x77: {  	_ =	shalt  }
0x78: {  	_ =	shalt  }
0x79: {  	_ =	shalt  }
0x7a: {  	_ =	shalt  }
0x7b: {  	_ =	shalt  }
0x7c: {  	_ =	shalt  }
0x7d: {  	_ =	shalt  }
0x7e: {  	_ =	shalt  }
0x7f: {  	_ =	shalt  }
0x80: {  	_ =	shalt  }
0x81: {  	_ =	shalt  }
0x82: {  	_ =	shalt  }
0x83: {  	_ =	shalt  }
0x84: {  	_ =	shalt  }
0x85: {  	_ =	shalt  }
0x86: {  	_ =	shalt  }
0x87: {  	_ =	shalt  }
.Lfunc_end0:
.L_simem_size_0:
called_computation.1_lowered:
.L_overlay_start_0:
0x88: {  	s2 =	sld [smem:$0x3FD9]  }
0x89: {  	s3 =	sld [smem:$0x3FFE];
	_ =	sdelay $0x1  }
0x8a: {  	s1 =	srdreg.scid  }
0x8b: {  	s0 =	sand.u32 $0x1, s1  }
0x8c: {  	s16 =	sshll.u32 s0, $0xA;
	s2 =	sadd.s32 s3, s2  }
0x8d: {  	s2 =	sadd.s32 s2, s16  }
0x8e: {  	[smem:$0x3FB6] =	sst s2  }
0x8f: {  	_ = 	snop  }
0x90: {  	(tm) =	ssettm $0x1  }
0x91: {  	s17 =	sld [smem:$0x3FFB];
	_ =	sdelay $0x3  }
0x92: {  	_ =	strace s17  }
0x93: {  	s2 =	sld [smem:$0x3FFC];
	_ =	sdelay $0x3  }
0x94: {  	_ =	strace s2  }
0x95: {  	s2 =	sld [smem:$0x3FFD];
	_ =	sdelay $0x3  }
0x96: {  	_ =	strace s2  }
0x97: {  	_ =	strace $0x8FFFFFFF  }
0x98: {  	s18 =	sld [smem:$0x3FDB];
	_ =	sdelay $0x1  }
0x99: {  	s19 =	simm.s32 $_scs_section_size  }
0x9a: {  	s4 =	simm.s32 $_size__tile_overlayer_lowered;
	s5 =	simm.s32 $_tile_overlayer_lowered  }
0x9b: {  	s22 =	simm.s32 $0x1BFF;
	s21 =	sshll.u32 s5, $0x1;
	s2 =	sadd.s32 s19, s18  }
0x9c: {  	s6 =	simm.s32 $0x0;
	s20 =	sshll.u32 s4, $0x1;
	s4 =	sadd.s32 s21, s2  }
0x9d: {  	[timem:s6], [sflag:s22] =	dma.local [hbm:s4], s20  }
0x9e: {  	_ =	swait.ge [sflag:s22], s20  }
0x9f: {  	s3 =	ssub.s32 $0x0, s20;
	[sflag:s22] =	ssyncset.done $0x0  }
0xa0: {  	[sflag:s22] =	ssyncadd.s32 s3;
	_ =	sdelay $0x1  }
0xa1: {  	s23 =	simm.s32 $0x1B8B  }
0xa2: {  	_ =	swait.ge [sflag:s23], $0x1  }
0xa3: {  	[sflag:s23] =	ssyncset.done $0x0  }
0xa4: {  	s25 =	simm.s32 $0x1B8E;
	s24 =	sld [smem:$0x3FFE];
	[sflag:s23] =	ssyncadd.s32 $0xFFFFFFFF  }
0xa5: {  	s26 =	simm.s32 $execute0_lowered;
	[smem:$0x3FD2] =	sst s25  }
0xa6: {  	s4 =	sshll.u32 s26, $0x1;
	_ =	strace $0x80000049;
	[dreg:$0x1] =	wrdreg $0xFFFFFFFF  }
0xa7: {  	s28 =	simm.s32 $_size_execute0_lowered;
	s2 =	sadd.s32 s2, s4;
	[dreg:$0x0] =	wrdreg $0x0  }
0xa8: {  	s4 =	sshll.u32 s28, $0x1;
	[dreg:$0x2] =	wrdreg s2  }
0xa9: {  	[dreg:$0x3] =	wrdreg s4  }
0xaa: {  	[dreg:$0x4] =	wrdreg $0xC0  }
0xab: {  	_ =	task [dreg:s6], $0x5FFFF  }
0xac: {  	[dreg:$0x1] =	wrdreg $0xFFFFFFFF  }
0xad: {  	[dreg:$0x0] =	wrdreg $0x60  }
0xae: {  	[dreg:$0x2] =	wrdreg s24  }
0xaf: {  	[dreg:$0x3] =	wrdreg $0x0  }
0xb0: {  	[dreg:$0x4] =	wrdreg $0x9  }
0xb1: {  	_ =	task.clear_ibuf [dreg:s6], $0x5FFFF;
	_ =	strace $0x90000049  }
0xb2: {  	s29 =	simm.s32 $0x9;
	_ =	strace $0x8000004B  }
0xb3: {  	_ =	swait.ge [sflag:s29], $0x1  }
0xb4: {  	[sflag:s29] =	ssyncadd.s32 $0xFFFFFFFF  }
0xb5: {  	_ =	strace $0x9000004B  }
0xb6: {  	_ =	sfence  }
0xb7: {  	s30 =	sld [smem:$0x0];
	_ =	sdelay $0x2  }
0xb8: {  	s31 =	sshll.u32 s1, $0xD;
	s1 =	sshrl.u32 s1, $0x2  }
0xb9: {  	s3 =	sand.u32 $0x4000, s31;
	s1 =	sadd.s32 s1, s30  }
0xba: {  	s0 =	sor.u32 s3, s0;
	s1 =	sshll.u32 s1, $0x11  }
0xbb: {  	s0 =	sor.u32 s1, s0  }
0xbc: {  	s0 =	sadd.s32 $0x8F2B, s0  }
0xbd: {  	[sflag:s0] =	ssyncadd.remote.s32 $0x1  }
0xbe: {  	_ =	sfence.sel $0xFFFF  }
0xbf: {  	[dreg:$0x0] =	wrdreg $0xFFFFFFFF;
	(pc) =	sbr.abs _section_cstart, $3  }
0xc0: {  	[dreg:$0x1] =	wrdreg $0xFFFFFFFF  }
0xc1: {  	_ =	task.clear_ibuf [dreg:s6], $0x2FFFF;
	_ =	strace $0x9FFFFFFF  }
0xc2: {  	(tm) =	ssettm $0x7FFFFFFF  }
0xc3: {  	_ =	shalt  }
tec
execute0_lowered:
.L_overlay_start_1:
0x0: {  	(tag) =	ssettag $0x1  }
0x1: {  	s0 =	rddreg [dreg:$0x0]  }
0x2: {  	s1 =	rddreg [dreg:$0x1];
	s3 =	simm.s32 $0x0;
	s13 =	stileid.u32  }
0x3: {  	s2 =	srdreg.scid;
	s16 =	simm.s32 $0x13880;
	s18 =	simm.s32 $0x80  }
0x4: {  	s19 =	simm.s32 $0x13C80;
	s22 =	simm.s32 $0x1;
	s23 =	simm.s32 $0x0  }
0x5: {  	[smem:$0x7FF] =	sst s3;
	s4 =	sadd.s32 $0x66600, s0;
	s5 =	smul.u32 $0x13880, s13  }
0x6: {  	s2 =	sand.u32 $0x1, s2;
	s12 =	sadd.s32 $0x4800, s0;
	s7 =	sshll.u32 s13, $0x1  }
0x7: {  	s31 =	sshll.u32 s13, $0x6;
	p0 =	seq.s32 s13, $0x0;
	s13 =	smul.u32 $0x4E, s13  }
0x8: {  	_ =	strace $0x8000004A;
	s6 =	ssub.s32 $0x2, s2;
	s7 =	sor.u32 s2, s7  }
0x9: {  	s15 =	smul.u32 $0x27, s2;
	s8 =	sshrl.u32 s5, $0x3;
	s9 =	sshrl.u32 s6, $0x1  }
0xa: {  	s30 =	smul.u32 $0x27, s7;
	s14 =	sadd.s32 s5, s1;
	s10 =	smin.u32 s7, $0x2  }
0xb: {  	s7 =	simm.s32 $0x28;
	s0 =	sadd.s32 s8, s0;
	s11 =	ssub.s32 s6, s9  }
0xc: {  	s6 =	sor.u32 $0x1C03, s31;
	s7 =	simm.s32 @!p0 $0x27;
	s9 =	simm.s32 $0x27  }
0xd: {  	s13 =	sadd.s32 s13, s10;
	s14 =	sshrl.u32 s14, $0x3;
	s5 =	sadd.s32 $0x3F400, s0  }
0xe: {  	s8 =	sadd.s32 s10, s30;
	s9 =	simm.s32 @!p0 $0x26;
	s13 =	sadd.s32 s15, s13  }
0xf: {  	p0 =	seq.s32 s2, $0x1;
	s2 =	simm.s32 $0xB4A00;
	s11 =	smax.u32 s11, $0x1  }
0x10: {  	s15 =	simm.s32 $0x3;
	s8 =	sshll.u32 s8, $0x5;
	s13 =	sshll.u32 s13, $0x5  }
0x11: {  	s2 =	simm.s32 @!p0 $0x8D800;
	s8 =	sadd.s32 s12, s8;
	s13 =	sadd.s32 s13, s12  }
0x12: {  	s12 =	sadd.s32 s2, s0;
	s10 =	sadd.s32 $0x9C40, s8;
	s13 =	sadd.s32 $0x9C60, s13  }
.LBB2_1:
0x13: {  	[spmem:s14], [sflag:s6] =	dma.local [hbm:s5], $0x2710  }
0x14: {  	_ =	swait.ge [sflag:s15], $0x2710  }
0x15: {  	[sflag:s15] =	ssyncset.done $0x0  }
0x16: {  	[sflag:s15] =	ssyncadd.s32 $0xFFFFD8F0  }
0x17: {  	[bflag:$0x0] =	sbarrier.arrive $0xFFFF  }
0x18: {  	[tilespmem:s16], [sflag:$0x3] =	stream.linear.gather [hbm4b:s8+s3], $0x100, $0x38;
	[tilespmem:$0x1BC80] =	vst v63  }
0x19: {  	_ =	swait.ge [sflag:s15], $0x100  }
0x1a: {  	[sflag:s15] =	ssyncset.done $0x0  }
0x1b: {  	s0 =	simm.s32 $0x13A80;
	[sflag:s15] =	ssyncadd.s32 $0xFFFFFF00  }
0x1c: {  	[tilespmem:s0], [sflag:$0x3] =	stream.linear.gather [hbm4b:s10+s3], $0x100, $0x38;
	[tilespmem:$0x1BC80] =	vst v63  }
0x1d: {  	_ =	swait.ge [sflag:s15], $0x100  }
0x1e: {  	p1 =	sne.s32 s7, $0x1;
	[sflag:s15] =	ssyncset.done $0x0  }
.Ltmp0:
0x1f: {  	[sflag:s15] =	ssyncadd.s32 $0xFFFFFF00;
	(pc) =	sbr.rel @!p1 .LBB2_2-.Ltmp0, $4  }
0x20: {  	[tilespmem:s19], [sflag:$0x1] =	stream.indirect.gather [hbm4b:s4+s18], $0x80, s16, s18, $0xb8;
	[tilespmem:$0x1BC80] =	vst v63  }
0x21: {  	s30 =	simm.s32 $0x13900;
	s2 =	simm.s32 $0x17C80;
	s31 =	simm.s32 $0x1  }
0x22: {  	[tilespmem:s2], [sflag:$0x2] =	stream.indirect.gather [hbm4b:s4+s18], $0x80, s30, s18, $0xb8;
	[tilespmem:$0x1BC80] =	vst v63  }
0x23: {  	p0 =	sle.u32 s9, $0x0;
	p2 =	por $0x0, $0x0;
	s2 =	sand.u32 $0x1, s31  }
0x24: {  	s2 =	sshll.u32 @!p0 s2, $0x8;
	s0 =	simm.s32 @!p0 $0x0  }
0x25: {  	s26 =	sadd.s32 @!p0 $0xFFFF63C0, s13;
	s24 =	simm.s32 @!p0 $0x3;
	s25 =	sor.u32 @!p0 $0x13880, s2  }
0x26: {  	[tilespmem:s25], [sflag:$0x3] =	stream.linear.gather @!p0 [hbm4b:s26+s0], $0x100, $0x38;
	[tilespmem:$0x1BC80] =	vst v63  }
0x27: {  	_ =	swait.ge @!p0 [sflag:s24], $0x100  }
0x28: {  	[sflag:s24] =	ssyncset.done @!p0 $0x0  }
0x29: {  	p1 =	por p0, p0;
	s26 =	sor.u32 @!p0 $0x13A80, s2;
	[sflag:s24] =	ssyncadd.s32 @!p0 $0xFFFFFF00  }
0x2a: {  	[tilespmem:s26], [sflag:$0x3] =	stream.linear.gather @!p1 [hbm4b:s13+s0], $0x100, $0x38;
	[tilespmem:$0x1BC80] =	vst v63  }
0x2b: {  	_ =	swait.ge @!p1 [sflag:s24], $0x100  }
0x2c: {  	[sflag:s24] =	ssyncset.done @!p1 $0x0  }
0x2d: {  	[sflag:s24] =	ssyncadd.s32 @!p1 $0xFFFFFF00  }
0x2e: {  	_ =	swait.ge [sflag:s22], $0x4000  }
0x2f: {  	s26 =	sand.u32 $0x100, s3;
	[sflag:s22] =	ssyncset.done $0x0  }
0x30: {  	s30 =	sor.u32 $0x13A80, s26;
	[sflag:s22] =	ssyncadd.s32 $0xFFFFC000  }
0x31: {  	[spmem:s1] =	stream.indirect.scatter.add.f32 [tilespmem:s19], [sflag:$0x3], $0x80, s30, s18, $0xb8;
	[tilespmem:$0x1BC80] =	vst v63  }
0x32: {  	_ =	swait.ge [sflag:s15], $0x4000  }
0x33: {  	[sflag:s15] =	ssyncset.done $0x0  }
0x34: {  	s0 =	simm.s32 @p1 $0x2;
	[sflag:s15] =	ssyncadd.s32 $0xFFFFC000  }
0x35: {  	_ =	swait.ge @p1 [sflag:s0], $0x4000  }
0x36: {  	s28 =	simm.s32 @p1 $0x17C80;
	s29 =	simm.s32 @p1 $0x3;
	[sflag:s0] =	ssyncset.done @p1 $0x0  }
0x37: {  	s30 =	simm.s32 @p1 $0x80;
	[sflag:s0] =	ssyncadd.s32 @p1 $0xFFFFC000;
	s0 =	sadd.s32 @p1 $0x13B00, s26  }
0x38: {  	[spmem:s1] =	stream.indirect.scatter.add.f32 @p1 [tilespmem:s28], [sflag:$0x3], $0x80, s0, s30, $0xb8;
	[tilespmem:$0x1BC80] =	vst v63  }
0x39: {  	_ =	swait.ge @p1 [sflag:s29], $0x4000  }
0x3a: {  	p3 =	sne.s32 s7, $0x2;
	s30 =	simm.s32 @!p1 $0x2;
	[sflag:s29] =	ssyncset.done @p1 $0x0  }
0x3b: {  	s0 =	simm.s32 @!p1 $0x80;
	s28 =	simm.s32 @!p1 $0x13C80;
	[sflag:s29] =	ssyncadd.s32 @p1 $0xFFFFC000  }
0x3c: {  	[tilespmem:s28], [sflag:$0x1] =	stream.indirect.gather @!p1 [hbm4b:s4+s0], $0x80, s25, s0, $0xb8;
	[tilespmem:$0x1BC80] =	vst v63  }
0x3d: {  	p2 =	por $0x1, $0x1;
	s31 =	simm.s32 @!p1 $0x17C80;
	_ =	swait.ge @!p1 [sflag:s30], $0x4000  }
.Ltmp1:
0x3e: {  	s29 =	sadd.s32 @!p0 $0x13900, s2;
	[sflag:s30] =	ssyncset.done @!p1 $0x0;
	(pc) =	sbr.rel @!p3 .LBB2_5-.Ltmp1, $4  }
0x3f: {  	p0 =	sle.u32 s9, $0x1;
	s25 =	sadd.s32 @!p1 $0x13B00, s26;
	[sflag:s30] =	ssyncadd.s32 @!p1 $0xFFFFC000  }
0x40: {  	[spmem:s1] =	stream.indirect.scatter.add.f32 @!p1 [tilespmem:s31], [sflag:$0x3], $0x80, s25, s0, $0xb8;
	[tilespmem:$0x1BC80] =	vst v63  }
0x41: {  	s28 =	simm.s32 $0x2;
	s26 =	sadd.s32 $0x20, s13;
	_ =	swait.ge @!p1 [sflag:s24], $0x4000  }
0x42: {  	s2 =	sand.u32 $0x1, s28;
	s25 =	simm.s32 $0x100;
	[sflag:s24] =	ssyncset.done @!p1 $0x0  }
.LBB2_4:
0x43: {  	s2 =	sshll.u32 @!p0 s2, $0x8  }
0x44: {  	s17 =	simm.s32 @!p0 $0x0;
	[sflag:s24] =	ssyncadd.s32 @!p1 $0xFFFFC000;
	s30 =	smov.u32 s28  }
0x45: {  	[tilespmem:s31], [sflag:$0x2] =	stream.indirect.gather @!p1 [hbm4b:s4+s0], $0x80, s29, s0, $0xb8;
	[tilespmem:$0x1BC80] =	vst v63  }
0x46: {  	s24 =	simm.s32 @!p0 $0x3;
	s31 =	sor.u32 @!p0 $0x13880, s2;
	s0 =	sadd.s32 @!p0 $0xFFFF63C0, s26  }
0x47: {  	[tilespmem:s31], [sflag:$0x3] =	stream.linear.gather @!p0 [hbm4b:s0+s17], $0x100, $0x38;
	[tilespmem:$0x1BC80] =	vst v63  }
0x48: {  	s28 =	sadd.s32 $0x1, s28;
	s0 =	sor.u32 @!p0 $0x13A80, s2;
	_ =	swait.ge @!p0 [sflag:s24], $0x100  }
0x49: {  	p3 =	sne.s32 s7, s28;
	s29 =	sadd.s32 @!p0 $0x13900, s2;
	[sflag:s24] =	ssyncset.done @!p0 $0x0  }
0x4a: {  	p1 =	por p0, p0;
	[sflag:s24] =	ssyncadd.s32 @!p0 $0xFFFFFF00  }
0x4b: {  	[tilespmem:s0], [sflag:$0x3] =	stream.linear.gather @!p1 [hbm4b:s26+s17], $0x100, $0x38;
	[tilespmem:$0x1BC80] =	vst v63  }
0x4c: {  	_ =	swait.ge @!p1 [sflag:s24], $0x100  }
0x4d: {  	[sflag:s24] =	ssyncset.done @!p1 $0x0  }
0x4e: {  	[sflag:s24] =	ssyncadd.s32 @!p1 $0xFFFFFF00  }
0x4f: {  	_ =	swait.ge [sflag:s22], $0x4000  }
0x50: {  	s2 =	sand.u32 $0x100, s25;
	[sflag:s22] =	ssyncset.done $0x0  }
0x51: {  	s0 =	sor.u32 $0x13A80, s2;
	[sflag:s22] =	ssyncadd.s32 $0xFFFFC000  }
0x52: {  	[spmem:s1] =	stream.indirect.scatter.add.f32 [tilespmem:s19], [sflag:$0x3], $0x80, s0, s18, $0xb8;
	[tilespmem:$0x1BC80] =	vst v63  }
0x53: {  	_ =	swait.ge [sflag:s15], $0x4000  }
0x54: {  	[sflag:s15] =	ssyncset.done $0x0  }
0x55: {  	s0 =	simm.s32 @p1 $0x2;
	[sflag:s15] =	ssyncadd.s32 $0xFFFFC000  }
0x56: {  	_ =	swait.ge @p1 [sflag:s0], $0x4000  }
0x57: {  	s20 =	simm.s32 @p1 $0x3;
	s17 =	simm.s32 @p1 $0x17C80;
	[sflag:s0] =	ssyncset.done @p1 $0x0  }
0x58: {  	s21 =	simm.s32 @p1 $0x80;
	[sflag:s0] =	ssyncadd.s32 @p1 $0xFFFFC000;
	s0 =	sadd.s32 @p1 $0x13B00, s2  }
0x59: {  	[spmem:s1] =	stream.indirect.scatter.add.f32 @p1 [tilespmem:s17], [sflag:$0x3], $0x80, s0, s21, $0xb8;
	[tilespmem:$0x1BC80] =	vst v63  }
0x5a: {  	_ =	swait.ge @p1 [sflag:s20], $0x4000  }
0x5b: {  	s17 =	simm.s32 @!p1 $0x2;
	[sflag:s20] =	ssyncset.done @p1 $0x0  }
0x5c: {  	s0 =	simm.s32 @!p1 $0x80;
	[sflag:s20] =	ssyncadd.s32 @p1 $0xFFFFC000;
	s20 =	simm.s32 @!p1 $0x13C80  }
0x5d: {  	[tilespmem:s20], [sflag:$0x1] =	stream.indirect.gather @!p1 [hbm4b:s4+s0], $0x80, s31, s0, $0xb8;
	[tilespmem:$0x1BC80] =	vst v63  }
0x5e: {  	_ =	swait.ge @!p1 [sflag:s17], $0x4000  }
.Ltmp2:
0x5f: {  	[sflag:s17] =	ssyncset.done @!p1 $0x0;
	(pc) =	sbr.rel @p3 .LBB2_4-.Ltmp2, $4  }
0x60: {  	s2 =	sadd.s32 @!p1 $0x13B00, s2;
	s31 =	simm.s32 @!p1 $0x17C80;
	[sflag:s17] =	ssyncadd.s32 @!p1 $0xFFFFC000  }
0x61: {  	[spmem:s1] =	stream.indirect.scatter.add.f32 @!p1 [tilespmem:s31], [sflag:$0x3], $0x80, s2, s0, $0xb8;
	[tilespmem:$0x1BC80] =	vst v63  }
0x62: {  	s25 =	sadd.s32 $0x100, s25;
	s26 =	sadd.s32 $0x20, s26;
	_ =	swait.ge @!p1 [sflag:s24], $0x4000  }
0x63: {  	p0 =	sge.u32 s30, s9;
	s2 =	sand.u32 $0x1, s28;
	[sflag:s24] =	ssyncset.done @!p1 $0x0  }
.LBB2_5:
0x64: {  	p1 =	por p1, !p2  }
0x65: {  	s2 =	sshll.u32 @!p0 s2, $0x8;
	s17 =	simm.s32 @!p0 $0x0;
	[sflag:s24] =	ssyncadd.s32 @!p1 $0xFFFFC000  }
0x66: {  	[tilespmem:s31], [sflag:$0x2] =	stream.indirect.gather @!p1 [hbm4b:s4+s0], $0x80, s29, s0, $0xb8;
	[tilespmem:$0x1BC80] =	vst v63  }
0x67: {  	s20 =	sadd.s32 @!p0 $0xFFFF63C0, s26;
	s21 =	simm.s32 @!p0 $0x3;
	s0 =	sor.u32 @!p0 $0x13880, s2  }
0x68: {  	[tilespmem:s0], [sflag:$0x3] =	stream.linear.gather @!p0 [hbm4b:s20+s17], $0x100, $0x38;
	[tilespmem:$0x1BC80] =	vst v63  }
0x69: {  	_ =	swait.ge @!p0 [sflag:s21], $0x100  }
0x6a: {  	[sflag:s21] =	ssyncset.done @!p0 $0x0  }
0x6b: {  	p1 =	por p0, p0;
	s20 =	sor.u32 @!p0 $0x13A80, s2;
	[sflag:s21] =	ssyncadd.s32 @!p0 $0xFFFFFF00  }
0x6c: {  	[tilespmem:s20], [sflag:$0x3] =	stream.linear.gather @!p1 [hbm4b:s26+s17], $0x100, $0x38;
	[tilespmem:$0x1BC80] =	vst v63  }
0x6d: {  	_ =	swait.ge @!p1 [sflag:s21], $0x100  }
0x6e: {  	[sflag:s21] =	ssyncset.done @!p1 $0x0  }
0x6f: {  	[sflag:s21] =	ssyncadd.s32 @!p1 $0xFFFFFF00  }
0x70: {  	_ =	swait.ge [sflag:s22], $0x4000  }
0x71: {  	s17 =	sand.u32 $0x100, s25;
	[sflag:s22] =	ssyncset.done $0x0  }
0x72: {  	s31 =	sor.u32 $0x13A80, s17;
	[sflag:s22] =	ssyncadd.s32 $0xFFFFC000  }
0x73: {  	[spmem:s1] =	stream.indirect.scatter.add.f32 [tilespmem:s19], [sflag:$0x3], $0x80, s31, s18, $0xb8;
	[tilespmem:$0x1BC80] =	vst v63  }
0x74: {  	_ =	swait.ge [sflag:s15], $0x4000  }
0x75: {  	[sflag:s15] =	ssyncset.done $0x0  }
0x76: {  	s20 =	simm.s32 @p1 $0x2;
	[sflag:s15] =	ssyncadd.s32 $0xFFFFC000  }
0x77: {  	_ =	swait.ge @p1 [sflag:s20], $0x4000  }
0x78: {  	s24 =	simm.s32 @p1 $0x17C80;
	s25 =	simm.s32 @p1 $0x3;
	[sflag:s20] =	ssyncset.done @p1 $0x0  }
0x79: {  	s26 =	simm.s32 @p1 $0x80;
	[sflag:s20] =	ssyncadd.s32 @p1 $0xFFFFC000;
	s20 =	sadd.s32 @p1 $0x13B00, s17  }
0x7a: {  	[spmem:s1] =	stream.indirect.scatter.add.f32 @p1 [tilespmem:s24], [sflag:$0x3], $0x80, s20, s26, $0xb8;
	[tilespmem:$0x1BC80] =	vst v63  }
0x7b: {  	_ =	swait.ge @p1 [sflag:s25], $0x4000  }
0x7c: {  	s20 =	simm.s32 @!p1 $0x2;
	[sflag:s25] =	ssyncset.done @p1 $0x0  }
0x7d: {  	s24 =	simm.s32 @!p1 $0x80;
	[sflag:s25] =	ssyncadd.s32 @p1 $0xFFFFC000;
	s25 =	simm.s32 @!p1 $0x13C80  }
0x7e: {  	[tilespmem:s25], [sflag:$0x1] =	stream.indirect.gather @!p1 [hbm4b:s4+s24], $0x80, s0, s24, $0xb8;
	[tilespmem:$0x1BC80] =	vst v63  }
0x7f: {  	_ =	swait.ge @!p1 [sflag:s20], $0x4000  }
0x80: {  	[sflag:s20] =	ssyncset.done @!p1 $0x0  }
0x81: {  	s0 =	sadd.s32 @!p1 $0x13B00, s17;
	s17 =	simm.s32 @!p1 $0x17C80;
	[sflag:s20] =	ssyncadd.s32 @!p1 $0xFFFFC000  }
0x82: {  	[spmem:s1] =	stream.indirect.scatter.add.f32 @!p1 [tilespmem:s17], [sflag:$0x3], $0x80, s0, s24, $0xb8;
	[tilespmem:$0x1BC80] =	vst v63  }
0x83: {  	_ =	swait.ge @!p1 [sflag:s21], $0x4000  }
0x84: {  	[sflag:s21] =	ssyncset.done @!p1 $0x0  }
0x85: {  	s23 =	sadd.s32 $0x1, s23;
	s0 =	sadd.s32 @!p0 $0x13900, s2;
	[sflag:s21] =	ssyncadd.s32 @!p1 $0xFFFFC000  }
0x86: {  	[tilespmem:s17], [sflag:$0x2] =	stream.indirect.gather @!p1 [hbm4b:s4+s24], $0x80, s0, s24, $0xb8;
	[tilespmem:$0x1BC80] =	vst v63  }
0x87: {  	p0 =	sne.s32 s23, s11;
	[bflag:$0x0] =	sbarrier.arrive $0xFFFF  }
0x88: {  	[hbm:s12], [sflag:s6] =	dma.local [spmem:s14], $0x2710  }
.Ltmp3:
0x89: {  	_ = 	snop;
	(pc) =	sbr.rel @p0 .LBB2_1-.Ltmp3, $4  }
.Ltmp4:
0x8a: {  	_ = 	snop;
	(pc) =	sbr.rel @!p0 .LBB2_6-.Ltmp4, $4  }
0x8b: {  	_ =	swait.ge [sflag:s15], $0x2710  }
0x8c: {  	[sflag:s15] =	ssyncset.done $0x0  }
0x8d: {  	[sflag:s15] =	ssyncadd.s32 $0xFFFFD8F0  }
0x8e: {  	_ = 	snop  }
.LBB2_2:
.Ltmp5:
0x8f: {  	(pc) =	sbr.rel .LBB2_5-.Ltmp5, $2  }
0x90: {  	_ =	sdelay $0x2  }
0x91: {  	s26 =	smov.u32 s13;
	s25 =	simm.s32 $0x0  }
.LBB2_6:
0x92: {  	_ =	sfence.sel $0x180000  }
0x93: {  	[bflag:$0x0] =	sbarrier.arrive $0xFFFF  }
0x94: {  	_ =	strace $0x9000004A  }
0x95: {  	s0 =	stileid.u32;
	[bflag:$0x2] =	sbarrier.arrive $0xFFFF  }
0x96: {  	p0 =	sne.s32 s0, $0x0;
	s0 =	rddreg [dreg:$0x2]  }
0x97: {  	s0 =	sadd.s32 @!p0 $0x100000, s0  }
0x98: {  	[sflag:s0] =	ssyncadd.tile.s32 @!p0 $0x1;
	_ =	shalt  }
.Lfunc_end2:
_tile_overlayer_lowered:
.L_overlay_start_2:
0x99: {  	(tag) =	ssettag $0x2  }
0x9a: {  	s0 =	rddreg [dreg:$0x0];
	s2 =	stileid.u32  }
0x9b: {  	s1 =	rddreg [dreg:$0x1];
	p0 =	sne.s32 s2, $0x0  }
0x9c: {  	s3 =	rddreg [dreg:$0x2];
	[bflag:$0x3] =	sbarrier.arrive $0xFFFF;
	s2 =	simm.s32 @!p0 $0x1C03  }
0x9d: {  	[timem:s3], [sflag:s2] =	dma.local @!p0 [hbm:s0], s1  }
0x9e: {  	s0 =	simm.s32 @!p0 $0x3  }
0x9f: {  	_ =	swait.ge @!p0 [sflag:s0], s1  }
0xa0: {  	s1 =	ssub.s32 @!p0 $0x0, s1;
	[sflag:s0] =	ssyncset.done @!p0 $0x0  }
0xa1: {  	[sflag:s0] =	ssyncadd.s32 @!p0 s1  }
0xa2: {  	[bflag:$0x3] =	sbarrier.arrive $0xFFFF  }
0xa3: {  	_ =	shalt  }

// kernel: kernel.9.cloned.1.call-start
scs
__scs_entry_jumppad:
0x0: {  	(pc) =	sbr.rel $0x88, $3  }
0x1: {  	(tag) =	ssettag $0x0;
	lr =	simm.s32 $0x1  }
0x2: {  	[smem:$0x3F8F] =	sst lr;
	_ =	strace $0xD0000000  }
0x3: {  	_ = 	snop  }
0x4: {  	_ = 	snop  }
0x5: {  	_ = 	snop  }
0x6: {  	_ = 	snop  }
0x7: {  	_ = 	snop  }
__scs_overlays_trampoline_lowered:
0x8: {  	[smem:$0x3F9E] =	sst s0  }
0x9: {  	[smem:$0x3F9F] =	sst s1  }
0xa: {  	[smem:$0x3FA0] =	sst s2  }
0xb: {  	[smem:$0x3FA1] =	sst s3  }
0xc: {  	[smem:$0x3FA2] =	sst s4  }
0xd: {  	[smem:$0x3FA3] =	sst s5  }
0xe: {  	[smem:$0x3FA4] =	sst s6  }
0xf: {  	[smem:$0x3FA5] =	sst s7  }
0x10: {  	[smem:$0x3FA6] =	sst s8  }
0x11: {  	[smem:$0x3FA7] =	sst s9;
	s0 =	simm.s32 @!p0 $0x0  }
0x12: {  	s1 =	sld [smem:$0x3F8D];
	s0 =	simm.s32 @p0 $0x1  }
0x13: {  	[smem:$0x3FA8] =	sst s0;
	s0 =	simm.s32 @!p1 $0x0  }
0x14: {  	s2 =	sld [smem:$0x3F8C];
	s0 =	simm.s32 @p1 $0x1  }
0x15: {  	[smem:$0x3FA9] =	sst s0;
	s0 =	simm.s32 @!p2 $0x0  }
0x16: {  	s3 =	sld [smem:$0x3FDB];
	s0 =	simm.s32 @p2 $0x1  }
0x17: {  	s4 =	simm.s32 $0x1BF5;
	[smem:$0x3FAB] =	sst s0  }
0x18: {  	s0 =	sld [smem:$0x3F8E];
	_ =	swait.ge [sflag:s4], $0x0  }
0x19: {  	s7 =	sld [smem:$0x3F8F]  }
0x1a: {  	s8 =	sadd.s32 $0xFFFFE003, lr  }
0x1b: {  	s9 =	sadd.s32 $0xFFFFFEF7, lr;
	s5 =	simm.s32 $0xFFFFFFFF;
	p2 =	slt.u32 s8, $0xFFFFF086  }
0x1c: {  	p1 =	slt.u32 s9, $0xF7A;
	s5 =	simm.s32 @!p2 $0x0  }
0x1d: {  	s5 =	simm.s32 @p1 $0x1;
	p0 =	seq.s32 s7, s2  }
0x1e: {  	s7 =	smul.u32 @!p0 $0xF7A, s2;
	p2 =	seq.s32 @!p0 s5, $0x0  }
0x1f: {  	s9 =	smul.u32 $0xF7A, s1;
	s8 =	simm.s32 @!p0 $0x1BF5;
	p2 =	por !p2, p0  }
0x20: {  	[sflag:s8] =	ssyncset.s32 @!p0 $0xFFFFF086;
	s6 =	sadd.s32 @!p0 s3, s7;
	s7 =	simm.s32 @!p0 $0x108  }
0x21: {  	s3 =	sadd.s32 s3, s9;
	s6 =	sadd.s32 @!p0 $0x88, s6;
	s7 =	simm.s32 @p2 $0x1082  }
0x22: {  	[simem:s7], [sflag:s8] =	dma.local @!p0 [hbm:s6], $0xF7A  }
0x23: {  	s9 =	sor.u32 $0xD0000000, s2;
	s6 =	simm.s32 $0x108;
	_ =	swait.ge @!p0 [sflag:s8], $0x0  }
0x24: {  	s3 =	sadd.s32 $0x88, s3;
	s6 =	simm.s32 @!p1 $0x1082;
	[sflag:s4] =	ssyncset.s32 $0xFFFFF086  }
0x25: {  	[simem:s6], [sflag:s4] =	dma.local [hbm:s3], $0xF7A  }
0x26: {  	[smem:$0x3F8F] =	sst s1;
	(tag) =	ssettag s2;
	_ =	strace s9  }
0x27: {  	s1 =	sld [smem:$0x3F9F]  }
0x28: {  	s2 =	sld [smem:$0x3FA0]  }
0x29: {  	s4 =	sld [smem:$0x3FA2]  }
0x2a: {  	p0 =	seq.s32 s5, $0x0;
	s5 =	sld [smem:$0x3FA3]  }
0x2b: {  	s6 =	sld [smem:$0x3FA4]  }
0x2c: {  	s7 =	sld [smem:$0x3FA5]  }
0x2d: {  	s3 =	simm.s32 $0x108;
	s8 =	sld [smem:$0x3FA6]  }
0x2e: {  	s3 =	simm.s32 @!p0 $0x1082;
	s9 =	sld [smem:$0x3FA7]  }
0x2f: {  	lr =	sadd.s32 s0, s3;
	s0 =	sld [smem:$0x3F9E]  }
0x30: {  	s3 =	sld [smem:$0x3FA1]  }
0x31: {  	[smem:$0x3FAA] =	sst s10  }
0x32: {  	s10 =	sld [smem:$0x3FA8];
	_ =	sdelay $0x3  }
0x33: {  	p0 =	seq.s32 s10, $0x1;
	s10 =	sld [smem:$0x3FAA];
	_ =	sdelay $0x3  }
0x34: {  	[smem:$0x3FAA] =	sst s10  }
0x35: {  	s10 =	sld [smem:$0x3FA9];
	_ =	sdelay $0x3  }
0x36: {  	p1 =	seq.s32 s10, $0x1;
	s10 =	sld [smem:$0x3FAA];
	_ =	sdelay $0x3  }
0x37: {  	[smem:$0x3FAA] =	sst s10  }
0x38: {  	s10 =	sld [smem:$0x3FAB]  }
0x39: {  	_ = 	snop;
	(pc) =	sbr.ind lr, $3  }
0x3a: {  	_ = 	snop  }
0x3b: {  	_ = 	snop  }
0x3c: {  	p2 =	seq.s32 s10, $0x1;
	s10 =	sld [smem:$0x3FAA]  }
0x3d: {  	_ =	shalt  }
0x3e: {  	_ =	shalt  }
0x3f: {  	_ =	shalt  }
0x40: {  	_ =	shalt  }
0x41: {  	_ =	shalt  }
0x42: {  	_ =	shalt  }
0x43: {  	_ =	shalt  }
0x44: {  	_ =	shalt  }
0x45: {  	_ =	shalt  }
0x46: {  	_ =	shalt  }
0x47: {  	_ =	shalt  }
0x48: {  	_ =	shalt  }
0x49: {  	_ =	shalt  }
0x4a: {  	_ =	shalt  }
0x4b: {  	_ =	shalt  }
0x4c: {  	_ =	shalt  }
0x4d: {  	_ =	shalt  }
0x4e: {  	_ =	shalt  }
0x4f: {  	_ =	shalt  }
0x50: {  	_ =	shalt  }
0x51: {  	_ =	shalt  }
0x52: {  	_ =	shalt  }
0x53: {  	_ =	shalt  }
0x54: {  	_ =	shalt  }
0x55: {  	_ =	shalt  }
0x56: {  	_ =	shalt  }
0x57: {  	_ =	shalt  }
0x58: {  	_ =	shalt  }
0x59: {  	_ =	shalt  }
0x5a: {  	_ =	shalt  }
0x5b: {  	_ =	shalt  }
0x5c: {  	_ =	shalt  }
0x5d: {  	_ =	shalt  }
0x5e: {  	_ =	shalt  }
0x5f: {  	_ =	shalt  }
0x60: {  	_ =	shalt  }
0x61: {  	_ =	shalt  }
0x62: {  	_ =	shalt  }
0x63: {  	_ =	shalt  }
0x64: {  	_ =	shalt  }
0x65: {  	_ =	shalt  }
0x66: {  	_ =	shalt  }
0x67: {  	_ =	shalt  }
0x68: {  	_ =	shalt  }
0x69: {  	_ =	shalt  }
0x6a: {  	_ =	shalt  }
0x6b: {  	_ =	shalt  }
0x6c: {  	_ =	shalt  }
0x6d: {  	_ =	shalt  }
0x6e: {  	_ =	shalt  }
0x6f: {  	_ =	shalt  }
0x70: {  	_ =	shalt  }
0x71: {  	_ =	shalt  }
0x72: {  	_ =	shalt  }
0x73: {  	_ =	shalt  }
0x74: {  	_ =	shalt  }
0x75: {  	_ =	shalt  }
0x76: {  	_ =	shalt  }
0x77: {  	_ =	shalt  }
0x78: {  	_ =	shalt  }
0x79: {  	_ =	shalt  }
0x7a: {  	_ =	shalt  }
0x7b: {  	_ =	shalt  }
0x7c: {  	_ =	shalt  }
0x7d: {  	_ =	shalt  }
0x7e: {  	_ =	shalt  }
0x7f: {  	_ =	shalt  }
0x80: {  	_ =	shalt  }
0x81: {  	_ =	shalt  }
0x82: {  	_ =	shalt  }
0x83: {  	_ =	shalt  }
0x84: {  	_ =	shalt  }
0x85: {  	_ =	shalt  }
0x86: {  	_ =	shalt  }
0x87: {  	_ =	shalt  }
.Lfunc_end0:
.L_simem_size_0:
called_computation_lowered:
.L_overlay_start_0:
0x88: {  	s2 =	sld [smem:$0x3FD9]  }
0x89: {  	s3 =	sld [smem:$0x3FFE];
	_ =	sdelay $0x1  }
0x8a: {  	s1 =	srdreg.scid  }
0x8b: {  	s0 =	sand.u32 $0x1, s1  }
0x8c: {  	s17 =	sshll.u32 s0, $0xA;
	s2 =	sadd.s32 s3, s2  }
0x8d: {  	s2 =	sadd.s32 s2, s17  }
0x8e: {  	[smem:$0x3FB6] =	sst s2  }
0x8f: {  	_ = 	snop  }
0x90: {  	s2 =	sld [smem:$0x3FD0];
	(tm) =	ssettm $0x1  }
0x91: {  	s18 =	sld [smem:$0x3FFB];
	_ =	sdelay $0x3  }
0x92: {  	_ =	strace s18  }
0x93: {  	s3 =	sld [smem:$0x3FFC];
	_ =	sdelay $0x3  }
0x94: {  	_ =	strace s3  }
0x95: {  	s3 =	sld [smem:$0x3FFD];
	_ =	sdelay $0x3  }
0x96: {  	_ =	strace s3  }
0x97: {  	_ =	strace $0x8FFFFFFF  }
0x98: {  	s19 =	sld [smem:$0x3FDB];
	_ =	sdelay $0x1  }
0x99: {  	s4 =	simm.s32 $_scs_section_size  }
0x9a: {  	s5 =	simm.s32 $_size__tile_overlayer_lowered;
	s6 =	simm.s32 $_tile_overlayer_lowered  }
0x9b: {  	s22 =	simm.s32 $0x1BFF;
	s21 =	sshll.u32 s6, $0x1;
	s3 =	sadd.s32 s4, s19  }
0x9c: {  	s7 =	simm.s32 $0x0;
	s20 =	sshll.u32 s5, $0x1;
	s5 =	sadd.s32 s21, s3  }
0x9d: {  	[timem:s7], [sflag:s22] =	dma.local [hbm:s5], s20  }
0x9e: {  	_ =	swait.ge [sflag:s22], s20  }
0x9f: {  	s4 =	ssub.s32 $0x0, s20;
	[sflag:s22] =	ssyncset.done $0x0  }
0xa0: {  	[sflag:s22] =	ssyncadd.s32 s4;
	_ =	sdelay $0x1  }
0xa1: {  	s23 =	simm.s32 $0x1B8B  }
0xa2: {  	_ =	swait.ge [sflag:s23], $0x1  }
0xa3: {  	[sflag:s23] =	ssyncset.done $0x0  }
0xa4: {  	s25 =	simm.s32 $0x1B8E;
	s24 =	sld [smem:$0x3FFE];
	[sflag:s23] =	ssyncadd.s32 $0xFFFFFFFF  }
0xa5: {  	s26 =	simm.s32 $execute0_lowered;
	[smem:$0x3FD2] =	sst s25  }
0xa6: {  	s5 =	sshll.u32 s26, $0x1;
	_ =	strace $0x80000046;
	[dreg:$0x1] =	wrdreg $0xFFFFFFFF  }
0xa7: {  	s28 =	simm.s32 $_size_execute0_lowered;
	s3 =	sadd.s32 s3, s5;
	[dreg:$0x0] =	wrdreg $0x0  }
0xa8: {  	s5 =	sshll.u32 s28, $0x1;
	[dreg:$0x2] =	wrdreg s3  }
0xa9: {  	[dreg:$0x3] =	wrdreg s5  }
0xaa: {  	[dreg:$0x4] =	wrdreg $0xC0  }
0xab: {  	_ =	task [dreg:s7], $0x5FFFF  }
0xac: {  	[dreg:$0x1] =	wrdreg $0xFFFFFFFF  }
0xad: {  	[dreg:$0x0] =	wrdreg $0x60  }
0xae: {  	[dreg:$0x2] =	wrdreg s24  }
0xaf: {  	[dreg:$0x3] =	wrdreg s2  }
0xb0: {  	[dreg:$0x4] =	wrdreg $0x0  }
0xb1: {  	[dreg:$0x5] =	wrdreg $0x138800  }
0xb2: {  	[dreg:$0x6] =	wrdreg $0x9  }
0xb3: {  	_ =	task.clear_ibuf [dreg:s7], $0x7FFFF;
	_ =	strace $0x90000046  }
0xb4: {  	s29 =	simm.s32 $0x9;
	_ =	strace $0x80000048  }
0xb5: {  	_ =	swait.ge [sflag:s29], $0x1  }
0xb6: {  	[sflag:s29] =	ssyncadd.s32 $0xFFFFFFFF  }
0xb7: {  	_ =	strace $0x90000048  }
0xb8: {  	_ =	sfence  }
0xb9: {  	s30 =	sld [smem:$0x0];
	_ =	sdelay $0x2  }
0xba: {  	s31 =	sshll.u32 s1, $0xD;
	s1 =	sshrl.u32 s1, $0x2  }
0xbb: {  	s3 =	sand.u32 $0x4000, s31;
	s1 =	sadd.s32 s1, s30  }
0xbc: {  	s0 =	sor.u32 s3, s0;
	s1 =	sshll.u32 s1, $0x11  }
0xbd: {  	s0 =	sor.u32 s1, s0  }
0xbe: {  	s0 =	sadd.s32 $0x8F2B, s0  }
0xbf: {  	[sflag:s0] =	ssyncadd.remote.s32 $0x1  }
0xc0: {  	_ =	sfence.sel $0xFFFF  }
0xc1: {  	[dreg:$0x0] =	wrdreg $0xFFFFFFFF;
	(pc) =	sbr.abs _section_cstart, $3  }
0xc2: {  	[dreg:$0x1] =	wrdreg $0xFFFFFFFF  }
0xc3: {  	_ =	task.clear_ibuf [dreg:s7], $0x2FFFF;
	_ =	strace $0x9FFFFFFF  }
0xc4: {  	(tm) =	ssettm $0x7FFFFFFF  }
0xc5: {  	_ =	shalt  }
tec
execute0_lowered:
.L_overlay_start_1:
0x0: {  	(tag) =	ssettag $0x1  }
0x1: {  	s0 =	rddreg [dreg:$0x0]  }
0x2: {  	s1 =	rddreg [dreg:$0x1]  }
0x3: {  	s2 =	rddreg [dreg:$0x2]  }
0x4: {  	s3 =	rddreg [dreg:$0x3]  }
0x5: {  	s14 =	stileid.u32;
	s4 =	simm.s32 $0x0;
	s10 =	srdreg.scid  }
0x6: {  	s28 =	simm.s32 $0x1A390;
	s29 =	simm.s32 $0x1;
	s30 =	simm.s32 $0x2  }
0x7: {  	s31 =	simm.s32 $0x0;
	s6 =	smul.u32 $0x13880, s14;
	[smem:$0x7FF] =	sst s4  }
0x8: {  	s5 =	sadd.s32 $0x18200, s0;
	s8 =	sadd.s32 $0x4800, s0;
	s11 =	sadd.s32 $0x66600, s0  }
0x9: {  	s17 =	sadd.s32 $0x70800, s0;
	s13 =	sand.u32 $0x1, s10;
	s18 =	sadd.s32 $0x97A00, s0  }
0xa: {  	s19 =	sadd.s32 $0x6B800, s0;
	s12 =	sshll.u32 s14, $0x1;
	s21 =	sshll.u32 s14, $0x6  }
0xb: {  	p0 =	seq.s32 s14, $0x0;
	_ =	strace $0x80000047;
	[dreg:$0x5] =	wrdreg s11  }
0xc: {  	s10 =	ssub.s32 $0x2, s13;
	s26 =	sor.u32 s13, s12;
	s11 =	simm.s32 $0x28  }
0xd: {  	s12 =	simm.s32 $0x27;
	s7 =	sshrl.u32 s6, $0x3;
	s25 =	sshrl.u32 s10, $0x1  }
0xe: {  	s6 =	sadd.s32 s6, s2;
	s23 =	smul.u32 $0x27, s26;
	s15 =	smin.u32 s26, $0x2  }
0xf: {  	s11 =	simm.s32 @!p0 $0x27;
	s12 =	simm.s32 @!p0 $0x26;
	p0 =	seq.s32 s13, $0x1  }
0x10: {  	s9 =	sadd.s32 s7, s0;
	s0 =	sadd.s32 $0x66800, s0;
	s16 =	ssub.s32 s10, s25  }
0x11: {  	s10 =	smul.u32 $0x2710, s14;
	[dreg:$0x6] =	wrdreg s6;
	s17 =	smov.u32 @p0 s18  }
0x12: {  	s20 =	sadd.s32 $0x3F400, s9;
	s9 =	sor.u32 $0x1C03, s21;
	s6 =	sadd.s32 s15, s23  }
0x13: {  	s21 =	smul.u32 $0x4E, s14;
	s25 =	smax.u32 s16, $0x1;
	s19 =	smov.u32 @p0 s0  }
0x14: {  	s17 =	sadd.s32 s17, s7;
	[dreg:$0x7] =	wrdreg s20;
	s22 =	sadd.s32 s10, s3  }
0x15: {  	s20 =	sshrl.u32 s10, $0x3;
	s6 =	sshll.u32 s6, $0x5;
	[dreg:$0xb] =	wrdreg s25  }
0x16: {  	s25 =	simm.s32 $0x16390;
	[dreg:$0x8] =	wrdreg s22;
	s22 =	smul.u32 $0x27, s13  }
0x17: {  	s1 =	sadd.s32 s1, s20;
	s14 =	sadd.s32 s8, s6;
	s24 =	sadd.s32 s21, s15  }
0x18: {  	s18 =	sadd.s32 s19, s20;
	[dreg:$0x9] =	wrdreg s1;
	s1 =	sadd.s32 s22, s24  }
0x19: {  	s20 =	simm.s32 $0x3;
	s6 =	sadd.s32 $0x9C40, s14;
	s26 =	sshll.u32 s1, $0x5  }
0x1a: {  	s21 =	simm.s32 $0x1E390;
	[dreg:$0xa] =	wrdreg s6;
	s0 =	sadd.s32 s26, s8  }
0x1b: {  	s22 =	simm.s32 $0x15F90;
	s24 =	simm.s32 $0x80;
	s26 =	sadd.s32 $0x9C60, s0  }
.LBB2_1:
0x1c: {  	s0 =	rddreg [dreg:$0x6]  }
0x1d: {  	s1 =	rddreg [dreg:$0x7];
	s0 =	sshrl.u32 s0, $0x3  }
0x1e: {  	[spmem:s0], [sflag:s9] =	dma.local [hbm:s1], $0x2710  }
0x1f: {  	_ =	swait.ge [sflag:s20], $0x2710  }
0x20: {  	[sflag:s20] =	ssyncset.done $0x0;
	s7 =	rddreg [dreg:$0x8]  }
0x21: {  	s6 =	rddreg [dreg:$0x9];
	[sflag:s20] =	ssyncadd.s32 $0xFFFFD8F0;
	s1 =	sshrl.u32 s7, $0x3  }
0x22: {  	[spmem:s1], [sflag:s9] =	dma.local [hbm:s6], $0x4E2  }
0x23: {  	_ =	swait.ge [sflag:s20], $0x4E2  }
0x24: {  	[sflag:s20] =	ssyncset.done $0x0  }
0x25: {  	s8 =	rddreg [dreg:$0x5];
	[sflag:s20] =	ssyncadd.s32 $0xFFFFFB1E  }
0x26: {  	[tilespmem:s21], [sflag:$0x3] =	stream.linear.gather [hbm4b:s8+s4], $0x800, $0x38;
	[tilespmem:$0x1EB90] =	vst v63  }
0x27: {  	_ =	swait.ge [sflag:s20], $0x800  }
0x28: {  	[sflag:s20] =	ssyncset.done $0x0  }
0x29: {  	[sflag:s20] =	ssyncadd.s32 $0xFFFFF800  }
0x2a: {  	[bflag:$0x0] =	sbarrier.arrive $0xFFFF  }
0x2b: {  	[tilespmem:s22], [sflag:$0x3] =	stream.linear.gather [hbm4b:s14+s4], $0x100, $0x38;
	[tilespmem:$0x1EB90] =	vst v63  }
0x2c: {  	_ =	swait.ge [sflag:s20], $0x100  }
0x2d: {  	[sflag:s20] =	ssyncset.done $0x0  }
0x2e: {  	s7 =	simm.s32 $0x16190;
	s10 =	rddreg [dreg:$0xa];
	[sflag:s20] =	ssyncadd.s32 $0xFFFFFF00  }
0x2f: {  	[tilespmem:s7], [sflag:$0x3] =	stream.linear.gather [hbm4b:s10+s4], $0x100, $0x38;
	[tilespmem:$0x1EB90] =	vst v63  }
0x30: {  	s23 =	simm.s32 $0x1;
	_ =	swait.ge [sflag:s20], $0x100  }
0x31: {  	p1 =	sle.u32 s12, $0x0;
	s6 =	sand.u32 $0x1, s23;
	[sflag:s20] =	ssyncset.done $0x0  }
0x32: {  	s6 =	sshll.u32 @!p1 s6, $0x8;
	[sflag:s20] =	ssyncadd.s32 $0xFFFFFF00  }
0x33: {  	[tilespmem:s25], [sflag:$0x1] =	stream.indirect.gather [hbm4b:s5+s24], $0x80, s22, s24, $0xb8;
	[tilespmem:$0x1EB90] =	vst v63  }
0x34: {  	s13 =	simm.s32 $0x16010;
	s19 =	sadd.s32 @!p1 $0x15F90, s6  }
0x35: {  	[tilespmem:s28], [sflag:$0x2] =	stream.indirect.gather [hbm4b:s5+s24], $0x80, s13, s24, $0xb8;
	[tilespmem:$0x1EB90] =	vst v63  }
0x36: {  	s8 =	sadd.s32 @!p1 $0xFFFF63C0, s26;
	s7 =	simm.s32 @!p1 $0x3;
	s10 =	simm.s32 @!p1 $0x0  }
0x37: {  	[tilespmem:s19], [sflag:$0x3] =	stream.linear.gather @!p1 [hbm4b:s8+s10], $0x100, $0x38;
	[tilespmem:$0x1EB90] =	vst v63  }
0x38: {  	_ =	swait.ge @!p1 [sflag:s7], $0x100  }
0x39: {  	p0 =	por p1, p1;
	[sflag:s7] =	ssyncset.done @!p1 $0x0  }
0x3a: {  	s8 =	sadd.s32 @!p1 $0x16190, s6;
	[sflag:s7] =	ssyncadd.s32 @!p0 $0xFFFFFF00  }
0x3b: {  	[tilespmem:s8], [sflag:$0x3] =	stream.linear.gather @!p0 [hbm4b:s26+s10], $0x100, $0x38;
	[tilespmem:$0x1EB90] =	vst v63  }
0x3c: {  	_ =	swait.ge @!p0 [sflag:s7], $0x100  }
0x3d: {  	[sflag:s7] =	ssyncset.done @!p0 $0x0  }
0x3e: {  	[sflag:s7] =	ssyncadd.s32 @!p0 $0xFFFFFF00  }
0x3f: {  	_ =	swait.ge [sflag:s29], $0x4000  }
0x40: {  	s15 =	sand.u32 $0x100, s4;
	[sflag:s29] =	ssyncset.done $0x0  }
0x41: {  	s16 =	sadd.s32 $0x16190, s15;
	[sflag:s29] =	ssyncadd.s32 $0xFFFFC000  }
0x42: {  	[spmem:s2] =	stream.indirect.scatter.add.f32 [tilespmem:s25], [sflag:$0x3], $0x80, s16, s24, $0xb8;
	[tilespmem:$0x1EB90] =	vst v63  }
0x43: {  	_ =	swait.ge [sflag:s20], $0x4000  }
0x44: {  	[sflag:s20] =	ssyncset.done $0x0  }
0x45: {  	[sflag:s20] =	ssyncadd.s32 $0xFFFFC000  }
0x46: {  	[spmem:s3] =	stream.indirect.scatter.add.f32 [tilespmem:s21], [sflag:$0x3], $0x10, s16, s24, $0xb8;
	[tilespmem:$0x1EB90] =	vst v63  }
0x47: {  	_ =	swait.ge [sflag:s20], $0x800  }
0x48: {  	[sflag:s20] =	ssyncset.done $0x0  }
0x49: {  	s8 =	simm.s32 @!p0 $0x80;
	s10 =	simm.s32 @!p0 $0x16390;
	[sflag:s20] =	ssyncadd.s32 $0xFFFFF800  }
0x4a: {  	[tilespmem:s10], [sflag:$0x1] =	stream.indirect.gather @!p0 [hbm4b:s5+s8], $0x80, s19, s8, $0xb8;
	[tilespmem:$0x1EB90] =	vst v63  }
0x4b: {  	_ =	swait.ge [sflag:s30], $0x4000  }
0x4c: {  	[sflag:s30] =	ssyncset.done $0x0  }
0x4d: {  	p2 =	sne.s32 s11, $0x1;
	s7 =	sadd.s32 $0x16210, s15;
	[sflag:s30] =	ssyncadd.s32 $0xFFFFC000  }
0x4e: {  	[spmem:s2] =	stream.indirect.scatter.add.f32 [tilespmem:s28], [sflag:$0x3], $0x80, s7, s24, $0xb8;
	[tilespmem:$0x1EB90] =	vst v63  }
.Ltmp0:
0x4f: {  	_ =	swait.ge [sflag:s20], $0x4000;
	(pc) =	sbr.rel @!p2 .LBB2_3-.Ltmp0, $4  }
0x50: {  	[sflag:s20] =	ssyncset.done $0x0  }
0x51: {  	s19 =	smov.u32 s26;
	[sflag:s20] =	ssyncadd.s32 $0xFFFFC000  }
0x52: {  	[spmem:s3] =	stream.indirect.scatter.add.f32 [tilespmem:s21], [sflag:$0x3], $0x10, s7, s24, $0xb8;
	[tilespmem:$0x1EB90] =	vst v63  }
0x53: {  	s7 =	sor.u32 @!p1 $0x16010, s6;
	s6 =	simm.s32 $0x0;
	_ =	swait.ge [sflag:s20], $0x800  }
.LBB2_2:
0x54: {  	[sflag:s20] =	ssyncset.done $0x0  }
0x55: {  	s10 =	simm.s32 @!p0 $0x1A390;
	s13 =	smov.u32 s23;
	s23 =	sadd.s32 $0x1, s23  }
0x56: {  	s15 =	sand.u32 $0x1, s23;
	p2 =	sge.u32 s13, s12;
	[sflag:s20] =	ssyncadd.s32 $0xFFFFF800  }
0x57: {  	s19 =	sadd.s32 $0x20, s19;
	s13 =	sshll.u32 @!p2 s15, $0x8;
	s15 =	simm.s32 @!p2 $0x3  }
0x58: {  	[tilespmem:s10], [sflag:$0x2] =	stream.indirect.gather @!p0 [hbm4b:s5+s8], $0x80, s7, s8, $0xb8;
	[tilespmem:$0x1EB90] =	vst v63  }
0x59: {  	s10 =	sadd.s32 @!p2 $0x15F90, s13;
	s7 =	sadd.s32 @!p2 $0xFFFF63C0, s19;
	s8 =	simm.s32 @!p2 $0x0  }
0x5a: {  	[tilespmem:s10], [sflag:$0x3] =	stream.linear.gather @!p2 [hbm4b:s7+s8], $0x100, $0x38;
	[tilespmem:$0x1EB90] =	vst v63  }
0x5b: {  	s16 =	sadd.s32 @!p2 $0x16190, s13;
	s7 =	sor.u32 @!p2 $0x16010, s13;
	_ =	swait.ge @!p2 [sflag:s15], $0x100  }
0x5c: {  	p1 =	sne.s32 s11, s23;
	p0 =	por p2, p2;
	[sflag:s15] =	ssyncset.done @!p2 $0x0  }
0x5d: {  	[sflag:s15] =	ssyncadd.s32 @!p0 $0xFFFFFF00  }
0x5e: {  	[tilespmem:s16], [sflag:$0x3] =	stream.linear.gather @!p0 [hbm4b:s19+s8], $0x100, $0x38;
	[tilespmem:$0x1EB90] =	vst v63  }
0x5f: {  	_ =	swait.ge @!p0 [sflag:s15], $0x100  }
0x60: {  	[sflag:s15] =	ssyncset.done @!p0 $0x0  }
0x61: {  	s6 =	sadd.s32 $0x100, s6;
	[sflag:s15] =	ssyncadd.s32 @!p0 $0xFFFFFF00  }
0x62: {  	_ =	swait.ge [sflag:s29], $0x4000  }
0x63: {  	s13 =	sand.u32 $0x100, s6;
	[sflag:s29] =	ssyncset.done $0x0  }
0x64: {  	s8 =	sadd.s32 $0x16190, s13;
	[sflag:s29] =	ssyncadd.s32 $0xFFFFC000  }
0x65: {  	[spmem:s2] =	stream.indirect.scatter.add.f32 [tilespmem:s25], [sflag:$0x3], $0x80, s8, s24, $0xb8;
	[tilespmem:$0x1EB90] =	vst v63  }
0x66: {  	_ =	swait.ge [sflag:s20], $0x4000  }
0x67: {  	[sflag:s20] =	ssyncset.done $0x0  }
0x68: {  	[sflag:s20] =	ssyncadd.s32 $0xFFFFC000  }
0x69: {  	[spmem:s3] =	stream.indirect.scatter.add.f32 [tilespmem:s21], [sflag:$0x3], $0x10, s8, s24, $0xb8;
	[tilespmem:$0x1EB90] =	vst v63  }
0x6a: {  	_ =	swait.ge [sflag:s20], $0x800  }
0x6b: {  	[sflag:s20] =	ssyncset.done $0x0  }
0x6c: {  	s15 =	simm.s32 @!p0 $0x16390;
	s8 =	simm.s32 @!p0 $0x80;
	[sflag:s20] =	ssyncadd.s32 $0xFFFFF800  }
0x6d: {  	[tilespmem:s15], [sflag:$0x1] =	stream.indirect.gather @!p0 [hbm4b:s5+s8], $0x80, s10, s8, $0xb8;
	[tilespmem:$0x1EB90] =	vst v63  }
0x6e: {  	_ =	swait.ge [sflag:s30], $0x4000  }
0x6f: {  	[sflag:s30] =	ssyncset.done $0x0  }
0x70: {  	s10 =	sadd.s32 $0x16210, s13;
	[sflag:s30] =	ssyncadd.s32 $0xFFFFC000  }
0x71: {  	[spmem:s2] =	stream.indirect.scatter.add.f32 [tilespmem:s28], [sflag:$0x3], $0x80, s10, s24, $0xb8;
	[tilespmem:$0x1EB90] =	vst v63  }
.Ltmp1:
0x72: {  	_ =	swait.ge [sflag:s20], $0x4000;
	(pc) =	sbr.rel @p1 .LBB2_2-.Ltmp1, $4  }
0x73: {  	[sflag:s20] =	ssyncset.done $0x0  }
0x74: {  	[sflag:s20] =	ssyncadd.s32 $0xFFFFC000  }
0x75: {  	[spmem:s3] =	stream.indirect.scatter.add.f32 [tilespmem:s21], [sflag:$0x3], $0x10, s10, s24, $0xb8;
	[tilespmem:$0x1EB90] =	vst v63  }
0x76: {  	_ =	swait.ge [sflag:s20], $0x800  }
.LBB2_3:
0x77: {  	[sflag:s20] =	ssyncset.done $0x0  }
0x78: {  	s6 =	simm.s32 @!p0 $0x1A390;
	[sflag:s20] =	ssyncadd.s32 $0xFFFFF800  }
0x79: {  	[tilespmem:s6], [sflag:$0x2] =	stream.indirect.gather @!p0 [hbm4b:s5+s8], $0x80, s7, s8, $0xb8;
	[tilespmem:$0x1EB90] =	vst v63  }
0x7a: {  	[bflag:$0x0] =	sbarrier.arrive $0xFFFF  }
0x7b: {  	[hbm:s17], [sflag:s9] =	dma.local [spmem:s0], $0x2710  }
0x7c: {  	_ =	swait.ge [sflag:s20], $0x2710  }
0x7d: {  	[sflag:s20] =	ssyncset.done $0x0  }
0x7e: {  	[sflag:s20] =	ssyncadd.s32 $0xFFFFD8F0  }
0x7f: {  	[hbm:s18], [sflag:s9] =	dma.local [spmem:s1], $0x4E2  }
0x80: {  	_ =	swait.ge [sflag:s20], $0x4E2  }
0x81: {  	s31 =	sadd.s32 $0x1, s31;
	s23 =	rddreg [dreg:$0xb]  }
0x82: {  	p0 =	sne.s32 s31, s23  }
.Ltmp2:
0x83: {  	_ = 	snop;
	(pc) =	sbr.rel @p0 .LBB2_1-.Ltmp2, $3  }
0x84: {  	_ =	sdelay $0x1  }
0x85: {  	[sflag:s20] =	ssyncset.done $0x0  }
0x86: {  	[sflag:s20] =	ssyncadd.s32 $0xFFFFFB1E  }
0x87: {  	_ =	sfence.sel $0x180000  }
0x88: {  	[bflag:$0x0] =	sbarrier.arrive $0xFFFF  }
0x89: {  	_ =	strace $0x90000047  }
0x8a: {  	s0 =	stileid.u32;
	[bflag:$0x2] =	sbarrier.arrive $0xFFFF  }
0x8b: {  	p0 =	sne.s32 s0, $0x0;
	s0 =	rddreg [dreg:$0x4]  }
0x8c: {  	s0 =	sadd.s32 @!p0 $0x100000, s0  }
0x8d: {  	[sflag:s0] =	ssyncadd.tile.s32 @!p0 $0x1;
	_ =	shalt  }
.Lfunc_end2:
_tile_overlayer_lowered:
.L_overlay_start_2:
0x8e: {  	(tag) =	ssettag $0x2  }
0x8f: {  	s0 =	rddreg [dreg:$0x0];
	s2 =	stileid.u32  }
0x90: {  	s1 =	rddreg [dreg:$0x1];
	p0 =	sne.s32 s2, $0x0  }
0x91: {  	s3 =	rddreg [dreg:$0x2];
	[bflag:$0x3] =	sbarrier.arrive $0xFFFF;
	s2 =	simm.s32 @!p0 $0x1C03  }
0x92: {  	[timem:s3], [sflag:s2] =	dma.local @!p0 [hbm:s0], s1  }
0x93: {  	s0 =	simm.s32 @!p0 $0x3  }
0x94: {  	_ =	swait.ge @!p0 [sflag:s0], s1  }
0x95: {  	s1 =	ssub.s32 @!p0 $0x0, s1;
	[sflag:s0] =	ssyncset.done @!p0 $0x0  }
0x96: {  	[sflag:s0] =	ssyncadd.s32 @!p0 s1  }
0x97: {  	[bflag:$0x3] =	sbarrier.arrive $0xFFFF  }
0x98: {  	_ =	shalt  }

</sc_bundles>
